<compile_context>
chip_gen: v7x
topology: tpu7x:2x2x1
jax: 0.10.2.dev20260603
libtpu: 0.0.44.dev20260713+nightly
codegen_flags: <defaults>
</compile_context>

<pallas_src>
import jax
import jax.numpy as jnp
from jax import lax
from jax.experimental import pallas as pl
from jax.experimental.pallas import tpu as pltpu
from jax.experimental.pallas import tpu_sc as plsc

E = 8
D = 1024
FF = 512
T = 2048
BLOCK = 256
NBMAX = (2 * T) // BLOCK + E - 1
P = NBMAX * BLOCK
NC = 2
NS = 16
NW = NC * NS
TPW = T // NW
BE_LEN = 48



def _dispatch_body(logits_ref, d0_ref, d1_ref, w0_ref, w1_ref, be_ref):
    logits = logits_ref[...].astype(jnp.float32)
    sub = lax.broadcasted_iota(jnp.int32, (E, T), 0)
    probs = jax.nn.softmax(logits, axis=0)
    m1 = jnp.max(probs, axis=0, keepdims=True)
    i1 = jnp.min(jnp.where(probs == m1, sub, E), axis=0, keepdims=True)
    probs2 = jnp.where(sub == i1, -1.0, probs)
    m2 = jnp.max(probs2, axis=0, keepdims=True)
    i2 = jnp.min(jnp.where(probs2 == m2, sub, E), axis=0, keepdims=True)
    s = m1 + m2
    w0_ref[...] = (m1 / s).reshape(T)
    w1_ref[...] = (m2 / s).reshape(T)

    mmat = ((sub == i1) | (sub == i2)).astype(jnp.int32)
    counts = jnp.sum(mmat, axis=1, keepdims=True)
    nb = (counts + (BLOCK - 1)) >> 8

    cum = nb
    for sh in (1, 2, 4):
        cum = cum + jnp.concatenate(
            [jnp.zeros((sh, 1), jnp.int32), cum[: E - sh, :]], axis=0)
    starts = cum - nb
    row_starts = starts * BLOCK

    inc = mmat
    sh = 1
    while sh < T:
        inc = inc + jnp.concatenate(
            [jnp.zeros((E, sh), jnp.int32), inc[:, : T - sh]], axis=1)
        sh *= 2
    prior = inc - mmat
    slot = prior + row_starts
    d0_ref[...] = jnp.sum(jnp.where(sub == i1, slot, 0), axis=0).reshape(T)
    d1_ref[...] = jnp.sum(jnp.where(sub == i2, slot, 0), axis=0).reshape(T)

    sub8 = lax.broadcasted_iota(jnp.int32, (E, 1), 0)
    b_iota = lax.broadcasted_iota(jnp.int32, (1, BE_LEN), 1)
    cnt = jnp.zeros((1, BE_LEN), jnp.int32)
    for e in range(E):
        s_e = jnp.sum(jnp.where(sub8 == e, starts, 0))
        cnt = cnt + (s_e <= b_iota).astype(jnp.int32)
    nbt = jnp.sum(nb)
    be_ref[...] = jnp.where(b_iota == BE_LEN - 1, nbt, cnt - 1).reshape(BE_LEN)


def _dispatch(logits_t):
    return pl.pallas_call(
        _dispatch_body,
        out_shape=(
            jax.ShapeDtypeStruct((T,), jnp.int32),
            jax.ShapeDtypeStruct((T,), jnp.int32),
            jax.ShapeDtypeStruct((T,), jnp.float32),
            jax.ShapeDtypeStruct((T,), jnp.float32),
            jax.ShapeDtypeStruct((BE_LEN,), jnp.int32),
        ),
    )(logits_t)



HPW = TPW // 2


def _scatter_body(x_hbm, d0_hbm, d1_hbm, w0_hbm, w1_hbm, xs_hbm, ws_hbm,
                  xr0, xr1, d0a, d0b, d1a, d1b, w0a, w0b, w1a, w1b, sem, wsem):
    wid = lax.axis_index("c") * NS + lax.axis_index("s")
    base = wid * TPW
    lx0 = pltpu.async_copy(x_hbm.at[pl.ds(base, HPW)], xr0, sem)
    lx1 = pltpu.async_copy(x_hbm.at[pl.ds(base + HPW, HPW)], xr1, sem)
    smalls = [
        pltpu.async_copy(d0_hbm.at[pl.ds(base, HPW)], d0a, wsem),
        pltpu.async_copy(d0_hbm.at[pl.ds(base + HPW, HPW)], d0b, wsem),
        pltpu.async_copy(d1_hbm.at[pl.ds(base, HPW)], d1a, wsem),
        pltpu.async_copy(d1_hbm.at[pl.ds(base + HPW, HPW)], d1b, wsem),
        pltpu.async_copy(w0_hbm.at[pl.ds(base, HPW)], w0a, wsem),
        pltpu.async_copy(w0_hbm.at[pl.ds(base + HPW, HPW)], w0b, wsem),
        pltpu.async_copy(w1_hbm.at[pl.ds(base, HPW)], w1a, wsem),
        pltpu.async_copy(w1_hbm.at[pl.ds(base + HPW, HPW)], w1b, wsem),
    ]
    for cp in smalls:
        cp.wait()
    stores = [
        pltpu.async_copy(w0a, ws_hbm.at[d0a], wsem),
        pltpu.async_copy(w0b, ws_hbm.at[d0b], wsem),
        pltpu.async_copy(w1a, ws_hbm.at[d1a], wsem),
        pltpu.async_copy(w1b, ws_hbm.at[d1b], wsem),
    ]
    lx0.wait()
    stores += [
        pltpu.async_copy(xr0, xs_hbm.at[d0a], sem),
        pltpu.async_copy(xr0, xs_hbm.at[d1a], sem),
    ]
    lx1.wait()
    stores += [
        pltpu.async_copy(xr1, xs_hbm.at[d0b], sem),
        pltpu.async_copy(xr1, xs_hbm.at[d1b], sem),
    ]
    for cp in stores:
        cp.wait()


def _scatter(x, d0, d1, w0, w1):
    mesh = plsc.VectorSubcoreMesh(
        core_axis_name="c", subcore_axis_name="s", num_cores=NC, num_subcores=NS)
    return pl.kernel(
        _scatter_body,
        out_type=(
            jax.ShapeDtypeStruct((P, D), jnp.float32),
            jax.ShapeDtypeStruct((P,), jnp.float32),
        ),
        mesh=mesh,
        scratch_types=[
            pltpu.VMEM((HPW, D), jnp.float32),
            pltpu.VMEM((HPW, D), jnp.float32),
            pltpu.VMEM((HPW,), jnp.int32),
            pltpu.VMEM((HPW,), jnp.int32),
            pltpu.VMEM((HPW,), jnp.int32),
            pltpu.VMEM((HPW,), jnp.int32),
            pltpu.VMEM((HPW,), jnp.float32),
            pltpu.VMEM((HPW,), jnp.float32),
            pltpu.VMEM((HPW,), jnp.float32),
            pltpu.VMEM((HPW,), jnp.float32),
            pltpu.SemaphoreType.DMA,
            pltpu.SemaphoreType.DMA,
        ],
    )(x, d0, d1, w0, w1)



def _gemm_body(be_ref, xs_ref, ws_ref, wu_ref, wg_ref, wd_ref, out_ref):
    b = pl.program_id(0)

    @pl.when(b < be_ref[BE_LEN - 1])
    def _():
        w_row = ws_ref[0]
        subl = lax.broadcasted_iota(jnp.int32, (BLOCK, BLOCK), 0)
        lanes = lax.broadcasted_iota(jnp.int32, (BLOCK, BLOCK), 1)
        diag = jnp.where(subl == lanes,
                         jnp.broadcast_to(w_row, (BLOCK, BLOCK)), 0.0)
        w = jnp.sum(diag, axis=1, keepdims=True)
        xc = xs_ref[...].astype(jnp.bfloat16)
        wu = wu_ref[0].astype(jnp.bfloat16)
        wg = wg_ref[0].astype(jnp.bfloat16)
        wd = wd_ref[0].astype(jnp.bfloat16)
        dn = (((1,), (1,)), ((), ()))
        up = lax.dot_general(xc, wu, dn, preferred_element_type=jnp.float32)
        gate = lax.dot_general(xc, wg, dn, preferred_element_type=jnp.float32)
        gw = gate * w
        h = gw * jax.nn.sigmoid(gw) * (up * w)
        out_ref[...] = lax.dot_general(
            h.astype(jnp.bfloat16), wd, dn,
            preferred_element_type=jnp.float32) * w


def _gemm(be, xs, ws, w_up, w_gate, w_down):
    def clamp(b, be_ref):
        return jnp.minimum(b, be_ref[BE_LEN - 1] - 1)

    grid_spec = pltpu.PrefetchScalarGridSpec(
        num_scalar_prefetch=1,
        grid=(NBMAX,),
        in_specs=[
            pl.BlockSpec((BLOCK, D), lambda b, be: (clamp(b, be), 0)),
            pl.BlockSpec((1, 1, BLOCK), lambda b, be: (clamp(b, be), 0, 0)),
            pl.BlockSpec((1, FF, D), lambda b, be: (be[clamp(b, be)], 0, 0)),
            pl.BlockSpec((1, FF, D), lambda b, be: (be[clamp(b, be)], 0, 0)),
            pl.BlockSpec((1, D, FF), lambda b, be: (be[clamp(b, be)], 0, 0)),
        ],
        out_specs=pl.BlockSpec((BLOCK, D), lambda b, be: (clamp(b, be), 0)),
    )
    return pl.pallas_call(
        _gemm_body,
        grid_spec=grid_spec,
        out_shape=jax.ShapeDtypeStruct((P, D), jnp.float32),
    )(be, xs, ws.reshape(NBMAX, 1, BLOCK), w_up, w_gate, w_down)



QTR = TPW // 4


def _combine_body(contrib_hbm, d0_hbm, d1_hbm, out_hbm,
                  p0_v, p1_v, g0a, g1a, g0b, g1b, oa, ob, sems):
    wid = lax.axis_index("c") * NS + lax.axis_index("s")
    base = wid * TPW
    pltpu.sync_copy(d0_hbm.at[pl.ds(base, TPW)], p0_v)
    pltpu.sync_copy(d1_hbm.at[pl.ds(base, TPW)], p1_v)
    gsets = [(g0a, g1a, oa), (g0b, g1b, ob)]

    def issue(q, gset):
        g0, g1, _ = gset
        return (
            pltpu.async_copy(contrib_hbm.at[p0_v.at[pl.ds(q * QTR, QTR)]], g0, sems[0]),
            pltpu.async_copy(contrib_hbm.at[p1_v.at[pl.ds(q * QTR, QTR)]], g1, sems[1]),
        )

    pend = issue(0, gsets[0])
    outcp = [None, None]
    for q in range(4):
        s = q % 2
        g0, g1, ob_ = gsets[s]
        for cp in pend:
            cp.wait()
        if q + 1 < 4:
            pend = issue(q + 1, gsets[1 - s])
        if outcp[s] is not None:
            outcp[s].wait()

        def chunk(i, _):
            sl = pl.ds(i * 16, 16)
            for r in range(QTR):
                ob_[r, sl] = g0[r, sl] + g1[r, sl]
            return 0

        lax.fori_loop(0, D // 16, chunk, 0, unroll=False)
        outcp[s] = pltpu.async_copy(
            ob_, out_hbm.at[pl.ds(base + q * QTR, QTR)], sems[2 + s])
    for cp in outcp:
        cp.wait()


def _combine(contrib, d0, d1):
    mesh = plsc.VectorSubcoreMesh(
        core_axis_name="c", subcore_axis_name="s", num_cores=NC, num_subcores=NS)
    return pl.kernel(
        _combine_body,
        out_type=jax.ShapeDtypeStruct((T, D), jnp.float32),
        mesh=mesh,
        scratch_types=[
            pltpu.VMEM((TPW,), jnp.int32),
            pltpu.VMEM((TPW,), jnp.int32),
            pltpu.VMEM((QTR, D), jnp.float32),
            pltpu.VMEM((QTR, D), jnp.float32),
            pltpu.VMEM((QTR, D), jnp.float32),
            pltpu.VMEM((QTR, D), jnp.float32),
            pltpu.VMEM((QTR, D), jnp.float32),
            pltpu.VMEM((QTR, D), jnp.float32),
            [pltpu.SemaphoreType.DMA] * 4,
        ],
    )(contrib, d0, d1)



@jax.jit
def kernel(x, router_logits_up, router_logits_gate, router_logits_down, w_up, w_gate, w_down):
    del router_logits_gate, router_logits_down
    d0, d1, w0, w1, be = _dispatch(router_logits_up.T)
    xs, ws = _scatter(x, d0, d1, w0, w1)
    contrib = _gemm(be, xs, ws, w_up, w_gate, w_down)
    return _combine(contrib, d0, d1)

# --- scband reference (transcript-rebuilt; emitter-appended) ---
"""Pipeline reference for scband-fine-grained-mixture-of-mlp-94489280665 (READ-ONLY COPY).

The authoritative reference and input builder live on the scoring server;
editing this copy changes nothing except your own understanding.
"""

import jax, jax.numpy as jnp
import numpy as np

E = 8
TOPK = 2
D = 1024
FF = 512
T = 2048
RENORMALIZE = True


def setup_inputs(seed: int = 0) -> dict:
    key = jax.random.key(seed)
    ks = jax.random.split(key, 7)
    x = jax.random.normal(ks[0], (T, D), dtype=jnp.float32)
    router_logits_up = jax.random.normal(ks[1], (T, E), dtype=jnp.float32)
    router_logits_gate = jax.random.normal(ks[2], (T, E), dtype=jnp.float32)
    router_logits_down = jax.random.normal(ks[3], (T, E), dtype=jnp.float32)
    w_up = jax.random.normal(ks[4], (E, FF, D), dtype=jnp.float32) * 0.02
    w_gate = jax.random.normal(ks[5], (E, FF, D), dtype=jnp.float32) * 0.02
    w_down = jax.random.normal(ks[6], (E, D, FF), dtype=jnp.float32) * 0.02
    return {
        'x': x,
        'router_logits_up': router_logits_up,
        'router_logits_gate': router_logits_gate,
        'router_logits_down': router_logits_down,
        'w_up': w_up,
        'w_gate': w_gate,
        'w_down': w_down,
    }


def _select_experts(router_logits, top_k, renormalize):
    # vLLM fused_topk: softmax over experts, then top-k, then optional renormalize
    probs = jax.nn.softmax(router_logits.astype(jnp.float32), axis=-1)
    topk_w, topk_ids = jax.lax.top_k(probs, top_k)
    if renormalize:
        topk_w = topk_w / jnp.sum(topk_w, axis=-1, keepdims=True)
    return topk_w, topk_ids


def reference(x, router_logits_up, router_logits_gate, router_logits_down, w_up, w_gate, w_down):
    # NOTE: the original module passes router_logits_up to all three select_experts
    # calls, so up/gate/down selections are identical. We reproduce that faithfully.
    topk_w, topk_ids = _select_experts(router_logits_up, TOPK, RENORMALIZE)

    # Per-expert up/gate projections for all tokens, then gather the top-k experts.
    up_all = jnp.einsum('td,efd->tef', x, w_up)      # [T, E, FF]
    gate_all = jnp.einsum('td,efd->tef', x, w_gate)  # [T, E, FF]
    idx = topk_ids[:, :, None]                        # [T, K, 1]
    up_sel = jnp.take_along_axis(up_all, idx, axis=1)    # [T, K, FF]
    gate_sel = jnp.take_along_axis(gate_all, idx, axis=1)  # [T, K, FF]

    w = topk_w[:, :, None]  # [T, K, 1]
    # fused kernels apply mul_routed_weight=True on both up and gate outputs,
    # then silu_and_mul(cat(gate, up)) -> silu(gate*w) * (up*w)
    h = jax.nn.silu(gate_sel * w) * (up_sel * w)  # [T, K, FF]

    # Down projection per selected expert (one-hot dispatch), routed weight applied again.
    onehot = jax.nn.one_hot(topk_ids, E, dtype=x.dtype)  # [T, K, E]
    down_sel = jnp.einsum('tkf,tke,edf->tkd', h, onehot, w_down)  # [T, K, D]
    out = jnp.sum(down_sel * w, axis=1)  # [T, D]
    return out

if __name__ == "__main__":
    import jax
    _d = setup_inputs()
    print(jax.jit(kernel)(*tuple(_d.values())))

</pallas_src>

<mosaic_0001>
#map = affine_map<(d0, d1) -> (0, 0)>
#map1 = affine_map<(d0, d1) -> (0)>
module attributes {stable_mosaic.version = 14 : i64} {
  func.func @_combine_body(%arg0: i32, %arg1: i32, %arg2: memref<5888x1024xf32, #tpu.memory_space<hbm>>, %arg3: memref<2048xi32, #tpu.memory_space<hbm>>, %arg4: memref<2048xi32, #tpu.memory_space<hbm>>, %arg5: memref<2048x1024xf32, #tpu.memory_space<hbm>>, %arg6: memref<64xi32, #tpu.memory_space<vmem>>, %arg7: memref<64xi32, #tpu.memory_space<vmem>>, %arg8: memref<16x1024xf32, #tpu.memory_space<vmem>>, %arg9: memref<16x1024xf32, #tpu.memory_space<vmem>>, %arg10: memref<16x1024xf32, #tpu.memory_space<vmem>>, %arg11: memref<16x1024xf32, #tpu.memory_space<vmem>>, %arg12: memref<16x1024xf32, #tpu.memory_space<vmem>>, %arg13: memref<16x1024xf32, #tpu.memory_space<vmem>>, %arg14: memref<!tpu.dma_semaphore, #tpu.memory_space<semaphore_mem>>, %arg15: memref<!tpu.dma_semaphore, #tpu.memory_space<semaphore_mem>>, %arg16: memref<!tpu.dma_semaphore, #tpu.memory_space<semaphore_mem>>, %arg17: memref<!tpu.dma_semaphore, #tpu.memory_space<semaphore_mem>>) attributes {dimension_semantics = [#tpu.dimension_semantics<core_parallel>, #tpu.dimension_semantics<subcore_parallel>], iteration_bounds = array<i64: 2, 16>, scalar_prefetch = 0 : i64, scratch_operands = 12 : i64, tpu.core_type = #tpu.core_type<sc_vector_subcore>, window_params = [{transform_indices = #map}, {transform_indices = #map1}, {transform_indices = #map1}, {transform_indices = #map}]} {
    %mul3A = arith.constant 16 : i32
    %mul3A_0 = arith.muli %arg0, %mul3A : i32
    %add3A = arith.addi %mul3A_0, %arg1 : i32
    %mul3A_1 = arith.constant 64 : i32
    %mul3A_2 = arith.muli %add3A, %mul3A_1 : i32
    "tpu.region"() ({
      %run_scoped3A = tpu.sem_alloc : memref<!tpu.dma_semaphore, #tpu.memory_space<semaphore_mem>>
      %dma_start3A_148 = tpu.memref_slice %arg3[%mul3A_2] : memref<2048xi32, #tpu.memory_space<hbm>> -> memref<64xi32, #tpu.memory_space<hbm>>
      %dma_start3A_149 = tpu.memref_slice %arg3[%mul3A_2] : memref<2048xi32, #tpu.memory_space<hbm>> -> memref<64xi32, #tpu.memory_space<hbm>>
      tpu.enqueue_dma source(%dma_start3A_149 : memref<64xi32, #tpu.memory_space<hbm>>) target(%arg6 : memref<64xi32, #tpu.memory_space<vmem>>) target_semaphore(%run_scoped3A : memref<!tpu.dma_semaphore, #tpu.memory_space<semaphore_mem>>)
      %dma_wait3A_150 = tpu.memref_slice %arg3[%mul3A_2] : memref<2048xi32, #tpu.memory_space<hbm>> -> memref<64xi32, #tpu.memory_space<hbm>>
      %dma_wait3A_151 = tpu.memref_slice %arg3[%mul3A_2] : memref<2048xi32, #tpu.memory_space<hbm>> -> memref<64xi32, #tpu.memory_space<hbm>>
      tpu.wait_dma2 semaphore(%run_scoped3A : memref<!tpu.dma_semaphore, #tpu.memory_space<semaphore_mem>>) src(%dma_wait3A_151 : memref<64xi32, #tpu.memory_space<hbm>>) dst(%arg6 : memref<64xi32, #tpu.memory_space<vmem>>)
      tpu.yield
    }) : () -> ()
    "tpu.region"() ({
      %run_scoped3A = tpu.sem_alloc : memref<!tpu.dma_semaphore, #tpu.memory_space<semaphore_mem>>
      %dma_start3A_148 = tpu.memref_slice %arg4[%mul3A_2] : memref<2048xi32, #tpu.memory_space<hbm>> -> memref<64xi32, #tpu.memory_space<hbm>>
      %dma_start3A_149 = tpu.memref_slice %arg4[%mul3A_2] : memref<2048xi32, #tpu.memory_space<hbm>> -> memref<64xi32, #tpu.memory_space<hbm>>
      tpu.enqueue_dma source(%dma_start3A_149 : memref<64xi32, #tpu.memory_space<hbm>>) target(%arg7 : memref<64xi32, #tpu.memory_space<vmem>>) target_semaphore(%run_scoped3A : memref<!tpu.dma_semaphore, #tpu.memory_space<semaphore_mem>>)
      %dma_wait3A_150 = tpu.memref_slice %arg4[%mul3A_2] : memref<2048xi32, #tpu.memory_space<hbm>> -> memref<64xi32, #tpu.memory_space<hbm>>
      %dma_wait3A_151 = tpu.memref_slice %arg4[%mul3A_2] : memref<2048xi32, #tpu.memory_space<hbm>> -> memref<64xi32, #tpu.memory_space<hbm>>
      tpu.wait_dma2 semaphore(%run_scoped3A : memref<!tpu.dma_semaphore, #tpu.memory_space<semaphore_mem>>) src(%dma_wait3A_151 : memref<64xi32, #tpu.memory_space<hbm>>) dst(%arg7 : memref<64xi32, #tpu.memory_space<vmem>>)
      tpu.yield
    }) : () -> ()
    %dma_start3A = arith.constant 0 : i32
    %dma_start3A_3 = tpu.memref_slice %arg6[%dma_start3A] : memref<64xi32, #tpu.memory_space<vmem>> -> memref<16xi32, #tpu.memory_space<vmem>>
    %dma_start3A_4 = arith.constant 0 : i32
    %dma_start3A_5 = arith.constant 0 : i32
    %dma_start3A_6 = tpu.memref_slice %arg2[%dma_start3A_4, %dma_start3A_5] : memref<5888x1024xf32, #tpu.memory_space<hbm>> -> memref<5888x1024xf32, #tpu.memory_space<hbm>>
    tpu.enqueue_indirect_dma source(%dma_start3A_6 : memref<5888x1024xf32, #tpu.memory_space<hbm>>) target(%arg8 : memref<16x1024xf32, #tpu.memory_space<vmem>>) offsets(%dma_start3A_3 : memref<16xi32, #tpu.memory_space<vmem>>) semaphore(%arg14 : memref<!tpu.dma_semaphore, #tpu.memory_space<semaphore_mem>>)
    %dma_start3A_7 = arith.constant 0 : i32
    %dma_start3A_8 = tpu.memref_slice %arg7[%dma_start3A_7] : memref<64xi32, #tpu.memory_space<vmem>> -> memref<16xi32, #tpu.memory_space<vmem>>
    %dma_start3A_9 = arith.constant 0 : i32
    %dma_start3A_10 = arith.constant 0 : i32
    %dma_start3A_11 = tpu.memref_slice %arg2[%dma_start3A_9, %dma_start3A_10] : memref<5888x1024xf32, #tpu.memory_space<hbm>> -> memref<5888x1024xf32, #tpu.memory_space<hbm>>
    tpu.enqueue_indirect_dma source(%dma_start3A_11 : memref<5888x1024xf32, #tpu.memory_space<hbm>>) target(%arg9 : memref<16x1024xf32, #tpu.memory_space<vmem>>) offsets(%dma_start3A_8 : memref<16xi32, #tpu.memory_space<vmem>>) semaphore(%arg15 : memref<!tpu.dma_semaphore, #tpu.memory_space<semaphore_mem>>)
    %dma_wait3A = arith.constant 0 : i32
    %dma_wait3A_12 = tpu.memref_slice %arg6[%dma_wait3A] : memref<64xi32, #tpu.memory_space<vmem>> -> memref<16xi32, #tpu.memory_space<vmem>>
    %dma_wait3A_13 = arith.constant 0 : i32
    %dma_wait3A_14 = arith.constant 0 : i32
    %dma_wait3A_15 = tpu.memref_slice %arg2[%dma_wait3A_13, %dma_wait3A_14] : memref<5888x1024xf32, #tpu.memory_space<hbm>> -> memref<5888x1024xf32, #tpu.memory_space<hbm>>
    tpu.wait_indirect_dma semaphore(%arg14 : memref<!tpu.dma_semaphore, #tpu.memory_space<semaphore_mem>>) src(%dma_wait3A_15 : memref<5888x1024xf32, #tpu.memory_space<hbm>>) dst(%arg8 : memref<16x1024xf32, #tpu.memory_space<vmem>>)
    %dma_wait3A_16 = arith.constant 0 : i32
    %dma_wait3A_17 = tpu.memref_slice %arg7[%dma_wait3A_16] : memref<64xi32, #tpu.memory_space<vmem>> -> memref<16xi32, #tpu.memory_space<vmem>>
    %dma_wait3A_18 = arith.constant 0 : i32
    %dma_wait3A_19 = arith.constant 0 : i32
    %dma_wait3A_20 = tpu.memref_slice %arg2[%dma_wait3A_18, %dma_wait3A_19] : memref<5888x1024xf32, #tpu.memory_space<hbm>> -> memref<5888x1024xf32, #tpu.memory_space<hbm>>
    tpu.wait_indirect_dma semaphore(%arg15 : memref<!tpu.dma_semaphore, #tpu.memory_space<semaphore_mem>>) src(%dma_wait3A_20 : memref<5888x1024xf32, #tpu.memory_space<hbm>>) dst(%arg9 : memref<16x1024xf32, #tpu.memory_space<vmem>>)
    %dma_start3A_21 = arith.constant 16 : i32
    %dma_start3A_22 = tpu.memref_slice %arg6[%dma_start3A_21] : memref<64xi32, #tpu.memory_space<vmem>> -> memref<16xi32, #tpu.memory_space<vmem>>
    %dma_start3A_23 = arith.constant 0 : i32
    %dma_start3A_24 = arith.constant 0 : i32
    %dma_start3A_25 = tpu.memref_slice %arg2[%dma_start3A_23, %dma_start3A_24] : memref<5888x1024xf32, #tpu.memory_space<hbm>> -> memref<5888x1024xf32, #tpu.memory_space<hbm>>
    tpu.enqueue_indirect_dma source(%dma_start3A_25 : memref<5888x1024xf32, #tpu.memory_space<hbm>>) target(%arg10 : memref<16x1024xf32, #tpu.memory_space<vmem>>) offsets(%dma_start3A_22 : memref<16xi32, #tpu.memory_space<vmem>>) semaphore(%arg14 : memref<!tpu.dma_semaphore, #tpu.memory_space<semaphore_mem>>)
    %dma_start3A_26 = arith.constant 16 : i32
    %dma_start3A_27 = tpu.memref_slice %arg7[%dma_start3A_26] : memref<64xi32, #tpu.memory_space<vmem>> -> memref<16xi32, #tpu.memory_space<vmem>>
    %dma_start3A_28 = arith.constant 0 : i32
    %dma_start3A_29 = arith.constant 0 : i32
    %dma_start3A_30 = tpu.memref_slice %arg2[%dma_start3A_28, %dma_start3A_29] : memref<5888x1024xf32, #tpu.memory_space<hbm>> -> memref<5888x1024xf32, #tpu.memory_space<hbm>>
    tpu.enqueue_indirect_dma source(%dma_start3A_30 : memref<5888x1024xf32, #tpu.memory_space<hbm>>) target(%arg11 : memref<16x1024xf32, #tpu.memory_space<vmem>>) offsets(%dma_start3A_27 : memref<16xi32, #tpu.memory_space<vmem>>) semaphore(%arg15 : memref<!tpu.dma_semaphore, #tpu.memory_space<semaphore_mem>>)
    %scan3A = arith.constant 0 : i32
    %scan3A_31 = arith.constant 0 : i32
    %scan3A_32 = arith.constant 64 : i32
    %scan3A_33 = arith.addi %scan3A_31, %scan3A_32 : i32
    %scan3A_34 = arith.constant 1 : i32
    %scan3A_35 = scf.for %scan3A_148 = %scan3A_31 to %scan3A_33 step %scan3A_34 iter_args(%scan3A_149 = %scan3A) -> (i32)  : i32 {
      %mul3A_150 = arith.constant 16 : i32
      %mul3A_151 = arith.muli %scan3A_148, %mul3A_150 : i32
      %get3A = arith.constant 0 : i32
      %get3A_152 = arith.index_cast %get3A : i32 to index
      %get3A_153 = arith.index_cast %mul3A_151 : i32 to index
      %get3A_154 = tpu.vector_load %arg8[%get3A_152, %get3A_153] {strides = array<i32>} : memref<16x1024xf32, #tpu.memory_space<vmem>>, vector<1x16xf32>,
      %get3A_155 = vector.shape_cast %get3A_154 : vector<1x16xf32> to vector<16xf32>
      %get3A_156 = arith.constant 0 : i32
      %get3A_157 = arith.index_cast %get3A_156 : i32 to index
      %get3A_158 = arith.index_cast %mul3A_151 : i32 to index
      %get3A_159 = tpu.vector_load %arg9[%get3A_157, %get3A_158] {strides = array<i32>} : memref<16x1024xf32, #tpu.memory_space<vmem>>, vector<1x16xf32>,
      %get3A_160 = vector.shape_cast %get3A_159 : vector<1x16xf32> to vector<16xf32>
      %add3A_161 = arith.addf %get3A_155, %get3A_160 : vector<16xf32>
      %swap3A = arith.constant 0 : i32
      %swap3A_162 = arith.index_cast %swap3A : i32 to index
      %swap3A_163 = arith.index_cast %mul3A_151 : i32 to index
      %swap3A_164 = tpu.vector_load %arg12[%swap3A_162, %swap3A_163] {strides = array<i32>} : memref<16x1024xf32, #tpu.memory_space<vmem>>, vector<1x16xf32>,
      %swap3A_165 = vector.shape_cast %swap3A_164 : vector<1x16xf32> to vector<16xf32>
      %swap3A_166 = vector.shape_cast %add3A_161 : vector<16xf32> to vector<1x16xf32>
      tpu.vector_store %arg12[%swap3A_162, %swap3A_163], %swap3A_166 {strides = array<i32>} : memref<16x1024xf32, #tpu.memory_space<vmem>>, vector<1x16xf32>,
      %get3A_167 = arith.constant 1 : i32
      %get3A_168 = arith.index_cast %get3A_167 : i32 to index
      %get3A_169 = arith.index_cast %mul3A_151 : i32 to index
      %get3A_170 = tpu.vector_load %arg8[%get3A_168, %get3A_169] {strides = array<i32>} : memref<16x1024xf32, #tpu.memory_space<vmem>>, vector<1x16xf32>,
      %get3A_171 = vector.shape_cast %get3A_170 : vector<1x16xf32> to vector<16xf32>
      %get3A_172 = arith.constant 1 : i32
      %get3A_173 = arith.index_cast %get3A_172 : i32 to index
      %get3A_174 = arith.index_cast %mul3A_151 : i32 to index
      %get3A_175 = tpu.vector_load %arg9[%get3A_173, %get3A_174] {strides = array<i32>} : memref<16x1024xf32, #tpu.memory_space<vmem>>, vector<1x16xf32>,
      %get3A_176 = vector.shape_cast %get3A_175 : vector<1x16xf32> to vector<16xf32>
      %add3A_177 = arith.addf %get3A_171, %get3A_176 : vector<16xf32>
      %swap3A_178 = arith.constant 1 : i32
      %swap3A_179 = arith.index_cast %swap3A_178 : i32 to index
      %swap3A_180 = arith.index_cast %mul3A_151 : i32 to index
      %swap3A_181 = tpu.vector_load %arg12[%swap3A_179, %swap3A_180] {strides = array<i32>} : memref<16x1024xf32, #tpu.memory_space<vmem>>, vector<1x16xf32>,
      %swap3A_182 = vector.shape_cast %swap3A_181 : vector<1x16xf32> to vector<16xf32>
      %swap3A_183 = vector.shape_cast %add3A_177 : vector<16xf32> to vector<1x16xf32>
      tpu.vector_store %arg12[%swap3A_179, %swap3A_180], %swap3A_183 {strides = array<i32>} : memref<16x1024xf32, #tpu.memory_space<vmem>>, vector<1x16xf32>,
      %get3A_184 = arith.constant 2 : i32
      %get3A_185 = arith.index_cast %get3A_184 : i32 to index
      %get3A_186 = arith.index_cast %mul3A_151 : i32 to index
      %get3A_187 = tpu.vector_load %arg8[%get3A_185, %get3A_186] {strides = array<i32>} : memref<16x1024xf32, #tpu.memory_space<vmem>>, vector<1x16xf32>,
      %get3A_188 = vector.shape_cast %get3A_187 : vector<1x16xf32> to vector<16xf32>
      %get3A_189 = arith.constant 2 : i32
      %get3A_190 = arith.index_cast %get3A_189 : i32 to index
      %get3A_191 = arith.index_cast %mul3A_151 : i32 to index
      %get3A_192 = tpu.vector_load %arg9[%get3A_190, %get3A_191] {strides = array<i32>} : memref<16x1024xf32, #tpu.memory_space<vmem>>, vector<1x16xf32>,
      %get3A_193 = vector.shape_cast %get3A_192 : vector<1x16xf32> to vector<16xf32>
      %add3A_194 = arith.addf %get3A_188, %get3A_193 : vector<16xf32>
      %swap3A_195 = arith.constant 2 : i32
      %swap3A_196 = arith.index_cast %swap3A_195 : i32 to index
      %swap3A_197 = arith.index_cast %mul3A_151 : i32 to index
      %swap3A_198 = tpu.vector_load %arg12[%swap3A_196, %swap3A_197] {strides = array<i32>} : memref<16x1024xf32, #tpu.memory_space<vmem>>, vector<1x16xf32>,
      %swap3A_199 = vector.shape_cast %swap3A_198 : vector<1x16xf32> to vector<16xf32>
      %swap3A_200 = vector.shape_cast %add3A_194 : vector<16xf32> to vector<1x16xf32>
      tpu.vector_store %arg12[%swap3A_196, %swap3A_197], %swap3A_200 {strides = array<i32>} : memref<16x1024xf32, #tpu.memory_space<vmem>>, vector<1x16xf32>,
      %get3A_201 = arith.constant 3 : i32
      %get3A_202 = arith.index_cast %get3A_201 : i32 to index
      %get3A_203 = arith.index_cast %mul3A_151 : i32 to index
      %get3A_204 = tpu.vector_load %arg8[%get3A_202, %get3A_203] {strides = array<i32>} : memref<16x1024xf32, #tpu.memory_space<vmem>>, vector<1x16xf32>,
      %get3A_205 = vector.shape_cast %get3A_204 : vector<1x16xf32> to vector<16xf32>
      %get3A_206 = arith.constant 3 : i32
      %get3A_207 = arith.index_cast %get3A_206 : i32 to index
      %get3A_208 = arith.index_cast %mul3A_151 : i32 to index
      %get3A_209 = tpu.vector_load %arg9[%get3A_207, %get3A_208] {strides = array<i32>} : memref<16x1024xf32, #tpu.memory_space<vmem>>, vector<1x16xf32>,
      %get3A_210 = vector.shape_cast %get3A_209 : vector<1x16xf32> to vector<16xf32>
      %add3A_211 = arith.addf %get3A_205, %get3A_210 : vector<16xf32>
      %swap3A_212 = arith.constant 3 : i32
      %swap3A_213 = arith.index_cast %swap3A_212 : i32 to index
      %swap3A_214 = arith.index_cast %mul3A_151 : i32 to index
      %swap3A_215 = tpu.vector_load %arg12[%swap3A_213, %swap3A_214] {strides = array<i32>} : memref<16x1024xf32, #tpu.memory_space<vmem>>, vector<1x16xf32>,
      %swap3A_216 = vector.shape_cast %swap3A_215 : vector<1x16xf32> to vector<16xf32>
      %swap3A_217 = vector.shape_cast %add3A_211 : vector<16xf32> to vector<1x16xf32>
      tpu.vector_store %arg12[%swap3A_213, %swap3A_214], %swap3A_217 {strides = array<i32>} : memref<16x1024xf32, #tpu.memory_space<vmem>>, vector<1x16xf32>,
      %get3A_218 = arith.constant 4 : i32
      %get3A_219 = arith.index_cast %get3A_218 : i32 to index
      %get3A_220 = arith.index_cast %mul3A_151 : i32 to index
      %get3A_221 = tpu.vector_load %arg8[%get3A_219, %get3A_220] {strides = array<i32>} : memref<16x1024xf32, #tpu.memory_space<vmem>>, vector<1x16xf32>,
      %get3A_222 = vector.shape_cast %get3A_221 : vector<1x16xf32> to vector<16xf32>
      %get3A_223 = arith.constant 4 : i32
      %get3A_224 = arith.index_cast %get3A_223 : i32 to index
      %get3A_225 = arith.index_cast %mul3A_151 : i32 to index
      %get3A_226 = tpu.vector_load %arg9[%get3A_224, %get3A_225] {strides = array<i32>} : memref<16x1024xf32, #tpu.memory_space<vmem>>, vector<1x16xf32>,
      %get3A_227 = vector.shape_cast %get3A_226 : vector<1x16xf32> to vector<16xf32>
      %add3A_228 = arith.addf %get3A_222, %get3A_227 : vector<16xf32>
      %swap3A_229 = arith.constant 4 : i32
      %swap3A_230 = arith.index_cast %swap3A_229 : i32 to index
      %swap3A_231 = arith.index_cast %mul3A_151 : i32 to index
      %swap3A_232 = tpu.vector_load %arg12[%swap3A_230, %swap3A_231] {strides = array<i32>} : memref<16x1024xf32, #tpu.memory_space<vmem>>, vector<1x16xf32>,
      %swap3A_233 = vector.shape_cast %swap3A_232 : vector<1x16xf32> to vector<16xf32>
      %swap3A_234 = vector.shape_cast %add3A_228 : vector<16xf32> to vector<1x16xf32>
      tpu.vector_store %arg12[%swap3A_230, %swap3A_231], %swap3A_234 {strides = array<i32>} : memref<16x1024xf32, #tpu.memory_space<vmem>>, vector<1x16xf32>,
      %get3A_235 = arith.constant 5 : i32
      %get3A_236 = arith.index_cast %get3A_235 : i32 to index
      %get3A_237 = arith.index_cast %mul3A_151 : i32 to index
      %get3A_238 = tpu.vector_load %arg8[%get3A_236, %get3A_237] {strides = array<i32>} : memref<16x1024xf32, #tpu.memory_space<vmem>>, vector<1x16xf32>,
      %get3A_239 = vector.shape_cast %get3A_238 : vector<1x16xf32> to vector<16xf32>
      %get3A_240 = arith.constant 5 : i32
      %get3A_241 = arith.index_cast %get3A_240 : i32 to index
      %get3A_242 = arith.index_cast %mul3A_151 : i32 to index
      %get3A_243 = tpu.vector_load %arg9[%get3A_241, %get3A_242] {strides = array<i32>} : memref<16x1024xf32, #tpu.memory_space<vmem>>, vector<1x16xf32>,
      %get3A_244 = vector.shape_cast %get3A_243 : vector<1x16xf32> to vector<16xf32>
      %add3A_245 = arith.addf %get3A_239, %get3A_244 : vector<16xf32>
      %swap3A_246 = arith.constant 5 : i32
      %swap3A_247 = arith.index_cast %swap3A_246 : i32 to index
      %swap3A_248 = arith.index_cast %mul3A_151 : i32 to index
      %swap3A_249 = tpu.vector_load %arg12[%swap3A_247, %swap3A_248] {strides = array<i32>} : memref<16x1024xf32, #tpu.memory_space<vmem>>, vector<1x16xf32>,
      %swap3A_250 = vector.shape_cast %swap3A_249 : vector<1x16xf32> to vector<16xf32>
      %swap3A_251 = vector.shape_cast %add3A_245 : vector<16xf32> to vector<1x16xf32>
      tpu.vector_store %arg12[%swap3A_247, %swap3A_248], %swap3A_251 {strides = array<i32>} : memref<16x1024xf32, #tpu.memory_space<vmem>>, vector<1x16xf32>,
      %get3A_252 = arith.constant 6 : i32
      %get3A_253 = arith.index_cast %get3A_252 : i32 to index
      %get3A_254 = arith.index_cast %mul3A_151 : i32 to index
      %get3A_255 = tpu.vector_load %arg8[%get3A_253, %get3A_254] {strides = array<i32>} : memref<16x1024xf32, #tpu.memory_space<vmem>>, vector<1x16xf32>,
      %get3A_256 = vector.shape_cast %get3A_255 : vector<1x16xf32> to vector<16xf32>
      %get3A_257 = arith.constant 6 : i32
      %get3A_258 = arith.index_cast %get3A_257 : i32 to index
      %get3A_259 = arith.index_cast %mul3A_151 : i32 to index
      %get3A_260 = tpu.vector_load %arg9[%get3A_258, %get3A_259] {strides = array<i32>} : memref<16x1024xf32, #tpu.memory_space<vmem>>, vector<1x16xf32>,
      %get3A_261 = vector.shape_cast %get3A_260 : vector<1x16xf32> to vector<16xf32>
      %add3A_262 = arith.addf %get3A_256, %get3A_261 : vector<16xf32>
      %swap3A_263 = arith.constant 6 : i32
      %swap3A_264 = arith.index_cast %swap3A_263 : i32 to index
      %swap3A_265 = arith.index_cast %mul3A_151 : i32 to index
      %swap3A_266 = tpu.vector_load %arg12[%swap3A_264, %swap3A_265] {strides = array<i32>} : memref<16x1024xf32, #tpu.memory_space<vmem>>, vector<1x16xf32>,
      %swap3A_267 = vector.shape_cast %swap3A_266 : vector<1x16xf32> to vector<16xf32>
      %swap3A_268 = vector.shape_cast %add3A_262 : vector<16xf32> to vector<1x16xf32>
      tpu.vector_store %arg12[%swap3A_264, %swap3A_265], %swap3A_268 {strides = array<i32>} : memref<16x1024xf32, #tpu.memory_space<vmem>>, vector<1x16xf32>,
      %get3A_269 = arith.constant 7 : i32
      %get3A_270 = arith.index_cast %get3A_269 : i32 to index
      %get3A_271 = arith.index_cast %mul3A_151 : i32 to index
      %get3A_272 = tpu.vector_load %arg8[%get3A_270, %get3A_271] {strides = array<i32>} : memref<16x1024xf32, #tpu.memory_space<vmem>>, vector<1x16xf32>,
      %get3A_273 = vector.shape_cast %get3A_272 : vector<1x16xf32> to vector<16xf32>
      %get3A_274 = arith.constant 7 : i32
      %get3A_275 = arith.index_cast %get3A_274 : i32 to index
      %get3A_276 = arith.index_cast %mul3A_151 : i32 to index
      %get3A_277 = tpu.vector_load %arg9[%get3A_275, %get3A_276] {strides = array<i32>} : memref<16x1024xf32, #tpu.memory_space<vmem>>, vector<1x16xf32>,
      %get3A_278 = vector.shape_cast %get3A_277 : vector<1x16xf32> to vector<16xf32>
      %add3A_279 = arith.addf %get3A_273, %get3A_278 : vector<16xf32>
      %swap3A_280 = arith.constant 7 : i32
      %swap3A_281 = arith.index_cast %swap3A_280 : i32 to index
      %swap3A_282 = arith.index_cast %mul3A_151 : i32 to index
      %swap3A_283 = tpu.vector_load %arg12[%swap3A_281, %swap3A_282] {strides = array<i32>} : memref<16x1024xf32, #tpu.memory_space<vmem>>, vector<1x16xf32>,
      %swap3A_284 = vector.shape_cast %swap3A_283 : vector<1x16xf32> to vector<16xf32>
      %swap3A_285 = vector.shape_cast %add3A_279 : vector<16xf32> to vector<1x16xf32>
      tpu.vector_store %arg12[%swap3A_281, %swap3A_282], %swap3A_285 {strides = array<i32>} : memref<16x1024xf32, #tpu.memory_space<vmem>>, vector<1x16xf32>,
      %get3A_286 = arith.constant 8 : i32
      %get3A_287 = arith.index_cast %get3A_286 : i32 to index
      %get3A_288 = arith.index_cast %mul3A_151 : i32 to index
      %get3A_289 = tpu.vector_load %arg8[%get3A_287, %get3A_288] {strides = array<i32>} : memref<16x1024xf32, #tpu.memory_space<vmem>>, vector<1x16xf32>,
      %get3A_290 = vector.shape_cast %get3A_289 : vector<1x16xf32> to vector<16xf32>
      %get3A_291 = arith.constant 8 : i32
      %get3A_292 = arith.index_cast %get3A_291 : i32 to index
      %get3A_293 = arith.index_cast %mul3A_151 : i32 to index
      %get3A_294 = tpu.vector_load %arg9[%get3A_292, %get3A_293] {strides = array<i32>} : memref<16x1024xf32, #tpu.memory_space<vmem>>, vector<1x16xf32>,
      %get3A_295 = vector.shape_cast %get3A_294 : vector<1x16xf32> to vector<16xf32>
      %add3A_296 = arith.addf %get3A_290, %get3A_295 : vector<16xf32>
      %swap3A_297 = arith.constant 8 : i32
      %swap3A_298 = arith.index_cast %swap3A_297 : i32 to index
      %swap3A_299 = arith.index_cast %mul3A_151 : i32 to index
      %swap3A_300 = tpu.vector_load %arg12[%swap3A_298, %swap3A_299] {strides = array<i32>} : memref<16x1024xf32, #tpu.memory_space<vmem>>, vector<1x16xf32>,
      %swap3A_301 = vector.shape_cast %swap3A_300 : vector<1x16xf32> to vector<16xf32>
      %swap3A_302 = vector.shape_cast %add3A_296 : vector<16xf32> to vector<1x16xf32>
      tpu.vector_store %arg12[%swap3A_298, %swap3A_299], %swap3A_302 {strides = array<i32>} : memref<16x1024xf32, #tpu.memory_space<vmem>>, vector<1x16xf32>,
      %get3A_303 = arith.constant 9 : i32
      %get3A_304 = arith.index_cast %get3A_303 : i32 to index
      %get3A_305 = arith.index_cast %mul3A_151 : i32 to index
      %get3A_306 = tpu.vector_load %arg8[%get3A_304, %get3A_305] {strides = array<i32>} : memref<16x1024xf32, #tpu.memory_space<vmem>>, vector<1x16xf32>,
      %get3A_307 = vector.shape_cast %get3A_306 : vector<1x16xf32> to vector<16xf32>
      %get3A_308 = arith.constant 9 : i32
      %get3A_309 = arith.index_cast %get3A_308 : i32 to index
      %get3A_310 = arith.index_cast %mul3A_151 : i32 to index
      %get3A_311 = tpu.vector_load %arg9[%get3A_309, %get3A_310] {strides = array<i32>} : memref<16x1024xf32, #tpu.memory_space<vmem>>, vector<1x16xf32>,
      %get3A_312 = vector.shape_cast %get3A_311 : vector<1x16xf32> to vector<16xf32>
      %add3A_313 = arith.addf %get3A_307, %get3A_312 : vector<16xf32>
      %swap3A_314 = arith.constant 9 : i32
      %swap3A_315 = arith.index_cast %swap3A_314 : i32 to index
      %swap3A_316 = arith.index_cast %mul3A_151 : i32 to index
      %swap3A_317 = tpu.vector_load %arg12[%swap3A_315, %swap3A_316] {strides = array<i32>} : memref<16x1024xf32, #tpu.memory_space<vmem>>, vector<1x16xf32>,
      %swap3A_318 = vector.shape_cast %swap3A_317 : vector<1x16xf32> to vector<16xf32>
      %swap3A_319 = vector.shape_cast %add3A_313 : vector<16xf32> to vector<1x16xf32>
      tpu.vector_store %arg12[%swap3A_315, %swap3A_316], %swap3A_319 {strides = array<i32>} : memref<16x1024xf32, #tpu.memory_space<vmem>>, vector<1x16xf32>,
      %get3A_320 = arith.constant 10 : i32
      %get3A_321 = arith.index_cast %get3A_320 : i32 to index
      %get3A_322 = arith.index_cast %mul3A_151 : i32 to index
      %get3A_323 = tpu.vector_load %arg8[%get3A_321, %get3A_322] {strides = array<i32>} : memref<16x1024xf32, #tpu.memory_space<vmem>>, vector<1x16xf32>,
      %get3A_324 = vector.shape_cast %get3A_323 : vector<1x16xf32> to vector<16xf32>
      %get3A_325 = arith.constant 10 : i32
      %get3A_326 = arith.index_cast %get3A_325 : i32 to index
      %get3A_327 = arith.index_cast %mul3A_151 : i32 to index
      %get3A_328 = tpu.vector_load %arg9[%get3A_326, %get3A_327] {strides = array<i32>} : memref<16x1024xf32, #tpu.memory_space<vmem>>, vector<1x16xf32>,
      %get3A_329 = vector.shape_cast %get3A_328 : vector<1x16xf32> to vector<16xf32>
      %add3A_330 = arith.addf %get3A_324, %get3A_329 : vector<16xf32>
      %swap3A_331 = arith.constant 10 : i32
      %swap3A_332 = arith.index_cast %swap3A_331 : i32 to index
      %swap3A_333 = arith.index_cast %mul3A_151 : i32 to index
      %swap3A_334 = tpu.vector_load %arg12[%swap3A_332, %swap3A_333] {strides = array<i32>} : memref<16x1024xf32, #tpu.memory_space<vmem>>, vector<1x16xf32>,
      %swap3A_335 = vector.shape_cast %swap3A_334 : vector<1x16xf32> to vector<16xf32>
      %swap3A_336 = vector.shape_cast %add3A_330 : vector<16xf32> to vector<1x16xf32>
      tpu.vector_store %arg12[%swap3A_332, %swap3A_333], %swap3A_336 {strides = array<i32>} : memref<16x1024xf32, #tpu.memory_space<vmem>>, vector<1x16xf32>,
      %get3A_337 = arith.constant 11 : i32
      %get3A_338 = arith.index_cast %get3A_337 : i32 to index
      %get3A_339 = arith.index_cast %mul3A_151 : i32 to index
      %get3A_340 = tpu.vector_load %arg8[%get3A_338, %get3A_339] {strides = array<i32>} : memref<16x1024xf32, #tpu.memory_space<vmem>>, vector<1x16xf32>,
      %get3A_341 = vector.shape_cast %get3A_340 : vector<1x16xf32> to vector<16xf32>
      %get3A_342 = arith.constant 11 : i32
      %get3A_343 = arith.index_cast %get3A_342 : i32 to index
      %get3A_344 = arith.index_cast %mul3A_151 : i32 to index
      %get3A_345 = tpu.vector_load %arg9[%get3A_343, %get3A_344] {strides = array<i32>} : memref<16x1024xf32, #tpu.memory_space<vmem>>, vector<1x16xf32>,
      %get3A_346 = vector.shape_cast %get3A_345 : vector<1x16xf32> to vector<16xf32>
      %add3A_347 = arith.addf %get3A_341, %get3A_346 : vector<16xf32>
      %swap3A_348 = arith.constant 11 : i32
      %swap3A_349 = arith.index_cast %swap3A_348 : i32 to index
      %swap3A_350 = arith.index_cast %mul3A_151 : i32 to index
      %swap3A_351 = tpu.vector_load %arg12[%swap3A_349, %swap3A_350] {strides = array<i32>} : memref<16x1024xf32, #tpu.memory_space<vmem>>, vector<1x16xf32>,
      %swap3A_352 = vector.shape_cast %swap3A_351 : vector<1x16xf32> to vector<16xf32>
      %swap3A_353 = vector.shape_cast %add3A_347 : vector<16xf32> to vector<1x16xf32>
      tpu.vector_store %arg12[%swap3A_349, %swap3A_350], %swap3A_353 {strides = array<i32>} : memref<16x1024xf32, #tpu.memory_space<vmem>>, vector<1x16xf32>,
      %get3A_354 = arith.constant 12 : i32
      %get3A_355 = arith.index_cast %get3A_354 : i32 to index
      %get3A_356 = arith.index_cast %mul3A_151 : i32 to index
      %get3A_357 = tpu.vector_load %arg8[%get3A_355, %get3A_356] {strides = array<i32>} : memref<16x1024xf32, #tpu.memory_space<vmem>>, vector<1x16xf32>,
      %get3A_358 = vector.shape_cast %get3A_357 : vector<1x16xf32> to vector<16xf32>
      %get3A_359 = arith.constant 12 : i32
      %get3A_360 = arith.index_cast %get3A_359 : i32 to index
      %get3A_361 = arith.index_cast %mul3A_151 : i32 to index
      %get3A_362 = tpu.vector_load %arg9[%get3A_360, %get3A_361] {strides = array<i32>} : memref<16x1024xf32, #tpu.memory_space<vmem>>, vector<1x16xf32>,
      %get3A_363 = vector.shape_cast %get3A_362 : vector<1x16xf32> to vector<16xf32>
      %add3A_364 = arith.addf %get3A_358, %get3A_363 : vector<16xf32>
      %swap3A_365 = arith.constant 12 : i32
      %swap3A_366 = arith.index_cast %swap3A_365 : i32 to index
      %swap3A_367 = arith.index_cast %mul3A_151 : i32 to index
      %swap3A_368 = tpu.vector_load %arg12[%swap3A_366, %swap3A_367] {strides = array<i32>} : memref<16x1024xf32, #tpu.memory_space<vmem>>, vector<1x16xf32>,
      %swap3A_369 = vector.shape_cast %swap3A_368 : vector<1x16xf32> to vector<16xf32>
      %swap3A_370 = vector.shape_cast %add3A_364 : vector<16xf32> to vector<1x16xf32>
      tpu.vector_store %arg12[%swap3A_366, %swap3A_367], %swap3A_370 {strides = array<i32>} : memref<16x1024xf32, #tpu.memory_space<vmem>>, vector<1x16xf32>,
      %get3A_371 = arith.constant 13 : i32
      %get3A_372 = arith.index_cast %get3A_371 : i32 to index
      %get3A_373 = arith.index_cast %mul3A_151 : i32 to index
      %get3A_374 = tpu.vector_load %arg8[%get3A_372, %get3A_373] {strides = array<i32>} : memref<16x1024xf32, #tpu.memory_space<vmem>>, vector<1x16xf32>,
      %get3A_375 = vector.shape_cast %get3A_374 : vector<1x16xf32> to vector<16xf32>
      %get3A_376 = arith.constant 13 : i32
      %get3A_377 = arith.index_cast %get3A_376 : i32 to index
      %get3A_378 = arith.index_cast %mul3A_151 : i32 to index
      %get3A_379 = tpu.vector_load %arg9[%get3A_377, %get3A_378] {strides = array<i32>} : memref<16x1024xf32, #tpu.memory_space<vmem>>, vector<1x16xf32>,
      %get3A_380 = vector.shape_cast %get3A_379 : vector<1x16xf32> to vector<16xf32>
      %add3A_381 = arith.addf %get3A_375, %get3A_380 : vector<16xf32>
      %swap3A_382 = arith.constant 13 : i32
      %swap3A_383 = arith.index_cast %swap3A_382 : i32 to index
      %swap3A_384 = arith.index_cast %mul3A_151 : i32 to index
      %swap3A_385 = tpu.vector_load %arg12[%swap3A_383, %swap3A_384] {strides = array<i32>} : memref<16x1024xf32, #tpu.memory_space<vmem>>, vector<1x16xf32>,
      %swap3A_386 = vector.shape_cast %swap3A_385 : vector<1x16xf32> to vector<16xf32>
      %swap3A_387 = vector.shape_cast %add3A_381 : vector<16xf32> to vector<1x16xf32>
      tpu.vector_store %arg12[%swap3A_383, %swap3A_384], %swap3A_387 {strides = array<i32>} : memref<16x1024xf32, #tpu.memory_space<vmem>>, vector<1x16xf32>,
      %get3A_388 = arith.constant 14 : i32
      %get3A_389 = arith.index_cast %get3A_388 : i32 to index
      %get3A_390 = arith.index_cast %mul3A_151 : i32 to index
      %get3A_391 = tpu.vector_load %arg8[%get3A_389, %get3A_390] {strides = array<i32>} : memref<16x1024xf32, #tpu.memory_space<vmem>>, vector<1x16xf32>,
      %get3A_392 = vector.shape_cast %get3A_391 : vector<1x16xf32> to vector<16xf32>
      %get3A_393 = arith.constant 14 : i32
      %get3A_394 = arith.index_cast %get3A_393 : i32 to index
      %get3A_395 = arith.index_cast %mul3A_151 : i32 to index
      %get3A_396 = tpu.vector_load %arg9[%get3A_394, %get3A_395] {strides = array<i32>} : memref<16x1024xf32, #tpu.memory_space<vmem>>, vector<1x16xf32>,
      %get3A_397 = vector.shape_cast %get3A_396 : vector<1x16xf32> to vector<16xf32>
      %add3A_398 = arith.addf %get3A_392, %get3A_397 : vector<16xf32>
      %swap3A_399 = arith.constant 14 : i32
      %swap3A_400 = arith.index_cast %swap3A_399 : i32 to index
      %swap3A_401 = arith.index_cast %mul3A_151 : i32 to index
      %swap3A_402 = tpu.vector_load %arg12[%swap3A_400, %swap3A_401] {strides = array<i32>} : memref<16x1024xf32, #tpu.memory_space<vmem>>, vector<1x16xf32>,
      %swap3A_403 = vector.shape_cast %swap3A_402 : vector<1x16xf32> to vector<16xf32>
      %swap3A_404 = vector.shape_cast %add3A_398 : vector<16xf32> to vector<1x16xf32>
      tpu.vector_store %arg12[%swap3A_400, %swap3A_401], %swap3A_404 {strides = array<i32>} : memref<16x1024xf32, #tpu.memory_space<vmem>>, vector<1x16xf32>,
      %get3A_405 = arith.constant 15 : i32
      %get3A_406 = arith.index_cast %get3A_405 : i32 to index
      %get3A_407 = arith.index_cast %mul3A_151 : i32 to index
      %get3A_408 = tpu.vector_load %arg8[%get3A_406, %get3A_407] {strides = array<i32>} : memref<16x1024xf32, #tpu.memory_space<vmem>>, vector<1x16xf32>,
      %get3A_409 = vector.shape_cast %get3A_408 : vector<1x16xf32> to vector<16xf32>
      %get3A_410 = arith.constant 15 : i32
      %get3A_411 = arith.index_cast %get3A_410 : i32 to index
      %get3A_412 = arith.index_cast %mul3A_151 : i32 to index
      %get3A_413 = tpu.vector_load %arg9[%get3A_411, %get3A_412] {strides = array<i32>} : memref<16x1024xf32, #tpu.memory_space<vmem>>, vector<1x16xf32>,
      %get3A_414 = vector.shape_cast %get3A_413 : vector<1x16xf32> to vector<16xf32>
      %add3A_415 = arith.addf %get3A_409, %get3A_414 : vector<16xf32>
      %swap3A_416 = arith.constant 15 : i32
      %swap3A_417 = arith.index_cast %swap3A_416 : i32 to index
      %swap3A_418 = arith.index_cast %mul3A_151 : i32 to index
      %swap3A_419 = tpu.vector_load %arg12[%swap3A_417, %swap3A_418] {strides = array<i32>} : memref<16x1024xf32, #tpu.memory_space<vmem>>, vector<1x16xf32>,
      %swap3A_420 = vector.shape_cast %swap3A_419 : vector<1x16xf32> to vector<16xf32>
      %swap3A_421 = vector.shape_cast %add3A_415 : vector<16xf32> to vector<1x16xf32>
      tpu.vector_store %arg12[%swap3A_417, %swap3A_418], %swap3A_421 {strides = array<i32>} : memref<16x1024xf32, #tpu.memory_space<vmem>>, vector<1x16xf32>,
      %scan3A_422 = arith.constant 0 : i32
      scf.yield %scan3A_422 : i32
    }
    %scan3A_36 = arith.constant 64 : i32
    %add3A_37 = arith.constant 0 : i32
    %add3A_38 = arith.addi %mul3A_2, %add3A_37 : i32
    %dma_start3A_39 = arith.constant 0 : i32
    %dma_start3A_40 = tpu.memref_slice %arg5[%add3A_38, %dma_start3A_39] : memref<2048x1024xf32, #tpu.memory_space<hbm>> -> memref<16x1024xf32, #tpu.memory_space<hbm>>
    %dma_start3A_41 = arith.constant 0 : i32
    %dma_start3A_42 = tpu.memref_slice %arg5[%add3A_38, %dma_start3A_41] : memref<2048x1024xf32, #tpu.memory_space<hbm>> -> memref<16x1024xf32, #tpu.memory_space<hbm>>
    tpu.enqueue_dma source(%arg12 : memref<16x1024xf32, #tpu.memory_space<vmem>>) target(%dma_start3A_42 : memref<16x1024xf32, #tpu.memory_space<hbm>>) target_semaphore(%arg16 : memref<!tpu.dma_semaphore, #tpu.memory_space<semaphore_mem>>)
    %dma_wait3A_43 = arith.constant 16 : i32
    %dma_wait3A_44 = tpu.memref_slice %arg6[%dma_wait3A_43] : memref<64xi32, #tpu.memory_space<vmem>> -> memref<16xi32, #tpu.memory_space<vmem>>
    %dma_wait3A_45 = arith.constant 0 : i32
    %dma_wait3A_46 = arith.constant 0 : i32
    %dma_wait3A_47 = tpu.memref_slice %arg2[%dma_wait3A_45, %dma_wait3A_46] : memref<5888x1024xf32, #tpu.memory_space<hbm>> -> memref<5888x1024xf32, #tpu.memory_space<hbm>>
    tpu.wait_indirect_dma semaphore(%arg14 : memref<!tpu.dma_semaphore, #tpu.memory_space<semaphore_mem>>) src(%dma_wait3A_47 : memref<5888x1024xf32, #tpu.memory_space<hbm>>) dst(%arg10 : memref<16x1024xf32, #tpu.memory_space<vmem>>)
    %dma_wait3A_48 = arith.constant 16 : i32
    %dma_wait3A_49 = tpu.memref_slice %arg7[%dma_wait3A_48] : memref<64xi32, #tpu.memory_space<vmem>> -> memref<16xi32, #tpu.memory_space<vmem>>
    %dma_wait3A_50 = arith.constant 0 : i32
    %dma_wait3A_51 = arith.constant 0 : i32
    %dma_wait3A_52 = tpu.memref_slice %arg2[%dma_wait3A_50, %dma_wait3A_51] : memref<5888x1024xf32, #tpu.memory_space<hbm>> -> memref<5888x1024xf32, #tpu.memory_space<hbm>>
    tpu.wait_indirect_dma semaphore(%arg15 : memref<!tpu.dma_semaphore, #tpu.memory_space<semaphore_mem>>) src(%dma_wait3A_52 : memref<5888x1024xf32, #tpu.memory_space<hbm>>) dst(%arg11 : memref<16x1024xf32, #tpu.memory_space<vmem>>)
    %dma_start3A_53 = arith.constant 32 : i32
    %dma_start3A_54 = tpu.memref_slice %arg6[%dma_start3A_53] : memref<64xi32, #tpu.memory_space<vmem>> -> memref<16xi32, #tpu.memory_space<vmem>>
    %dma_start3A_55 = arith.constant 0 : i32
    %dma_start3A_56 = arith.constant 0 : i32
    %dma_start3A_57 = tpu.memref_slice %arg2[%dma_start3A_55, %dma_start3A_56] : memref<5888x1024xf32, #tpu.memory_space<hbm>> -> memref<5888x1024xf32, #tpu.memory_space<hbm>>
    tpu.enqueue_indirect_dma source(%dma_start3A_57 : memref<5888x1024xf32, #tpu.memory_space<hbm>>) target(%arg8 : memref<16x1024xf32, #tpu.memory_space<vmem>>) offsets(%dma_start3A_54 : memref<16xi32, #tpu.memory_space<vmem>>) semaphore(%arg14 : memref<!tpu.dma_semaphore, #tpu.memory_space<semaphore_mem>>)
    %dma_start3A_58 = arith.constant 32 : i32
    %dma_start3A_59 = tpu.memref_slice %arg7[%dma_start3A_58] : memref<64xi32, #tpu.memory_space<vmem>> -> memref<16xi32, #tpu.memory_space<vmem>>
    %dma_start3A_60 = arith.constant 0 : i32
    %dma_start3A_61 = arith.constant 0 : i32
    %dma_start3A_62 = tpu.memref_slice %arg2[%dma_start3A_60, %dma_start3A_61] : memref<5888x1024xf32, #tpu.memory_space<hbm>> -> memref<5888x1024xf32, #tpu.memory_space<hbm>>
    tpu.enqueue_indirect_dma source(%dma_start3A_62 : memref<5888x1024xf32, #tpu.memory_space<hbm>>) target(%arg9 : memref<16x1024xf32, #tpu.memory_space<vmem>>) offsets(%dma_start3A_59 : memref<16xi32, #tpu.memory_space<vmem>>) semaphore(%arg15 : memref<!tpu.dma_semaphore, #tpu.memory_space<semaphore_mem>>)
    %scan3A_63 = arith.constant 0 : i32
    %scan3A_64 = arith.constant 0 : i32
    %scan3A_65 = arith.constant 64 : i32
    %scan3A_66 = arith.addi %scan3A_64, %scan3A_65 : i32
    %scan3A_67 = arith.constant 1 : i32
    %scan3A_68 = scf.for %scan3A_148 = %scan3A_64 to %scan3A_66 step %scan3A_67 iter_args(%scan3A_149 = %scan3A_63) -> (i32)  : i32 {
      %mul3A_150 = arith.constant 16 : i32
      %mul3A_151 = arith.muli %scan3A_148, %mul3A_150 : i32
      %get3A = arith.constant 0 : i32
      %get3A_152 = arith.index_cast %get3A : i32 to index
      %get3A_153 = arith.index_cast %mul3A_151 : i32 to index
      %get3A_154 = tpu.vector_load %arg10[%get3A_152, %get3A_153] {strides = array<i32>} : memref<16x1024xf32, #tpu.memory_space<vmem>>, vector<1x16xf32>,
      %get3A_155 = vector.shape_cast %get3A_154 : vector<1x16xf32> to vector<16xf32>
      %get3A_156 = arith.constant 0 : i32
      %get3A_157 = arith.index_cast %get3A_156 : i32 to index
      %get3A_158 = arith.index_cast %mul3A_151 : i32 to index
      %get3A_159 = tpu.vector_load %arg11[%get3A_157, %get3A_158] {strides = array<i32>} : memref<16x1024xf32, #tpu.memory_space<vmem>>, vector<1x16xf32>,
      %get3A_160 = vector.shape_cast %get3A_159 : vector<1x16xf32> to vector<16xf32>
      %add3A_161 = arith.addf %get3A_155, %get3A_160 : vector<16xf32>
      %swap3A = arith.constant 0 : i32
      %swap3A_162 = arith.index_cast %swap3A : i32 to index
      %swap3A_163 = arith.index_cast %mul3A_151 : i32 to index
      %swap3A_164 = tpu.vector_load %arg13[%swap3A_162, %swap3A_163] {strides = array<i32>} : memref<16x1024xf32, #tpu.memory_space<vmem>>, vector<1x16xf32>,
      %swap3A_165 = vector.shape_cast %swap3A_164 : vector<1x16xf32> to vector<16xf32>
      %swap3A_166 = vector.shape_cast %add3A_161 : vector<16xf32> to vector<1x16xf32>
      tpu.vector_store %arg13[%swap3A_162, %swap3A_163], %swap3A_166 {strides = array<i32>} : memref<16x1024xf32, #tpu.memory_space<vmem>>, vector<1x16xf32>,
      %get3A_167 = arith.constant 1 : i32
      %get3A_168 = arith.index_cast %get3A_167 : i32 to index
      %get3A_169 = arith.index_cast %mul3A_151 : i32 to index
      %get3A_170 = tpu.vector_load %arg10[%get3A_168, %get3A_169] {strides = array<i32>} : memref<16x1024xf32, #tpu.memory_space<vmem>>, vector<1x16xf32>,
      %get3A_171 = vector.shape_cast %get3A_170 : vector<1x16xf32> to vector<16xf32>
      %get3A_172 = arith.constant 1 : i32
      %get3A_173 = arith.index_cast %get3A_172 : i32 to index
      %get3A_174 = arith.index_cast %mul3A_151 : i32 to index
      %get3A_175 = tpu.vector_load %arg11[%get3A_173, %get3A_174] {strides = array<i32>} : memref<16x1024xf32, #tpu.memory_space<vmem>>, vector<1x16xf32>,
      %get3A_176 = vector.shape_cast %get3A_175 : vector<1x16xf32> to vector<16xf32>
      %add3A_177 = arith.addf %get3A_171, %get3A_176 : vector<16xf32>
      %swap3A_178 = arith.constant 1 : i32
      %swap3A_179 = arith.index_cast %swap3A_178 : i32 to index
      %swap3A_180 = arith.index_cast %mul3A_151 : i32 to index
      %swap3A_181 = tpu.vector_load %arg13[%swap3A_179, %swap3A_180] {strides = array<i32>} : memref<16x1024xf32, #tpu.memory_space<vmem>>, vector<1x16xf32>,
      %swap3A_182 = vector.shape_cast %swap3A_181 : vector<1x16xf32> to vector<16xf32>
      %swap3A_183 = vector.shape_cast %add3A_177 : vector<16xf32> to vector<1x16xf32>
      tpu.vector_store %arg13[%swap3A_179, %swap3A_180], %swap3A_183 {strides = array<i32>} : memref<16x1024xf32, #tpu.memory_space<vmem>>, vector<1x16xf32>,
      %get3A_184 = arith.constant 2 : i32
      %get3A_185 = arith.index_cast %get3A_184 : i32 to index
      %get3A_186 = arith.index_cast %mul3A_151 : i32 to index
      %get3A_187 = tpu.vector_load %arg10[%get3A_185, %get3A_186] {strides = array<i32>} : memref<16x1024xf32, #tpu.memory_space<vmem>>, vector<1x16xf32>,
      %get3A_188 = vector.shape_cast %get3A_187 : vector<1x16xf32> to vector<16xf32>
      %get3A_189 = arith.constant 2 : i32
      %get3A_190 = arith.index_cast %get3A_189 : i32 to index
      %get3A_191 = arith.index_cast %mul3A_151 : i32 to index
      %get3A_192 = tpu.vector_load %arg11[%get3A_190, %get3A_191] {strides = array<i32>} : memref<16x1024xf32, #tpu.memory_space<vmem>>, vector<1x16xf32>,
      %get3A_193 = vector.shape_cast %get3A_192 : vector<1x16xf32> to vector<16xf32>
      %add3A_194 = arith.addf %get3A_188, %get3A_193 : vector<16xf32>
      %swap3A_195 = arith.constant 2 : i32
      %swap3A_196 = arith.index_cast %swap3A_195 : i32 to index
      %swap3A_197 = arith.index_cast %mul3A_151 : i32 to index
      %swap3A_198 = tpu.vector_load %arg13[%swap3A_196, %swap3A_197] {strides = array<i32>} : memref<16x1024xf32, #tpu.memory_space<vmem>>, vector<1x16xf32>,
      %swap3A_199 = vector.shape_cast %swap3A_198 : vector<1x16xf32> to vector<16xf32>
      %swap3A_200 = vector.shape_cast %add3A_194 : vector<16xf32> to vector<1x16xf32>
      tpu.vector_store %arg13[%swap3A_196, %swap3A_197], %swap3A_200 {strides = array<i32>} : memref<16x1024xf32, #tpu.memory_space<vmem>>, vector<1x16xf32>,
      %get3A_201 = arith.constant 3 : i32
      %get3A_202 = arith.index_cast %get3A_201 : i32 to index
      %get3A_203 = arith.index_cast %mul3A_151 : i32 to index
      %get3A_204 = tpu.vector_load %arg10[%get3A_202, %get3A_203] {strides = array<i32>} : memref<16x1024xf32, #tpu.memory_space<vmem>>, vector<1x16xf32>,
      %get3A_205 = vector.shape_cast %get3A_204 : vector<1x16xf32> to vector<16xf32>
      %get3A_206 = arith.constant 3 : i32
      %get3A_207 = arith.index_cast %get3A_206 : i32 to index
      %get3A_208 = arith.index_cast %mul3A_151 : i32 to index
      %get3A_209 = tpu.vector_load %arg11[%get3A_207, %get3A_208] {strides = array<i32>} : memref<16x1024xf32, #tpu.memory_space<vmem>>, vector<1x16xf32>,
      %get3A_210 = vector.shape_cast %get3A_209 : vector<1x16xf32> to vector<16xf32>
      %add3A_211 = arith.addf %get3A_205, %get3A_210 : vector<16xf32>
      %swap3A_212 = arith.constant 3 : i32
      %swap3A_213 = arith.index_cast %swap3A_212 : i32 to index
      %swap3A_214 = arith.index_cast %mul3A_151 : i32 to index
      %swap3A_215 = tpu.vector_load %arg13[%swap3A_213, %swap3A_214] {strides = array<i32>} : memref<16x1024xf32, #tpu.memory_space<vmem>>, vector<1x16xf32>,
      %swap3A_216 = vector.shape_cast %swap3A_215 : vector<1x16xf32> to vector<16xf32>
      %swap3A_217 = vector.shape_cast %add3A_211 : vector<16xf32> to vector<1x16xf32>
      tpu.vector_store %arg13[%swap3A_213, %swap3A_214], %swap3A_217 {strides = array<i32>} : memref<16x1024xf32, #tpu.memory_space<vmem>>, vector<1x16xf32>,
      %get3A_218 = arith.constant 4 : i32
      %get3A_219 = arith.index_cast %get3A_218 : i32 to index
      %get3A_220 = arith.index_cast %mul3A_151 : i32 to index
      %get3A_221 = tpu.vector_load %arg10[%get3A_219, %get3A_220] {strides = array<i32>} : memref<16x1024xf32, #tpu.memory_space<vmem>>, vector<1x16xf32>,
      %get3A_222 = vector.shape_cast %get3A_221 : vector<1x16xf32> to vector<16xf32>
      %get3A_223 = arith.constant 4 : i32
      %get3A_224 = arith.index_cast %get3A_223 : i32 to index
      %get3A_225 = arith.index_cast %mul3A_151 : i32 to index
      %get3A_226 = tpu.vector_load %arg11[%get3A_224, %get3A_225] {strides = array<i32>} : memref<16x1024xf32, #tpu.memory_space<vmem>>, vector<1x16xf32>,
      %get3A_227 = vector.shape_cast %get3A_226 : vector<1x16xf32> to vector<16xf32>
      %add3A_228 = arith.addf %get3A_222, %get3A_227 : vector<16xf32>
      %swap3A_229 = arith.constant 4 : i32
      %swap3A_230 = arith.index_cast %swap3A_229 : i32 to index
      %swap3A_231 = arith.index_cast %mul3A_151 : i32 to index
      %swap3A_232 = tpu.vector_load %arg13[%swap3A_230, %swap3A_231] {strides = array<i32>} : memref<16x1024xf32, #tpu.memory_space<vmem>>, vector<1x16xf32>,
      %swap3A_233 = vector.shape_cast %swap3A_232 : vector<1x16xf32> to vector<16xf32>
      %swap3A_234 = vector.shape_cast %add3A_228 : vector<16xf32> to vector<1x16xf32>
      tpu.vector_store %arg13[%swap3A_230, %swap3A_231], %swap3A_234 {strides = array<i32>} : memref<16x1024xf32, #tpu.memory_space<vmem>>, vector<1x16xf32>,
      %get3A_235 = arith.constant 5 : i32
      %get3A_236 = arith.index_cast %get3A_235 : i32 to index
      %get3A_237 = arith.index_cast %mul3A_151 : i32 to index
      %get3A_238 = tpu.vector_load %arg10[%get3A_236, %get3A_237] {strides = array<i32>} : memref<16x1024xf32, #tpu.memory_space<vmem>>, vector<1x16xf32>,
      %get3A_239 = vector.shape_cast %get3A_238 : vector<1x16xf32> to vector<16xf32>
      %get3A_240 = arith.constant 5 : i32
      %get3A_241 = arith.index_cast %get3A_240 : i32 to index
      %get3A_242 = arith.index_cast %mul3A_151 : i32 to index
      %get3A_243 = tpu.vector_load %arg11[%get3A_241, %get3A_242] {strides = array<i32>} : memref<16x1024xf32, #tpu.memory_space<vmem>>, vector<1x16xf32>,
      %get3A_244 = vector.shape_cast %get3A_243 : vector<1x16xf32> to vector<16xf32>
      %add3A_245 = arith.addf %get3A_239, %get3A_244 : vector<16xf32>
      %swap3A_246 = arith.constant 5 : i32
      %swap3A_247 = arith.index_cast %swap3A_246 : i32 to index
      %swap3A_248 = arith.index_cast %mul3A_151 : i32 to index
      %swap3A_249 = tpu.vector_load %arg13[%swap3A_247, %swap3A_248] {strides = array<i32>} : memref<16x1024xf32, #tpu.memory_space<vmem>>, vector<1x16xf32>,
      %swap3A_250 = vector.shape_cast %swap3A_249 : vector<1x16xf32> to vector<16xf32>
      %swap3A_251 = vector.shape_cast %add3A_245 : vector<16xf32> to vector<1x16xf32>
      tpu.vector_store %arg13[%swap3A_247, %swap3A_248], %swap3A_251 {strides = array<i32>} : memref<16x1024xf32, #tpu.memory_space<vmem>>, vector<1x16xf32>,
      %get3A_252 = arith.constant 6 : i32
      %get3A_253 = arith.index_cast %get3A_252 : i32 to index
      %get3A_254 = arith.index_cast %mul3A_151 : i32 to index
      %get3A_255 = tpu.vector_load %arg10[%get3A_253, %get3A_254] {strides = array<i32>} : memref<16x1024xf32, #tpu.memory_space<vmem>>, vector<1x16xf32>,
      %get3A_256 = vector.shape_cast %get3A_255 : vector<1x16xf32> to vector<16xf32>
      %get3A_257 = arith.constant 6 : i32
      %get3A_258 = arith.index_cast %get3A_257 : i32 to index
      %get3A_259 = arith.index_cast %mul3A_151 : i32 to index
      %get3A_260 = tpu.vector_load %arg11[%get3A_258, %get3A_259] {strides = array<i32>} : memref<16x1024xf32, #tpu.memory_space<vmem>>, vector<1x16xf32>,
      %get3A_261 = vector.shape_cast %get3A_260 : vector<1x16xf32> to vector<16xf32>
      %add3A_262 = arith.addf %get3A_256, %get3A_261 : vector<16xf32>
      %swap3A_263 = arith.constant 6 : i32
      %swap3A_264 = arith.index_cast %swap3A_263 : i32 to index
      %swap3A_265 = arith.index_cast %mul3A_151 : i32 to index
      %swap3A_266 = tpu.vector_load %arg13[%swap3A_264, %swap3A_265] {strides = array<i32>} : memref<16x1024xf32, #tpu.memory_space<vmem>>, vector<1x16xf32>,
      %swap3A_267 = vector.shape_cast %swap3A_266 : vector<1x16xf32> to vector<16xf32>
      %swap3A_268 = vector.shape_cast %add3A_262 : vector<16xf32> to vector<1x16xf32>
      tpu.vector_store %arg13[%swap3A_264, %swap3A_265], %swap3A_268 {strides = array<i32>} : memref<16x1024xf32, #tpu.memory_space<vmem>>, vector<1x16xf32>,
      %get3A_269 = arith.constant 7 : i32
      %get3A_270 = arith.index_cast %get3A_269 : i32 to index
      %get3A_271 = arith.index_cast %mul3A_151 : i32 to index
      %get3A_272 = tpu.vector_load %arg10[%get3A_270, %get3A_271] {strides = array<i32>} : memref<16x1024xf32, #tpu.memory_space<vmem>>, vector<1x16xf32>,
      %get3A_273 = vector.shape_cast %get3A_272 : vector<1x16xf32> to vector<16xf32>
      %get3A_274 = arith.constant 7 : i32
      %get3A_275 = arith.index_cast %get3A_274 : i32 to index
      %get3A_276 = arith.index_cast %mul3A_151 : i32 to index
      %get3A_277 = tpu.vector_load %arg11[%get3A_275, %get3A_276] {strides = array<i32>} : memref<16x1024xf32, #tpu.memory_space<vmem>>, vector<1x16xf32>,
      %get3A_278 = vector.shape_cast %get3A_277 : vector<1x16xf32> to vector<16xf32>
      %add3A_279 = arith.addf %get3A_273, %get3A_278 : vector<16xf32>
      %swap3A_280 = arith.constant 7 : i32
      %swap3A_281 = arith.index_cast %swap3A_280 : i32 to index
      %swap3A_282 = arith.index_cast %mul3A_151 : i32 to index
      %swap3A_283 = tpu.vector_load %arg13[%swap3A_281, %swap3A_282] {strides = array<i32>} : memref<16x1024xf32, #tpu.memory_space<vmem>>, vector<1x16xf32>,
      %swap3A_284 = vector.shape_cast %swap3A_283 : vector<1x16xf32> to vector<16xf32>
      %swap3A_285 = vector.shape_cast %add3A_279 : vector<16xf32> to vector<1x16xf32>
      tpu.vector_store %arg13[%swap3A_281, %swap3A_282], %swap3A_285 {strides = array<i32>} : memref<16x1024xf32, #tpu.memory_space<vmem>>, vector<1x16xf32>,
      %get3A_286 = arith.constant 8 : i32
      %get3A_287 = arith.index_cast %get3A_286 : i32 to index
      %get3A_288 = arith.index_cast %mul3A_151 : i32 to index
      %get3A_289 = tpu.vector_load %arg10[%get3A_287, %get3A_288] {strides = array<i32>} : memref<16x1024xf32, #tpu.memory_space<vmem>>, vector<1x16xf32>,
      %get3A_290 = vector.shape_cast %get3A_289 : vector<1x16xf32> to vector<16xf32>
      %get3A_291 = arith.constant 8 : i32
      %get3A_292 = arith.index_cast %get3A_291 : i32 to index
      %get3A_293 = arith.index_cast %mul3A_151 : i32 to index
      %get3A_294 = tpu.vector_load %arg11[%get3A_292, %get3A_293] {strides = array<i32>} : memref<16x1024xf32, #tpu.memory_space<vmem>>, vector<1x16xf32>,
      %get3A_295 = vector.shape_cast %get3A_294 : vector<1x16xf32> to vector<16xf32>
      %add3A_296 = arith.addf %get3A_290, %get3A_295 : vector<16xf32>
      %swap3A_297 = arith.constant 8 : i32
      %swap3A_298 = arith.index_cast %swap3A_297 : i32 to index
      %swap3A_299 = arith.index_cast %mul3A_151 : i32 to index
      %swap3A_300 = tpu.vector_load %arg13[%swap3A_298, %swap3A_299] {strides = array<i32>} : memref<16x1024xf32, #tpu.memory_space<vmem>>, vector<1x16xf32>,
      %swap3A_301 = vector.shape_cast %swap3A_300 : vector<1x16xf32> to vector<16xf32>
      %swap3A_302 = vector.shape_cast %add3A_296 : vector<16xf32> to vector<1x16xf32>
      tpu.vector_store %arg13[%swap3A_298, %swap3A_299], %swap3A_302 {strides = array<i32>} : memref<16x1024xf32, #tpu.memory_space<vmem>>, vector<1x16xf32>,
      %get3A_303 = arith.constant 9 : i32
      %get3A_304 = arith.index_cast %get3A_303 : i32 to index
      %get3A_305 = arith.index_cast %mul3A_151 : i32 to index
      %get3A_306 = tpu.vector_load %arg10[%get3A_304, %get3A_305] {strides = array<i32>} : memref<16x1024xf32, #tpu.memory_space<vmem>>, vector<1x16xf32>,
      %get3A_307 = vector.shape_cast %get3A_306 : vector<1x16xf32> to vector<16xf32>
      %get3A_308 = arith.constant 9 : i32
      %get3A_309 = arith.index_cast %get3A_308 : i32 to index
      %get3A_310 = arith.index_cast %mul3A_151 : i32 to index
      %get3A_311 = tpu.vector_load %arg11[%get3A_309, %get3A_310] {strides = array<i32>} : memref<16x1024xf32, #tpu.memory_space<vmem>>, vector<1x16xf32>,
      %get3A_312 = vector.shape_cast %get3A_311 : vector<1x16xf32> to vector<16xf32>
      %add3A_313 = arith.addf %get3A_307, %get3A_312 : vector<16xf32>
      %swap3A_314 = arith.constant 9 : i32
      %swap3A_315 = arith.index_cast %swap3A_314 : i32 to index
      %swap3A_316 = arith.index_cast %mul3A_151 : i32 to index
      %swap3A_317 = tpu.vector_load %arg13[%swap3A_315, %swap3A_316] {strides = array<i32>} : memref<16x1024xf32, #tpu.memory_space<vmem>>, vector<1x16xf32>,
      %swap3A_318 = vector.shape_cast %swap3A_317 : vector<1x16xf32> to vector<16xf32>
      %swap3A_319 = vector.shape_cast %add3A_313 : vector<16xf32> to vector<1x16xf32>
      tpu.vector_store %arg13[%swap3A_315, %swap3A_316], %swap3A_319 {strides = array<i32>} : memref<16x1024xf32, #tpu.memory_space<vmem>>, vector<1x16xf32>,
      %get3A_320 = arith.constant 10 : i32
      %get3A_321 = arith.index_cast %get3A_320 : i32 to index
      %get3A_322 = arith.index_cast %mul3A_151 : i32 to index
      %get3A_323 = tpu.vector_load %arg10[%get3A_321, %get3A_322] {strides = array<i32>} : memref<16x1024xf32, #tpu.memory_space<vmem>>, vector<1x16xf32>,
      %get3A_324 = vector.shape_cast %get3A_323 : vector<1x16xf32> to vector<16xf32>
      %get3A_325 = arith.constant 10 : i32
      %get3A_326 = arith.index_cast %get3A_325 : i32 to index
      %get3A_327 = arith.index_cast %mul3A_151 : i32 to index
      %get3A_328 = tpu.vector_load %arg11[%get3A_326, %get3A_327] {strides = array<i32>} : memref<16x1024xf32, #tpu.memory_space<vmem>>, vector<1x16xf32>,
      %get3A_329 = vector.shape_cast %get3A_328 : vector<1x16xf32> to vector<16xf32>
      %add3A_330 = arith.addf %get3A_324, %get3A_329 : vector<16xf32>
      %swap3A_331 = arith.constant 10 : i32
      %swap3A_332 = arith.index_cast %swap3A_331 : i32 to index
      %swap3A_333 = arith.index_cast %mul3A_151 : i32 to index
      %swap3A_334 = tpu.vector_load %arg13[%swap3A_332, %swap3A_333] {strides = array<i32>} : memref<16x1024xf32, #tpu.memory_space<vmem>>, vector<1x16xf32>,
      %swap3A_335 = vector.shape_cast %swap3A_334 : vector<1x16xf32> to vector<16xf32>
      %swap3A_336 = vector.shape_cast %add3A_330 : vector<16xf32> to vector<1x16xf32>
      tpu.vector_store %arg13[%swap3A_332, %swap3A_333], %swap3A_336 {strides = array<i32>} : memref<16x1024xf32, #tpu.memory_space<vmem>>, vector<1x16xf32>,
      %get3A_337 = arith.constant 11 : i32
      %get3A_338 = arith.index_cast %get3A_337 : i32 to index
      %get3A_339 = arith.index_cast %mul3A_151 : i32 to index
      %get3A_340 = tpu.vector_load %arg10[%get3A_338, %get3A_339] {strides = array<i32>} : memref<16x1024xf32, #tpu.memory_space<vmem>>, vector<1x16xf32>,
      %get3A_341 = vector.shape_cast %get3A_340 : vector<1x16xf32> to vector<16xf32>
      %get3A_342 = arith.constant 11 : i32
      %get3A_343 = arith.index_cast %get3A_342 : i32 to index
      %get3A_344 = arith.index_cast %mul3A_151 : i32 to index
      %get3A_345 = tpu.vector_load %arg11[%get3A_343, %get3A_344] {strides = array<i32>} : memref<16x1024xf32, #tpu.memory_space<vmem>>, vector<1x16xf32>,
      %get3A_346 = vector.shape_cast %get3A_345 : vector<1x16xf32> to vector<16xf32>
      %add3A_347 = arith.addf %get3A_341, %get3A_346 : vector<16xf32>
      %swap3A_348 = arith.constant 11 : i32
      %swap3A_349 = arith.index_cast %swap3A_348 : i32 to index
      %swap3A_350 = arith.index_cast %mul3A_151 : i32 to index
      %swap3A_351 = tpu.vector_load %arg13[%swap3A_349, %swap3A_350] {strides = array<i32>} : memref<16x1024xf32, #tpu.memory_space<vmem>>, vector<1x16xf32>,
      %swap3A_352 = vector.shape_cast %swap3A_351 : vector<1x16xf32> to vector<16xf32>
      %swap3A_353 = vector.shape_cast %add3A_347 : vector<16xf32> to vector<1x16xf32>
      tpu.vector_store %arg13[%swap3A_349, %swap3A_350], %swap3A_353 {strides = array<i32>} : memref<16x1024xf32, #tpu.memory_space<vmem>>, vector<1x16xf32>,
      %get3A_354 = arith.constant 12 : i32
      %get3A_355 = arith.index_cast %get3A_354 : i32 to index
      %get3A_356 = arith.index_cast %mul3A_151 : i32 to index
      %get3A_357 = tpu.vector_load %arg10[%get3A_355, %get3A_356] {strides = array<i32>} : memref<16x1024xf32, #tpu.memory_space<vmem>>, vector<1x16xf32>,
      %get3A_358 = vector.shape_cast %get3A_357 : vector<1x16xf32> to vector<16xf32>
      %get3A_359 = arith.constant 12 : i32
      %get3A_360 = arith.index_cast %get3A_359 : i32 to index
      %get3A_361 = arith.index_cast %mul3A_151 : i32 to index
      %get3A_362 = tpu.vector_load %arg11[%get3A_360, %get3A_361] {strides = array<i32>} : memref<16x1024xf32, #tpu.memory_space<vmem>>, vector<1x16xf32>,
      %get3A_363 = vector.shape_cast %get3A_362 : vector<1x16xf32> to vector<16xf32>
      %add3A_364 = arith.addf %get3A_358, %get3A_363 : vector<16xf32>
      %swap3A_365 = arith.constant 12 : i32
      %swap3A_366 = arith.index_cast %swap3A_365 : i32 to index
      %swap3A_367 = arith.index_cast %mul3A_151 : i32 to index
      %swap3A_368 = tpu.vector_load %arg13[%swap3A_366, %swap3A_367] {strides = array<i32>} : memref<16x1024xf32, #tpu.memory_space<vmem>>, vector<1x16xf32>,
      %swap3A_369 = vector.shape_cast %swap3A_368 : vector<1x16xf32> to vector<16xf32>
      %swap3A_370 = vector.shape_cast %add3A_364 : vector<16xf32> to vector<1x16xf32>
      tpu.vector_store %arg13[%swap3A_366, %swap3A_367], %swap3A_370 {strides = array<i32>} : memref<16x1024xf32, #tpu.memory_space<vmem>>, vector<1x16xf32>,
      %get3A_371 = arith.constant 13 : i32
      %get3A_372 = arith.index_cast %get3A_371 : i32 to index
      %get3A_373 = arith.index_cast %mul3A_151 : i32 to index
      %get3A_374 = tpu.vector_load %arg10[%get3A_372, %get3A_373] {strides = array<i32>} : memref<16x1024xf32, #tpu.memory_space<vmem>>, vector<1x16xf32>,
      %get3A_375 = vector.shape_cast %get3A_374 : vector<1x16xf32> to vector<16xf32>
      %get3A_376 = arith.constant 13 : i32
      %get3A_377 = arith.index_cast %get3A_376 : i32 to index
      %get3A_378 = arith.index_cast %mul3A_151 : i32 to index
      %get3A_379 = tpu.vector_load %arg11[%get3A_377, %get3A_378] {strides = array<i32>} : memref<16x1024xf32, #tpu.memory_space<vmem>>, vector<1x16xf32>,
      %get3A_380 = vector.shape_cast %get3A_379 : vector<1x16xf32> to vector<16xf32>
      %add3A_381 = arith.addf %get3A_375, %get3A_380 : vector<16xf32>
      %swap3A_382 = arith.constant 13 : i32
      %swap3A_383 = arith.index_cast %swap3A_382 : i32 to index
      %swap3A_384 = arith.index_cast %mul3A_151 : i32 to index
      %swap3A_385 = tpu.vector_load %arg13[%swap3A_383, %swap3A_384] {strides = array<i32>} : memref<16x1024xf32, #tpu.memory_space<vmem>>, vector<1x16xf32>,
      %swap3A_386 = vector.shape_cast %swap3A_385 : vector<1x16xf32> to vector<16xf32>
      %swap3A_387 = vector.shape_cast %add3A_381 : vector<16xf32> to vector<1x16xf32>
      tpu.vector_store %arg13[%swap3A_383, %swap3A_384], %swap3A_387 {strides = array<i32>} : memref<16x1024xf32, #tpu.memory_space<vmem>>, vector<1x16xf32>,
      %get3A_388 = arith.constant 14 : i32
      %get3A_389 = arith.index_cast %get3A_388 : i32 to index
      %get3A_390 = arith.index_cast %mul3A_151 : i32 to index
      %get3A_391 = tpu.vector_load %arg10[%get3A_389, %get3A_390] {strides = array<i32>} : memref<16x1024xf32, #tpu.memory_space<vmem>>, vector<1x16xf32>,
      %get3A_392 = vector.shape_cast %get3A_391 : vector<1x16xf32> to vector<16xf32>
      %get3A_393 = arith.constant 14 : i32
      %get3A_394 = arith.index_cast %get3A_393 : i32 to index
      %get3A_395 = arith.index_cast %mul3A_151 : i32 to index
      %get3A_396 = tpu.vector_load %arg11[%get3A_394, %get3A_395] {strides = array<i32>} : memref<16x1024xf32, #tpu.memory_space<vmem>>, vector<1x16xf32>,
      %get3A_397 = vector.shape_cast %get3A_396 : vector<1x16xf32> to vector<16xf32>
      %add3A_398 = arith.addf %get3A_392, %get3A_397 : vector<16xf32>
      %swap3A_399 = arith.constant 14 : i32
      %swap3A_400 = arith.index_cast %swap3A_399 : i32 to index
      %swap3A_401 = arith.index_cast %mul3A_151 : i32 to index
      %swap3A_402 = tpu.vector_load %arg13[%swap3A_400, %swap3A_401] {strides = array<i32>} : memref<16x1024xf32, #tpu.memory_space<vmem>>, vector<1x16xf32>,
      %swap3A_403 = vector.shape_cast %swap3A_402 : vector<1x16xf32> to vector<16xf32>
      %swap3A_404 = vector.shape_cast %add3A_398 : vector<16xf32> to vector<1x16xf32>
      tpu.vector_store %arg13[%swap3A_400, %swap3A_401], %swap3A_404 {strides = array<i32>} : memref<16x1024xf32, #tpu.memory_space<vmem>>, vector<1x16xf32>,
      %get3A_405 = arith.constant 15 : i32
      %get3A_406 = arith.index_cast %get3A_405 : i32 to index
      %get3A_407 = arith.index_cast %mul3A_151 : i32 to index
      %get3A_408 = tpu.vector_load %arg10[%get3A_406, %get3A_407] {strides = array<i32>} : memref<16x1024xf32, #tpu.memory_space<vmem>>, vector<1x16xf32>,
      %get3A_409 = vector.shape_cast %get3A_408 : vector<1x16xf32> to vector<16xf32>
      %get3A_410 = arith.constant 15 : i32
      %get3A_411 = arith.index_cast %get3A_410 : i32 to index
      %get3A_412 = arith.index_cast %mul3A_151 : i32 to index
      %get3A_413 = tpu.vector_load %arg11[%get3A_411, %get3A_412] {strides = array<i32>} : memref<16x1024xf32, #tpu.memory_space<vmem>>, vector<1x16xf32>,
      %get3A_414 = vector.shape_cast %get3A_413 : vector<1x16xf32> to vector<16xf32>
      %add3A_415 = arith.addf %get3A_409, %get3A_414 : vector<16xf32>
      %swap3A_416 = arith.constant 15 : i32
      %swap3A_417 = arith.index_cast %swap3A_416 : i32 to index
      %swap3A_418 = arith.index_cast %mul3A_151 : i32 to index
      %swap3A_419 = tpu.vector_load %arg13[%swap3A_417, %swap3A_418] {strides = array<i32>} : memref<16x1024xf32, #tpu.memory_space<vmem>>, vector<1x16xf32>,
      %swap3A_420 = vector.shape_cast %swap3A_419 : vector<1x16xf32> to vector<16xf32>
      %swap3A_421 = vector.shape_cast %add3A_415 : vector<16xf32> to vector<1x16xf32>
      tpu.vector_store %arg13[%swap3A_417, %swap3A_418], %swap3A_421 {strides = array<i32>} : memref<16x1024xf32, #tpu.memory_space<vmem>>, vector<1x16xf32>,
      %scan3A_422 = arith.constant 0 : i32
      scf.yield %scan3A_422 : i32
    }
    %scan3A_69 = arith.constant 64 : i32
    %add3A_70 = arith.constant 16 : i32
    %add3A_71 = arith.addi %mul3A_2, %add3A_70 : i32
    %dma_start3A_72 = arith.constant 0 : i32
    %dma_start3A_73 = tpu.memref_slice %arg5[%add3A_71, %dma_start3A_72] : memref<2048x1024xf32, #tpu.memory_space<hbm>> -> memref<16x1024xf32, #tpu.memory_space<hbm>>
    %dma_start3A_74 = arith.constant 0 : i32
    %dma_start3A_75 = tpu.memref_slice %arg5[%add3A_71, %dma_start3A_74] : memref<2048x1024xf32, #tpu.memory_space<hbm>> -> memref<16x1024xf32, #tpu.memory_space<hbm>>
    tpu.enqueue_dma source(%arg13 : memref<16x1024xf32, #tpu.memory_space<vmem>>) target(%dma_start3A_75 : memref<16x1024xf32, #tpu.memory_space<hbm>>) target_semaphore(%arg17 : memref<!tpu.dma_semaphore, #tpu.memory_space<semaphore_mem>>)
    %dma_wait3A_76 = arith.constant 32 : i32
    %dma_wait3A_77 = tpu.memref_slice %arg6[%dma_wait3A_76] : memref<64xi32, #tpu.memory_space<vmem>> -> memref<16xi32, #tpu.memory_space<vmem>>
    %dma_wait3A_78 = arith.constant 0 : i32
    %dma_wait3A_79 = arith.constant 0 : i32
    %dma_wait3A_80 = tpu.memref_slice %arg2[%dma_wait3A_78, %dma_wait3A_79] : memref<5888x1024xf32, #tpu.memory_space<hbm>> -> memref<5888x1024xf32, #tpu.memory_space<hbm>>
    tpu.wait_indirect_dma semaphore(%arg14 : memref<!tpu.dma_semaphore, #tpu.memory_space<semaphore_mem>>) src(%dma_wait3A_80 : memref<5888x1024xf32, #tpu.memory_space<hbm>>) dst(%arg8 : memref<16x1024xf32, #tpu.memory_space<vmem>>)
    %dma_wait3A_81 = arith.constant 32 : i32
    %dma_wait3A_82 = tpu.memref_slice %arg7[%dma_wait3A_81] : memref<64xi32, #tpu.memory_space<vmem>> -> memref<16xi32, #tpu.memory_space<vmem>>
    %dma_wait3A_83 = arith.constant 0 : i32
    %dma_wait3A_84 = arith.constant 0 : i32
    %dma_wait3A_85 = tpu.memref_slice %arg2[%dma_wait3A_83, %dma_wait3A_84] : memref<5888x1024xf32, #tpu.memory_space<hbm>> -> memref<5888x1024xf32, #tpu.memory_space<hbm>>
    tpu.wait_indirect_dma semaphore(%arg15 : memref<!tpu.dma_semaphore, #tpu.memory_space<semaphore_mem>>) src(%dma_wait3A_85 : memref<5888x1024xf32, #tpu.memory_space<hbm>>) dst(%arg9 : memref<16x1024xf32, #tpu.memory_space<vmem>>)
    %dma_start3A_86 = arith.constant 48 : i32
    %dma_start3A_87 = tpu.memref_slice %arg6[%dma_start3A_86] : memref<64xi32, #tpu.memory_space<vmem>> -> memref<16xi32, #tpu.memory_space<vmem>>
    %dma_start3A_88 = arith.constant 0 : i32
    %dma_start3A_89 = arith.constant 0 : i32
    %dma_start3A_90 = tpu.memref_slice %arg2[%dma_start3A_88, %dma_start3A_89] : memref<5888x1024xf32, #tpu.memory_space<hbm>> -> memref<5888x1024xf32, #tpu.memory_space<hbm>>
    tpu.enqueue_indirect_dma source(%dma_start3A_90 : memref<5888x1024xf32, #tpu.memory_space<hbm>>) target(%arg10 : memref<16x1024xf32, #tpu.memory_space<vmem>>) offsets(%dma_start3A_87 : memref<16xi32, #tpu.memory_space<vmem>>) semaphore(%arg14 : memref<!tpu.dma_semaphore, #tpu.memory_space<semaphore_mem>>)
    %dma_start3A_91 = arith.constant 48 : i32
    %dma_start3A_92 = tpu.memref_slice %arg7[%dma_start3A_91] : memref<64xi32, #tpu.memory_space<vmem>> -> memref<16xi32, #tpu.memory_space<vmem>>
    %dma_start3A_93 = arith.constant 0 : i32
    %dma_start3A_94 = arith.constant 0 : i32
    %dma_start3A_95 = tpu.memref_slice %arg2[%dma_start3A_93, %dma_start3A_94] : memref<5888x1024xf32, #tpu.memory_space<hbm>> -> memref<5888x1024xf32, #tpu.memory_space<hbm>>
    tpu.enqueue_indirect_dma source(%dma_start3A_95 : memref<5888x1024xf32, #tpu.memory_space<hbm>>) target(%arg11 : memref<16x1024xf32, #tpu.memory_space<vmem>>) offsets(%dma_start3A_92 : memref<16xi32, #tpu.memory_space<vmem>>) semaphore(%arg15 : memref<!tpu.dma_semaphore, #tpu.memory_space<semaphore_mem>>)
    %dma_wait3A_96 = arith.constant 0 : i32
    %dma_wait3A_97 = tpu.memref_slice %arg5[%add3A_38, %dma_wait3A_96] : memref<2048x1024xf32, #tpu.memory_space<hbm>> -> memref<16x1024xf32, #tpu.memory_space<hbm>>
    %dma_wait3A_98 = arith.constant 0 : i32
    %dma_wait3A_99 = tpu.memref_slice %arg5[%add3A_38, %dma_wait3A_98] : memref<2048x1024xf32, #tpu.memory_space<hbm>> -> memref<16x1024xf32, #tpu.memory_space<hbm>>
    tpu.wait_dma2 semaphore(%arg16 : memref<!tpu.dma_semaphore, #tpu.memory_space<semaphore_mem>>) src(%arg12 : memref<16x1024xf32, #tpu.memory_space<vmem>>) dst(%dma_wait3A_99 : memref<16x1024xf32, #tpu.memory_space<hbm>>)
    %scan3A_100 = arith.constant 0 : i32
    %scan3A_101 = arith.constant 0 : i32
    %scan3A_102 = arith.constant 64 : i32
    %scan3A_103 = arith.addi %scan3A_101, %scan3A_102 : i32
    %scan3A_104 = arith.constant 1 : i32
    %scan3A_105 = scf.for %scan3A_148 = %scan3A_101 to %scan3A_103 step %scan3A_104 iter_args(%scan3A_149 = %scan3A_100) -> (i32)  : i32 {
      %mul3A_150 = arith.constant 16 : i32
      %mul3A_151 = arith.muli %scan3A_148, %mul3A_150 : i32
      %get3A = arith.constant 0 : i32
      %get3A_152 = arith.index_cast %get3A : i32 to index
      %get3A_153 = arith.index_cast %mul3A_151 : i32 to index
      %get3A_154 = tpu.vector_load %arg8[%get3A_152, %get3A_153] {strides = array<i32>} : memref<16x1024xf32, #tpu.memory_space<vmem>>, vector<1x16xf32>,
      %get3A_155 = vector.shape_cast %get3A_154 : vector<1x16xf32> to vector<16xf32>
      %get3A_156 = arith.constant 0 : i32
      %get3A_157 = arith.index_cast %get3A_156 : i32 to index
      %get3A_158 = arith.index_cast %mul3A_151 : i32 to index
      %get3A_159 = tpu.vector_load %arg9[%get3A_157, %get3A_158] {strides = array<i32>} : memref<16x1024xf32, #tpu.memory_space<vmem>>, vector<1x16xf32>,
      %get3A_160 = vector.shape_cast %get3A_159 : vector<1x16xf32> to vector<16xf32>
      %add3A_161 = arith.addf %get3A_155, %get3A_160 : vector<16xf32>
      %swap3A = arith.constant 0 : i32
      %swap3A_162 = arith.index_cast %swap3A : i32 to index
      %swap3A_163 = arith.index_cast %mul3A_151 : i32 to index
      %swap3A_164 = tpu.vector_load %arg12[%swap3A_162, %swap3A_163] {strides = array<i32>} : memref<16x1024xf32, #tpu.memory_space<vmem>>, vector<1x16xf32>,
      %swap3A_165 = vector.shape_cast %swap3A_164 : vector<1x16xf32> to vector<16xf32>
      %swap3A_166 = vector.shape_cast %add3A_161 : vector<16xf32> to vector<1x16xf32>
      tpu.vector_store %arg12[%swap3A_162, %swap3A_163], %swap3A_166 {strides = array<i32>} : memref<16x1024xf32, #tpu.memory_space<vmem>>, vector<1x16xf32>,
      %get3A_167 = arith.constant 1 : i32
      %get3A_168 = arith.index_cast %get3A_167 : i32 to index
      %get3A_169 = arith.index_cast %mul3A_151 : i32 to index
      %get3A_170 = tpu.vector_load %arg8[%get3A_168, %get3A_169] {strides = array<i32>} : memref<16x1024xf32, #tpu.memory_space<vmem>>, vector<1x16xf32>,
      %get3A_171 = vector.shape_cast %get3A_170 : vector<1x16xf32> to vector<16xf32>
      %get3A_172 = arith.constant 1 : i32
      %get3A_173 = arith.index_cast %get3A_172 : i32 to index
      %get3A_174 = arith.index_cast %mul3A_151 : i32 to index
      %get3A_175 = tpu.vector_load %arg9[%get3A_173, %get3A_174] {strides = array<i32>} : memref<16x1024xf32, #tpu.memory_space<vmem>>, vector<1x16xf32>,
      %get3A_176 = vector.shape_cast %get3A_175 : vector<1x16xf32> to vector<16xf32>
      %add3A_177 = arith.addf %get3A_171, %get3A_176 : vector<16xf32>
      %swap3A_178 = arith.constant 1 : i32
      %swap3A_179 = arith.index_cast %swap3A_178 : i32 to index
      %swap3A_180 = arith.index_cast %mul3A_151 : i32 to index
      %swap3A_181 = tpu.vector_load %arg12[%swap3A_179, %swap3A_180] {strides = array<i32>} : memref<16x1024xf32, #tpu.memory_space<vmem>>, vector<1x16xf32>,
      %swap3A_182 = vector.shape_cast %swap3A_181 : vector<1x16xf32> to vector<16xf32>
      %swap3A_183 = vector.shape_cast %add3A_177 : vector<16xf32> to vector<1x16xf32>
      tpu.vector_store %arg12[%swap3A_179, %swap3A_180], %swap3A_183 {strides = array<i32>} : memref<16x1024xf32, #tpu.memory_space<vmem>>, vector<1x16xf32>,
      %get3A_184 = arith.constant 2 : i32
      %get3A_185 = arith.index_cast %get3A_184 : i32 to index
      %get3A_186 = arith.index_cast %mul3A_151 : i32 to index
      %get3A_187 = tpu.vector_load %arg8[%get3A_185, %get3A_186] {strides = array<i32>} : memref<16x1024xf32, #tpu.memory_space<vmem>>, vector<1x16xf32>,
      %get3A_188 = vector.shape_cast %get3A_187 : vector<1x16xf32> to vector<16xf32>
      %get3A_189 = arith.constant 2 : i32
      %get3A_190 = arith.index_cast %get3A_189 : i32 to index
      %get3A_191 = arith.index_cast %mul3A_151 : i32 to index
      %get3A_192 = tpu.vector_load %arg9[%get3A_190, %get3A_191] {strides = array<i32>} : memref<16x1024xf32, #tpu.memory_space<vmem>>, vector<1x16xf32>,
      %get3A_193 = vector.shape_cast %get3A_192 : vector<1x16xf32> to vector<16xf32>
      %add3A_194 = arith.addf %get3A_188, %get3A_193 : vector<16xf32>
      %swap3A_195 = arith.constant 2 : i32
      %swap3A_196 = arith.index_cast %swap3A_195 : i32 to index
      %swap3A_197 = arith.index_cast %mul3A_151 : i32 to index
      %swap3A_198 = tpu.vector_load %arg12[%swap3A_196, %swap3A_197] {strides = array<i32>} : memref<16x1024xf32, #tpu.memory_space<vmem>>, vector<1x16xf32>,
      %swap3A_199 = vector.shape_cast %swap3A_198 : vector<1x16xf32> to vector<16xf32>
      %swap3A_200 = vector.shape_cast %add3A_194 : vector<16xf32> to vector<1x16xf32>
      tpu.vector_store %arg12[%swap3A_196, %swap3A_197], %swap3A_200 {strides = array<i32>} : memref<16x1024xf32, #tpu.memory_space<vmem>>, vector<1x16xf32>,
      %get3A_201 = arith.constant 3 : i32
      %get3A_202 = arith.index_cast %get3A_201 : i32 to index
      %get3A_203 = arith.index_cast %mul3A_151 : i32 to index
      %get3A_204 = tpu.vector_load %arg8[%get3A_202, %get3A_203] {strides = array<i32>} : memref<16x1024xf32, #tpu.memory_space<vmem>>, vector<1x16xf32>,
      %get3A_205 = vector.shape_cast %get3A_204 : vector<1x16xf32> to vector<16xf32>
      %get3A_206 = arith.constant 3 : i32
      %get3A_207 = arith.index_cast %get3A_206 : i32 to index
      %get3A_208 = arith.index_cast %mul3A_151 : i32 to index
      %get3A_209 = tpu.vector_load %arg9[%get3A_207, %get3A_208] {strides = array<i32>} : memref<16x1024xf32, #tpu.memory_space<vmem>>, vector<1x16xf32>,
      %get3A_210 = vector.shape_cast %get3A_209 : vector<1x16xf32> to vector<16xf32>
      %add3A_211 = arith.addf %get3A_205, %get3A_210 : vector<16xf32>
      %swap3A_212 = arith.constant 3 : i32
      %swap3A_213 = arith.index_cast %swap3A_212 : i32 to index
      %swap3A_214 = arith.index_cast %mul3A_151 : i32 to index
      %swap3A_215 = tpu.vector_load %arg12[%swap3A_213, %swap3A_214] {strides = array<i32>} : memref<16x1024xf32, #tpu.memory_space<vmem>>, vector<1x16xf32>,
      %swap3A_216 = vector.shape_cast %swap3A_215 : vector<1x16xf32> to vector<16xf32>
      %swap3A_217 = vector.shape_cast %add3A_211 : vector<16xf32> to vector<1x16xf32>
      tpu.vector_store %arg12[%swap3A_213, %swap3A_214], %swap3A_217 {strides = array<i32>} : memref<16x1024xf32, #tpu.memory_space<vmem>>, vector<1x16xf32>,
      %get3A_218 = arith.constant 4 : i32
      %get3A_219 = arith.index_cast %get3A_218 : i32 to index
      %get3A_220 = arith.index_cast %mul3A_151 : i32 to index
      %get3A_221 = tpu.vector_load %arg8[%get3A_219, %get3A_220] {strides = array<i32>} : memref<16x1024xf32, #tpu.memory_space<vmem>>, vector<1x16xf32>,
      %get3A_222 = vector.shape_cast %get3A_221 : vector<1x16xf32> to vector<16xf32>
      %get3A_223 = arith.constant 4 : i32
      %get3A_224 = arith.index_cast %get3A_223 : i32 to index
      %get3A_225 = arith.index_cast %mul3A_151 : i32 to index
      %get3A_226 = tpu.vector_load %arg9[%get3A_224, %get3A_225] {strides = array<i32>} : memref<16x1024xf32, #tpu.memory_space<vmem>>, vector<1x16xf32>,
      %get3A_227 = vector.shape_cast %get3A_226 : vector<1x16xf32> to vector<16xf32>
      %add3A_228 = arith.addf %get3A_222, %get3A_227 : vector<16xf32>
      %swap3A_229 = arith.constant 4 : i32
      %swap3A_230 = arith.index_cast %swap3A_229 : i32 to index
      %swap3A_231 = arith.index_cast %mul3A_151 : i32 to index
      %swap3A_232 = tpu.vector_load %arg12[%swap3A_230, %swap3A_231] {strides = array<i32>} : memref<16x1024xf32, #tpu.memory_space<vmem>>, vector<1x16xf32>,
      %swap3A_233 = vector.shape_cast %swap3A_232 : vector<1x16xf32> to vector<16xf32>
      %swap3A_234 = vector.shape_cast %add3A_228 : vector<16xf32> to vector<1x16xf32>
      tpu.vector_store %arg12[%swap3A_230, %swap3A_231], %swap3A_234 {strides = array<i32>} : memref<16x1024xf32, #tpu.memory_space<vmem>>, vector<1x16xf32>,
      %get3A_235 = arith.constant 5 : i32
      %get3A_236 = arith.index_cast %get3A_235 : i32 to index
      %get3A_237 = arith.index_cast %mul3A_151 : i32 to index
      %get3A_238 = tpu.vector_load %arg8[%get3A_236, %get3A_237] {strides = array<i32>} : memref<16x1024xf32, #tpu.memory_space<vmem>>, vector<1x16xf32>,
      %get3A_239 = vector.shape_cast %get3A_238 : vector<1x16xf32> to vector<16xf32>
      %get3A_240 = arith.constant 5 : i32
      %get3A_241 = arith.index_cast %get3A_240 : i32 to index
      %get3A_242 = arith.index_cast %mul3A_151 : i32 to index
      %get3A_243 = tpu.vector_load %arg9[%get3A_241, %get3A_242] {strides = array<i32>} : memref<16x1024xf32, #tpu.memory_space<vmem>>, vector<1x16xf32>,
      %get3A_244 = vector.shape_cast %get3A_243 : vector<1x16xf32> to vector<16xf32>
      %add3A_245 = arith.addf %get3A_239, %get3A_244 : vector<16xf32>
      %swap3A_246 = arith.constant 5 : i32
      %swap3A_247 = arith.index_cast %swap3A_246 : i32 to index
      %swap3A_248 = arith.index_cast %mul3A_151 : i32 to index
      %swap3A_249 = tpu.vector_load %arg12[%swap3A_247, %swap3A_248] {strides = array<i32>} : memref<16x1024xf32, #tpu.memory_space<vmem>>, vector<1x16xf32>,
      %swap3A_250 = vector.shape_cast %swap3A_249 : vector<1x16xf32> to vector<16xf32>
      %swap3A_251 = vector.shape_cast %add3A_245 : vector<16xf32> to vector<1x16xf32>
      tpu.vector_store %arg12[%swap3A_247, %swap3A_248], %swap3A_251 {strides = array<i32>} : memref<16x1024xf32, #tpu.memory_space<vmem>>, vector<1x16xf32>,
      %get3A_252 = arith.constant 6 : i32
      %get3A_253 = arith.index_cast %get3A_252 : i32 to index
      %get3A_254 = arith.index_cast %mul3A_151 : i32 to index
      %get3A_255 = tpu.vector_load %arg8[%get3A_253, %get3A_254] {strides = array<i32>} : memref<16x1024xf32, #tpu.memory_space<vmem>>, vector<1x16xf32>,
      %get3A_256 = vector.shape_cast %get3A_255 : vector<1x16xf32> to vector<16xf32>
      %get3A_257 = arith.constant 6 : i32
      %get3A_258 = arith.index_cast %get3A_257 : i32 to index
      %get3A_259 = arith.index_cast %mul3A_151 : i32 to index
      %get3A_260 = tpu.vector_load %arg9[%get3A_258, %get3A_259] {strides = array<i32>} : memref<16x1024xf32, #tpu.memory_space<vmem>>, vector<1x16xf32>,
      %get3A_261 = vector.shape_cast %get3A_260 : vector<1x16xf32> to vector<16xf32>
      %add3A_262 = arith.addf %get3A_256, %get3A_261 : vector<16xf32>
      %swap3A_263 = arith.constant 6 : i32
      %swap3A_264 = arith.index_cast %swap3A_263 : i32 to index
      %swap3A_265 = arith.index_cast %mul3A_151 : i32 to index
      %swap3A_266 = tpu.vector_load %arg12[%swap3A_264, %swap3A_265] {strides = array<i32>} : memref<16x1024xf32, #tpu.memory_space<vmem>>, vector<1x16xf32>,
      %swap3A_267 = vector.shape_cast %swap3A_266 : vector<1x16xf32> to vector<16xf32>
      %swap3A_268 = vector.shape_cast %add3A_262 : vector<16xf32> to vector<1x16xf32>
      tpu.vector_store %arg12[%swap3A_264, %swap3A_265], %swap3A_268 {strides = array<i32>} : memref<16x1024xf32, #tpu.memory_space<vmem>>, vector<1x16xf32>,
      %get3A_269 = arith.constant 7 : i32
      %get3A_270 = arith.index_cast %get3A_269 : i32 to index
      %get3A_271 = arith.index_cast %mul3A_151 : i32 to index
      %get3A_272 = tpu.vector_load %arg8[%get3A_270, %get3A_271] {strides = array<i32>} : memref<16x1024xf32, #tpu.memory_space<vmem>>, vector<1x16xf32>,
      %get3A_273 = vector.shape_cast %get3A_272 : vector<1x16xf32> to vector<16xf32>
      %get3A_274 = arith.constant 7 : i32
      %get3A_275 = arith.index_cast %get3A_274 : i32 to index
      %get3A_276 = arith.index_cast %mul3A_151 : i32 to index
      %get3A_277 = tpu.vector_load %arg9[%get3A_275, %get3A_276] {strides = array<i32>} : memref<16x1024xf32, #tpu.memory_space<vmem>>, vector<1x16xf32>,
      %get3A_278 = vector.shape_cast %get3A_277 : vector<1x16xf32> to vector<16xf32>
      %add3A_279 = arith.addf %get3A_273, %get3A_278 : vector<16xf32>
      %swap3A_280 = arith.constant 7 : i32
      %swap3A_281 = arith.index_cast %swap3A_280 : i32 to index
      %swap3A_282 = arith.index_cast %mul3A_151 : i32 to index
      %swap3A_283 = tpu.vector_load %arg12[%swap3A_281, %swap3A_282] {strides = array<i32>} : memref<16x1024xf32, #tpu.memory_space<vmem>>, vector<1x16xf32>,
      %swap3A_284 = vector.shape_cast %swap3A_283 : vector<1x16xf32> to vector<16xf32>
      %swap3A_285 = vector.shape_cast %add3A_279 : vector<16xf32> to vector<1x16xf32>
      tpu.vector_store %arg12[%swap3A_281, %swap3A_282], %swap3A_285 {strides = array<i32>} : memref<16x1024xf32, #tpu.memory_space<vmem>>, vector<1x16xf32>,
      %get3A_286 = arith.constant 8 : i32
      %get3A_287 = arith.index_cast %get3A_286 : i32 to index
      %get3A_288 = arith.index_cast %mul3A_151 : i32 to index
      %get3A_289 = tpu.vector_load %arg8[%get3A_287, %get3A_288] {strides = array<i32>} : memref<16x1024xf32, #tpu.memory_space<vmem>>, vector<1x16xf32>,
      %get3A_290 = vector.shape_cast %get3A_289 : vector<1x16xf32> to vector<16xf32>
      %get3A_291 = arith.constant 8 : i32
      %get3A_292 = arith.index_cast %get3A_291 : i32 to index
      %get3A_293 = arith.index_cast %mul3A_151 : i32 to index
      %get3A_294 = tpu.vector_load %arg9[%get3A_292, %get3A_293] {strides = array<i32>} : memref<16x1024xf32, #tpu.memory_space<vmem>>, vector<1x16xf32>,
      %get3A_295 = vector.shape_cast %get3A_294 : vector<1x16xf32> to vector<16xf32>
      %add3A_296 = arith.addf %get3A_290, %get3A_295 : vector<16xf32>
      %swap3A_297 = arith.constant 8 : i32
      %swap3A_298 = arith.index_cast %swap3A_297 : i32 to index
      %swap3A_299 = arith.index_cast %mul3A_151 : i32 to index
      %swap3A_300 = tpu.vector_load %arg12[%swap3A_298, %swap3A_299] {strides = array<i32>} : memref<16x1024xf32, #tpu.memory_space<vmem>>, vector<1x16xf32>,
      %swap3A_301 = vector.shape_cast %swap3A_300 : vector<1x16xf32> to vector<16xf32>
      %swap3A_302 = vector.shape_cast %add3A_296 : vector<16xf32> to vector<1x16xf32>
      tpu.vector_store %arg12[%swap3A_298, %swap3A_299], %swap3A_302 {strides = array<i32>} : memref<16x1024xf32, #tpu.memory_space<vmem>>, vector<1x16xf32>,
      %get3A_303 = arith.constant 9 : i32
      %get3A_304 = arith.index_cast %get3A_303 : i32 to index
      %get3A_305 = arith.index_cast %mul3A_151 : i32 to index
      %get3A_306 = tpu.vector_load %arg8[%get3A_304, %get3A_305] {strides = array<i32>} : memref<16x1024xf32, #tpu.memory_space<vmem>>, vector<1x16xf32>,
      %get3A_307 = vector.shape_cast %get3A_306 : vector<1x16xf32> to vector<16xf32>
      %get3A_308 = arith.constant 9 : i32
      %get3A_309 = arith.index_cast %get3A_308 : i32 to index
      %get3A_310 = arith.index_cast %mul3A_151 : i32 to index
      %get3A_311 = tpu.vector_load %arg9[%get3A_309, %get3A_310] {strides = array<i32>} : memref<16x1024xf32, #tpu.memory_space<vmem>>, vector<1x16xf32>,
      %get3A_312 = vector.shape_cast %get3A_311 : vector<1x16xf32> to vector<16xf32>
      %add3A_313 = arith.addf %get3A_307, %get3A_312 : vector<16xf32>
      %swap3A_314 = arith.constant 9 : i32
      %swap3A_315 = arith.index_cast %swap3A_314 : i32 to index
      %swap3A_316 = arith.index_cast %mul3A_151 : i32 to index
      %swap3A_317 = tpu.vector_load %arg12[%swap3A_315, %swap3A_316] {strides = array<i32>} : memref<16x1024xf32, #tpu.memory_space<vmem>>, vector<1x16xf32>,
      %swap3A_318 = vector.shape_cast %swap3A_317 : vector<1x16xf32> to vector<16xf32>
      %swap3A_319 = vector.shape_cast %add3A_313 : vector<16xf32> to vector<1x16xf32>
      tpu.vector_store %arg12[%swap3A_315, %swap3A_316], %swap3A_319 {strides = array<i32>} : memref<16x1024xf32, #tpu.memory_space<vmem>>, vector<1x16xf32>,
      %get3A_320 = arith.constant 10 : i32
      %get3A_321 = arith.index_cast %get3A_320 : i32 to index
      %get3A_322 = arith.index_cast %mul3A_151 : i32 to index
      %get3A_323 = tpu.vector_load %arg8[%get3A_321, %get3A_322] {strides = array<i32>} : memref<16x1024xf32, #tpu.memory_space<vmem>>, vector<1x16xf32>,
      %get3A_324 = vector.shape_cast %get3A_323 : vector<1x16xf32> to vector<16xf32>
      %get3A_325 = arith.constant 10 : i32
      %get3A_326 = arith.index_cast %get3A_325 : i32 to index
      %get3A_327 = arith.index_cast %mul3A_151 : i32 to index
      %get3A_328 = tpu.vector_load %arg9[%get3A_326, %get3A_327] {strides = array<i32>} : memref<16x1024xf32, #tpu.memory_space<vmem>>, vector<1x16xf32>,
      %get3A_329 = vector.shape_cast %get3A_328 : vector<1x16xf32> to vector<16xf32>
      %add3A_330 = arith.addf %get3A_324, %get3A_329 : vector<16xf32>
      %swap3A_331 = arith.constant 10 : i32
      %swap3A_332 = arith.index_cast %swap3A_331 : i32 to index
      %swap3A_333 = arith.index_cast %mul3A_151 : i32 to index
      %swap3A_334 = tpu.vector_load %arg12[%swap3A_332, %swap3A_333] {strides = array<i32>} : memref<16x1024xf32, #tpu.memory_space<vmem>>, vector<1x16xf32>,
      %swap3A_335 = vector.shape_cast %swap3A_334 : vector<1x16xf32> to vector<16xf32>
      %swap3A_336 = vector.shape_cast %add3A_330 : vector<16xf32> to vector<1x16xf32>
      tpu.vector_store %arg12[%swap3A_332, %swap3A_333], %swap3A_336 {strides = array<i32>} : memref<16x1024xf32, #tpu.memory_space<vmem>>, vector<1x16xf32>,
      %get3A_337 = arith.constant 11 : i32
      %get3A_338 = arith.index_cast %get3A_337 : i32 to index
      %get3A_339 = arith.index_cast %mul3A_151 : i32 to index
      %get3A_340 = tpu.vector_load %arg8[%get3A_338, %get3A_339] {strides = array<i32>} : memref<16x1024xf32, #tpu.memory_space<vmem>>, vector<1x16xf32>,
      %get3A_341 = vector.shape_cast %get3A_340 : vector<1x16xf32> to vector<16xf32>
      %get3A_342 = arith.constant 11 : i32
      %get3A_343 = arith.index_cast %get3A_342 : i32 to index
      %get3A_344 = arith.index_cast %mul3A_151 : i32 to index
      %get3A_345 = tpu.vector_load %arg9[%get3A_343, %get3A_344] {strides = array<i32>} : memref<16x1024xf32, #tpu.memory_space<vmem>>, vector<1x16xf32>,
      %get3A_346 = vector.shape_cast %get3A_345 : vector<1x16xf32> to vector<16xf32>
      %add3A_347 = arith.addf %get3A_341, %get3A_346 : vector<16xf32>
      %swap3A_348 = arith.constant 11 : i32
      %swap3A_349 = arith.index_cast %swap3A_348 : i32 to index
      %swap3A_350 = arith.index_cast %mul3A_151 : i32 to index
      %swap3A_351 = tpu.vector_load %arg12[%swap3A_349, %swap3A_350] {strides = array<i32>} : memref<16x1024xf32, #tpu.memory_space<vmem>>, vector<1x16xf32>,
      %swap3A_352 = vector.shape_cast %swap3A_351 : vector<1x16xf32> to vector<16xf32>
      %swap3A_353 = vector.shape_cast %add3A_347 : vector<16xf32> to vector<1x16xf32>
      tpu.vector_store %arg12[%swap3A_349, %swap3A_350], %swap3A_353 {strides = array<i32>} : memref<16x1024xf32, #tpu.memory_space<vmem>>, vector<1x16xf32>,
      %get3A_354 = arith.constant 12 : i32
      %get3A_355 = arith.index_cast %get3A_354 : i32 to index
      %get3A_356 = arith.index_cast %mul3A_151 : i32 to index
      %get3A_357 = tpu.vector_load %arg8[%get3A_355, %get3A_356] {strides = array<i32>} : memref<16x1024xf32, #tpu.memory_space<vmem>>, vector<1x16xf32>,
      %get3A_358 = vector.shape_cast %get3A_357 : vector<1x16xf32> to vector<16xf32>
      %get3A_359 = arith.constant 12 : i32
      %get3A_360 = arith.index_cast %get3A_359 : i32 to index
      %get3A_361 = arith.index_cast %mul3A_151 : i32 to index
      %get3A_362 = tpu.vector_load %arg9[%get3A_360, %get3A_361] {strides = array<i32>} : memref<16x1024xf32, #tpu.memory_space<vmem>>, vector<1x16xf32>,
      %get3A_363 = vector.shape_cast %get3A_362 : vector<1x16xf32> to vector<16xf32>
      %add3A_364 = arith.addf %get3A_358, %get3A_363 : vector<16xf32>
      %swap3A_365 = arith.constant 12 : i32
      %swap3A_366 = arith.index_cast %swap3A_365 : i32 to index
      %swap3A_367 = arith.index_cast %mul3A_151 : i32 to index
      %swap3A_368 = tpu.vector_load %arg12[%swap3A_366, %swap3A_367] {strides = array<i32>} : memref<16x1024xf32, #tpu.memory_space<vmem>>, vector<1x16xf32>,
      %swap3A_369 = vector.shape_cast %swap3A_368 : vector<1x16xf32> to vector<16xf32>
      %swap3A_370 = vector.shape_cast %add3A_364 : vector<16xf32> to vector<1x16xf32>
      tpu.vector_store %arg12[%swap3A_366, %swap3A_367], %swap3A_370 {strides = array<i32>} : memref<16x1024xf32, #tpu.memory_space<vmem>>, vector<1x16xf32>,
      %get3A_371 = arith.constant 13 : i32
      %get3A_372 = arith.index_cast %get3A_371 : i32 to index
      %get3A_373 = arith.index_cast %mul3A_151 : i32 to index
      %get3A_374 = tpu.vector_load %arg8[%get3A_372, %get3A_373] {strides = array<i32>} : memref<16x1024xf32, #tpu.memory_space<vmem>>, vector<1x16xf32>,
      %get3A_375 = vector.shape_cast %get3A_374 : vector<1x16xf32> to vector<16xf32>
      %get3A_376 = arith.constant 13 : i32
      %get3A_377 = arith.index_cast %get3A_376 : i32 to index
      %get3A_378 = arith.index_cast %mul3A_151 : i32 to index
      %get3A_379 = tpu.vector_load %arg9[%get3A_377, %get3A_378] {strides = array<i32>} : memref<16x1024xf32, #tpu.memory_space<vmem>>, vector<1x16xf32>,
      %get3A_380 = vector.shape_cast %get3A_379 : vector<1x16xf32> to vector<16xf32>
      %add3A_381 = arith.addf %get3A_375, %get3A_380 : vector<16xf32>
      %swap3A_382 = arith.constant 13 : i32
      %swap3A_383 = arith.index_cast %swap3A_382 : i32 to index
      %swap3A_384 = arith.index_cast %mul3A_151 : i32 to index
      %swap3A_385 = tpu.vector_load %arg12[%swap3A_383, %swap3A_384] {strides = array<i32>} : memref<16x1024xf32, #tpu.memory_space<vmem>>, vector<1x16xf32>,
      %swap3A_386 = vector.shape_cast %swap3A_385 : vector<1x16xf32> to vector<16xf32>
      %swap3A_387 = vector.shape_cast %add3A_381 : vector<16xf32> to vector<1x16xf32>
      tpu.vector_store %arg12[%swap3A_383, %swap3A_384], %swap3A_387 {strides = array<i32>} : memref<16x1024xf32, #tpu.memory_space<vmem>>, vector<1x16xf32>,
      %get3A_388 = arith.constant 14 : i32
      %get3A_389 = arith.index_cast %get3A_388 : i32 to index
      %get3A_390 = arith.index_cast %mul3A_151 : i32 to index
      %get3A_391 = tpu.vector_load %arg8[%get3A_389, %get3A_390] {strides = array<i32>} : memref<16x1024xf32, #tpu.memory_space<vmem>>, vector<1x16xf32>,
      %get3A_392 = vector.shape_cast %get3A_391 : vector<1x16xf32> to vector<16xf32>
      %get3A_393 = arith.constant 14 : i32
      %get3A_394 = arith.index_cast %get3A_393 : i32 to index
      %get3A_395 = arith.index_cast %mul3A_151 : i32 to index
      %get3A_396 = tpu.vector_load %arg9[%get3A_394, %get3A_395] {strides = array<i32>} : memref<16x1024xf32, #tpu.memory_space<vmem>>, vector<1x16xf32>,
      %get3A_397 = vector.shape_cast %get3A_396 : vector<1x16xf32> to vector<16xf32>
      %add3A_398 = arith.addf %get3A_392, %get3A_397 : vector<16xf32>
      %swap3A_399 = arith.constant 14 : i32
      %swap3A_400 = arith.index_cast %swap3A_399 : i32 to index
      %swap3A_401 = arith.index_cast %mul3A_151 : i32 to index
      %swap3A_402 = tpu.vector_load %arg12[%swap3A_400, %swap3A_401] {strides = array<i32>} : memref<16x1024xf32, #tpu.memory_space<vmem>>, vector<1x16xf32>,
      %swap3A_403 = vector.shape_cast %swap3A_402 : vector<1x16xf32> to vector<16xf32>
      %swap3A_404 = vector.shape_cast %add3A_398 : vector<16xf32> to vector<1x16xf32>
      tpu.vector_store %arg12[%swap3A_400, %swap3A_401], %swap3A_404 {strides = array<i32>} : memref<16x1024xf32, #tpu.memory_space<vmem>>, vector<1x16xf32>,
      %get3A_405 = arith.constant 15 : i32
      %get3A_406 = arith.index_cast %get3A_405 : i32 to index
      %get3A_407 = arith.index_cast %mul3A_151 : i32 to index
      %get3A_408 = tpu.vector_load %arg8[%get3A_406, %get3A_407] {strides = array<i32>} : memref<16x1024xf32, #tpu.memory_space<vmem>>, vector<1x16xf32>,
      %get3A_409 = vector.shape_cast %get3A_408 : vector<1x16xf32> to vector<16xf32>
      %get3A_410 = arith.constant 15 : i32
      %get3A_411 = arith.index_cast %get3A_410 : i32 to index
      %get3A_412 = arith.index_cast %mul3A_151 : i32 to index
      %get3A_413 = tpu.vector_load %arg9[%get3A_411, %get3A_412] {strides = array<i32>} : memref<16x1024xf32, #tpu.memory_space<vmem>>, vector<1x16xf32>,
      %get3A_414 = vector.shape_cast %get3A_413 : vector<1x16xf32> to vector<16xf32>
      %add3A_415 = arith.addf %get3A_409, %get3A_414 : vector<16xf32>
      %swap3A_416 = arith.constant 15 : i32
      %swap3A_417 = arith.index_cast %swap3A_416 : i32 to index
      %swap3A_418 = arith.index_cast %mul3A_151 : i32 to index
      %swap3A_419 = tpu.vector_load %arg12[%swap3A_417, %swap3A_418] {strides = array<i32>} : memref<16x1024xf32, #tpu.memory_space<vmem>>, vector<1x16xf32>,
      %swap3A_420 = vector.shape_cast %swap3A_419 : vector<1x16xf32> to vector<16xf32>
      %swap3A_421 = vector.shape_cast %add3A_415 : vector<16xf32> to vector<1x16xf32>
      tpu.vector_store %arg12[%swap3A_417, %swap3A_418], %swap3A_421 {strides = array<i32>} : memref<16x1024xf32, #tpu.memory_space<vmem>>, vector<1x16xf32>,
      %scan3A_422 = arith.constant 0 : i32
      scf.yield %scan3A_422 : i32
    }
    %scan3A_106 = arith.constant 64 : i32
    %add3A_107 = arith.constant 32 : i32
    %add3A_108 = arith.addi %mul3A_2, %add3A_107 : i32
    %dma_start3A_109 = arith.constant 0 : i32
    %dma_start3A_110 = tpu.memref_slice %arg5[%add3A_108, %dma_start3A_109] : memref<2048x1024xf32, #tpu.memory_space<hbm>> -> memref<16x1024xf32, #tpu.memory_space<hbm>>
    %dma_start3A_111 = arith.constant 0 : i32
    %dma_start3A_112 = tpu.memref_slice %arg5[%add3A_108, %dma_start3A_111] : memref<2048x1024xf32, #tpu.memory_space<hbm>> -> memref<16x1024xf32, #tpu.memory_space<hbm>>
    tpu.enqueue_dma source(%arg12 : memref<16x1024xf32, #tpu.memory_space<vmem>>) target(%dma_start3A_112 : memref<16x1024xf32, #tpu.memory_space<hbm>>) target_semaphore(%arg16 : memref<!tpu.dma_semaphore, #tpu.memory_space<semaphore_mem>>)
    %dma_wait3A_113 = arith.constant 48 : i32
    %dma_wait3A_114 = tpu.memref_slice %arg6[%dma_wait3A_113] : memref<64xi32, #tpu.memory_space<vmem>> -> memref<16xi32, #tpu.memory_space<vmem>>
    %dma_wait3A_115 = arith.constant 0 : i32
    %dma_wait3A_116 = arith.constant 0 : i32
    %dma_wait3A_117 = tpu.memref_slice %arg2[%dma_wait3A_115, %dma_wait3A_116] : memref<5888x1024xf32, #tpu.memory_space<hbm>> -> memref<5888x1024xf32, #tpu.memory_space<hbm>>
    tpu.wait_indirect_dma semaphore(%arg14 : memref<!tpu.dma_semaphore, #tpu.memory_space<semaphore_mem>>) src(%dma_wait3A_117 : memref<5888x1024xf32, #tpu.memory_space<hbm>>) dst(%arg10 : memref<16x1024xf32, #tpu.memory_space<vmem>>)
    %dma_wait3A_118 = arith.constant 48 : i32
    %dma_wait3A_119 = tpu.memref_slice %arg7[%dma_wait3A_118] : memref<64xi32, #tpu.memory_space<vmem>> -> memref<16xi32, #tpu.memory_space<vmem>>
    %dma_wait3A_120 = arith.constant 0 : i32
    %dma_wait3A_121 = arith.constant 0 : i32
    %dma_wait3A_122 = tpu.memref_slice %arg2[%dma_wait3A_120, %dma_wait3A_121] : memref<5888x1024xf32, #tpu.memory_space<hbm>> -> memref<5888x1024xf32, #tpu.memory_space<hbm>>
    tpu.wait_indirect_dma semaphore(%arg15 : memref<!tpu.dma_semaphore, #tpu.memory_space<semaphore_mem>>) src(%dma_wait3A_122 : memref<5888x1024xf32, #tpu.memory_space<hbm>>) dst(%arg11 : memref<16x1024xf32, #tpu.memory_space<vmem>>)
    %dma_wait3A_123 = arith.constant 0 : i32
    %dma_wait3A_124 = tpu.memref_slice %arg5[%add3A_71, %dma_wait3A_123] : memref<2048x1024xf32, #tpu.memory_space<hbm>> -> memref<16x1024xf32, #tpu.memory_space<hbm>>
    %dma_wait3A_125 = arith.constant 0 : i32
    %dma_wait3A_126 = tpu.memref_slice %arg5[%add3A_71, %dma_wait3A_125] : memref<2048x1024xf32, #tpu.memory_space<hbm>> -> memref<16x1024xf32, #tpu.memory_space<hbm>>
    tpu.wait_dma2 semaphore(%arg17 : memref<!tpu.dma_semaphore, #tpu.memory_space<semaphore_mem>>) src(%arg13 : memref<16x1024xf32, #tpu.memory_space<vmem>>) dst(%dma_wait3A_126 : memref<16x1024xf32, #tpu.memory_space<hbm>>)
    %scan3A_127 = arith.constant 0 : i32
    %scan3A_128 = arith.constant 0 : i32
    %scan3A_129 = arith.constant 64 : i32
    %scan3A_130 = arith.addi %scan3A_128, %scan3A_129 : i32
    %scan3A_131 = arith.constant 1 : i32
    %scan3A_132 = scf.for %scan3A_148 = %scan3A_128 to %scan3A_130 step %scan3A_131 iter_args(%scan3A_149 = %scan3A_127) -> (i32)  : i32 {
      %mul3A_150 = arith.constant 16 : i32
      %mul3A_151 = arith.muli %scan3A_148, %mul3A_150 : i32
      %get3A = arith.constant 0 : i32
      %get3A_152 = arith.index_cast %get3A : i32 to index
      %get3A_153 = arith.index_cast %mul3A_151 : i32 to index
      %get3A_154 = tpu.vector_load %arg10[%get3A_152, %get3A_153] {strides = array<i32>} : memref<16x1024xf32, #tpu.memory_space<vmem>>, vector<1x16xf32>,
      %get3A_155 = vector.shape_cast %get3A_154 : vector<1x16xf32> to vector<16xf32>
      %get3A_156 = arith.constant 0 : i32
      %get3A_157 = arith.index_cast %get3A_156 : i32 to index
      %get3A_158 = arith.index_cast %mul3A_151 : i32 to index
      %get3A_159 = tpu.vector_load %arg11[%get3A_157, %get3A_158] {strides = array<i32>} : memref<16x1024xf32, #tpu.memory_space<vmem>>, vector<1x16xf32>,
      %get3A_160 = vector.shape_cast %get3A_159 : vector<1x16xf32> to vector<16xf32>
      %add3A_161 = arith.addf %get3A_155, %get3A_160 : vector<16xf32>
      %swap3A = arith.constant 0 : i32
      %swap3A_162 = arith.index_cast %swap3A : i32 to index
      %swap3A_163 = arith.index_cast %mul3A_151 : i32 to index
      %swap3A_164 = tpu.vector_load %arg13[%swap3A_162, %swap3A_163] {strides = array<i32>} : memref<16x1024xf32, #tpu.memory_space<vmem>>, vector<1x16xf32>,
      %swap3A_165 = vector.shape_cast %swap3A_164 : vector<1x16xf32> to vector<16xf32>
      %swap3A_166 = vector.shape_cast %add3A_161 : vector<16xf32> to vector<1x16xf32>
      tpu.vector_store %arg13[%swap3A_162, %swap3A_163], %swap3A_166 {strides = array<i32>} : memref<16x1024xf32, #tpu.memory_space<vmem>>, vector<1x16xf32>,
      %get3A_167 = arith.constant 1 : i32
      %get3A_168 = arith.index_cast %get3A_167 : i32 to index
      %get3A_169 = arith.index_cast %mul3A_151 : i32 to index
      %get3A_170 = tpu.vector_load %arg10[%get3A_168, %get3A_169] {strides = array<i32>} : memref<16x1024xf32, #tpu.memory_space<vmem>>, vector<1x16xf32>,
      %get3A_171 = vector.shape_cast %get3A_170 : vector<1x16xf32> to vector<16xf32>
      %get3A_172 = arith.constant 1 : i32
      %get3A_173 = arith.index_cast %get3A_172 : i32 to index
      %get3A_174 = arith.index_cast %mul3A_151 : i32 to index
      %get3A_175 = tpu.vector_load %arg11[%get3A_173, %get3A_174] {strides = array<i32>} : memref<16x1024xf32, #tpu.memory_space<vmem>>, vector<1x16xf32>,
      %get3A_176 = vector.shape_cast %get3A_175 : vector<1x16xf32> to vector<16xf32>
      %add3A_177 = arith.addf %get3A_171, %get3A_176 : vector<16xf32>
      %swap3A_178 = arith.constant 1 : i32
      %swap3A_179 = arith.index_cast %swap3A_178 : i32 to index
      %swap3A_180 = arith.index_cast %mul3A_151 : i32 to index
      %swap3A_181 = tpu.vector_load %arg13[%swap3A_179, %swap3A_180] {strides = array<i32>} : memref<16x1024xf32, #tpu.memory_space<vmem>>, vector<1x16xf32>,
      %swap3A_182 = vector.shape_cast %swap3A_181 : vector<1x16xf32> to vector<16xf32>
      %swap3A_183 = vector.shape_cast %add3A_177 : vector<16xf32> to vector<1x16xf32>
      tpu.vector_store %arg13[%swap3A_179, %swap3A_180], %swap3A_183 {strides = array<i32>} : memref<16x1024xf32, #tpu.memory_space<vmem>>, vector<1x16xf32>,
      %get3A_184 = arith.constant 2 : i32
      %get3A_185 = arith.index_cast %get3A_184 : i32 to index
      %get3A_186 = arith.index_cast %mul3A_151 : i32 to index
      %get3A_187 = tpu.vector_load %arg10[%get3A_185, %get3A_186] {strides = array<i32>} : memref<16x1024xf32, #tpu.memory_space<vmem>>, vector<1x16xf32>,
      %get3A_188 = vector.shape_cast %get3A_187 : vector<1x16xf32> to vector<16xf32>
      %get3A_189 = arith.constant 2 : i32
      %get3A_190 = arith.index_cast %get3A_189 : i32 to index
      %get3A_191 = arith.index_cast %mul3A_151 : i32 to index
      %get3A_192 = tpu.vector_load %arg11[%get3A_190, %get3A_191] {strides = array<i32>} : memref<16x1024xf32, #tpu.memory_space<vmem>>, vector<1x16xf32>,
      %get3A_193 = vector.shape_cast %get3A_192 : vector<1x16xf32> to vector<16xf32>
      %add3A_194 = arith.addf %get3A_188, %get3A_193 : vector<16xf32>
      %swap3A_195 = arith.constant 2 : i32
      %swap3A_196 = arith.index_cast %swap3A_195 : i32 to index
      %swap3A_197 = arith.index_cast %mul3A_151 : i32 to index
      %swap3A_198 = tpu.vector_load %arg13[%swap3A_196, %swap3A_197] {strides = array<i32>} : memref<16x1024xf32, #tpu.memory_space<vmem>>, vector<1x16xf32>,
      %swap3A_199 = vector.shape_cast %swap3A_198 : vector<1x16xf32> to vector<16xf32>
      %swap3A_200 = vector.shape_cast %add3A_194 : vector<16xf32> to vector<1x16xf32>
      tpu.vector_store %arg13[%swap3A_196, %swap3A_197], %swap3A_200 {strides = array<i32>} : memref<16x1024xf32, #tpu.memory_space<vmem>>, vector<1x16xf32>,
      %get3A_201 = arith.constant 3 : i32
      %get3A_202 = arith.index_cast %get3A_201 : i32 to index
      %get3A_203 = arith.index_cast %mul3A_151 : i32 to index
      %get3A_204 = tpu.vector_load %arg10[%get3A_202, %get3A_203] {strides = array<i32>} : memref<16x1024xf32, #tpu.memory_space<vmem>>, vector<1x16xf32>,
      %get3A_205 = vector.shape_cast %get3A_204 : vector<1x16xf32> to vector<16xf32>
      %get3A_206 = arith.constant 3 : i32
      %get3A_207 = arith.index_cast %get3A_206 : i32 to index
      %get3A_208 = arith.index_cast %mul3A_151 : i32 to index
      %get3A_209 = tpu.vector_load %arg11[%get3A_207, %get3A_208] {strides = array<i32>} : memref<16x1024xf32, #tpu.memory_space<vmem>>, vector<1x16xf32>,
      %get3A_210 = vector.shape_cast %get3A_209 : vector<1x16xf32> to vector<16xf32>
      %add3A_211 = arith.addf %get3A_205, %get3A_210 : vector<16xf32>
      %swap3A_212 = arith.constant 3 : i32
      %swap3A_213 = arith.index_cast %swap3A_212 : i32 to index
      %swap3A_214 = arith.index_cast %mul3A_151 : i32 to index
      %swap3A_215 = tpu.vector_load %arg13[%swap3A_213, %swap3A_214] {strides = array<i32>} : memref<16x1024xf32, #tpu.memory_space<vmem>>, vector<1x16xf32>,
      %swap3A_216 = vector.shape_cast %swap3A_215 : vector<1x16xf32> to vector<16xf32>
      %swap3A_217 = vector.shape_cast %add3A_211 : vector<16xf32> to vector<1x16xf32>
      tpu.vector_store %arg13[%swap3A_213, %swap3A_214], %swap3A_217 {strides = array<i32>} : memref<16x1024xf32, #tpu.memory_space<vmem>>, vector<1x16xf32>,
      %get3A_218 = arith.constant 4 : i32
      %get3A_219 = arith.index_cast %get3A_218 : i32 to index
      %get3A_220 = arith.index_cast %mul3A_151 : i32 to index
      %get3A_221 = tpu.vector_load %arg10[%get3A_219, %get3A_220] {strides = array<i32>} : memref<16x1024xf32, #tpu.memory_space<vmem>>, vector<1x16xf32>,
      %get3A_222 = vector.shape_cast %get3A_221 : vector<1x16xf32> to vector<16xf32>
      %get3A_223 = arith.constant 4 : i32
      %get3A_224 = arith.index_cast %get3A_223 : i32 to index
      %get3A_225 = arith.index_cast %mul3A_151 : i32 to index
      %get3A_226 = tpu.vector_load %arg11[%get3A_224, %get3A_225] {strides = array<i32>} : memref<16x1024xf32, #tpu.memory_space<vmem>>, vector<1x16xf32>,
      %get3A_227 = vector.shape_cast %get3A_226 : vector<1x16xf32> to vector<16xf32>
      %add3A_228 = arith.addf %get3A_222, %get3A_227 : vector<16xf32>
      %swap3A_229 = arith.constant 4 : i32
      %swap3A_230 = arith.index_cast %swap3A_229 : i32 to index
      %swap3A_231 = arith.index_cast %mul3A_151 : i32 to index
      %swap3A_232 = tpu.vector_load %arg13[%swap3A_230, %swap3A_231] {strides = array<i32>} : memref<16x1024xf32, #tpu.memory_space<vmem>>, vector<1x16xf32>,
      %swap3A_233 = vector.shape_cast %swap3A_232 : vector<1x16xf32> to vector<16xf32>
      %swap3A_234 = vector.shape_cast %add3A_228 : vector<16xf32> to vector<1x16xf32>
      tpu.vector_store %arg13[%swap3A_230, %swap3A_231], %swap3A_234 {strides = array<i32>} : memref<16x1024xf32, #tpu.memory_space<vmem>>, vector<1x16xf32>,
      %get3A_235 = arith.constant 5 : i32
      %get3A_236 = arith.index_cast %get3A_235 : i32 to index
      %get3A_237 = arith.index_cast %mul3A_151 : i32 to index
      %get3A_238 = tpu.vector_load %arg10[%get3A_236, %get3A_237] {strides = array<i32>} : memref<16x1024xf32, #tpu.memory_space<vmem>>, vector<1x16xf32>,
      %get3A_239 = vector.shape_cast %get3A_238 : vector<1x16xf32> to vector<16xf32>
      %get3A_240 = arith.constant 5 : i32
      %get3A_241 = arith.index_cast %get3A_240 : i32 to index
      %get3A_242 = arith.index_cast %mul3A_151 : i32 to index
      %get3A_243 = tpu.vector_load %arg11[%get3A_241, %get3A_242] {strides = array<i32>} : memref<16x1024xf32, #tpu.memory_space<vmem>>, vector<1x16xf32>,
      %get3A_244 = vector.shape_cast %get3A_243 : vector<1x16xf32> to vector<16xf32>
      %add3A_245 = arith.addf %get3A_239, %get3A_244 : vector<16xf32>
      %swap3A_246 = arith.constant 5 : i32
      %swap3A_247 = arith.index_cast %swap3A_246 : i32 to index
      %swap3A_248 = arith.index_cast %mul3A_151 : i32 to index
      %swap3A_249 = tpu.vector_load %arg13[%swap3A_247, %swap3A_248] {strides = array<i32>} : memref<16x1024xf32, #tpu.memory_space<vmem>>, vector<1x16xf32>,
      %swap3A_250 = vector.shape_cast %swap3A_249 : vector<1x16xf32> to vector<16xf32>
      %swap3A_251 = vector.shape_cast %add3A_245 : vector<16xf32> to vector<1x16xf32>
      tpu.vector_store %arg13[%swap3A_247, %swap3A_248], %swap3A_251 {strides = array<i32>} : memref<16x1024xf32, #tpu.memory_space<vmem>>, vector<1x16xf32>,
      %get3A_252 = arith.constant 6 : i32
      %get3A_253 = arith.index_cast %get3A_252 : i32 to index
      %get3A_254 = arith.index_cast %mul3A_151 : i32 to index
      %get3A_255 = tpu.vector_load %arg10[%get3A_253, %get3A_254] {strides = array<i32>} : memref<16x1024xf32, #tpu.memory_space<vmem>>, vector<1x16xf32>,
      %get3A_256 = vector.shape_cast %get3A_255 : vector<1x16xf32> to vector<16xf32>
      %get3A_257 = arith.constant 6 : i32
      %get3A_258 = arith.index_cast %get3A_257 : i32 to index
      %get3A_259 = arith.index_cast %mul3A_151 : i32 to index
      %get3A_260 = tpu.vector_load %arg11[%get3A_258, %get3A_259] {strides = array<i32>} : memref<16x1024xf32, #tpu.memory_space<vmem>>, vector<1x16xf32>,
      %get3A_261 = vector.shape_cast %get3A_260 : vector<1x16xf32> to vector<16xf32>
      %add3A_262 = arith.addf %get3A_256, %get3A_261 : vector<16xf32>
      %swap3A_263 = arith.constant 6 : i32
      %swap3A_264 = arith.index_cast %swap3A_263 : i32 to index
      %swap3A_265 = arith.index_cast %mul3A_151 : i32 to index
      %swap3A_266 = tpu.vector_load %arg13[%swap3A_264, %swap3A_265] {strides = array<i32>} : memref<16x1024xf32, #tpu.memory_space<vmem>>, vector<1x16xf32>,
      %swap3A_267 = vector.shape_cast %swap3A_266 : vector<1x16xf32> to vector<16xf32>
      %swap3A_268 = vector.shape_cast %add3A_262 : vector<16xf32> to vector<1x16xf32>
      tpu.vector_store %arg13[%swap3A_264, %swap3A_265], %swap3A_268 {strides = array<i32>} : memref<16x1024xf32, #tpu.memory_space<vmem>>, vector<1x16xf32>,
      %get3A_269 = arith.constant 7 : i32
      %get3A_270 = arith.index_cast %get3A_269 : i32 to index
      %get3A_271 = arith.index_cast %mul3A_151 : i32 to index
      %get3A_272 = tpu.vector_load %arg10[%get3A_270, %get3A_271] {strides = array<i32>} : memref<16x1024xf32, #tpu.memory_space<vmem>>, vector<1x16xf32>,
      %get3A_273 = vector.shape_cast %get3A_272 : vector<1x16xf32> to vector<16xf32>
      %get3A_274 = arith.constant 7 : i32
      %get3A_275 = arith.index_cast %get3A_274 : i32 to index
      %get3A_276 = arith.index_cast %mul3A_151 : i32 to index
      %get3A_277 = tpu.vector_load %arg11[%get3A_275, %get3A_276] {strides = array<i32>} : memref<16x1024xf32, #tpu.memory_space<vmem>>, vector<1x16xf32>,
      %get3A_278 = vector.shape_cast %get3A_277 : vector<1x16xf32> to vector<16xf32>
      %add3A_279 = arith.addf %get3A_273, %get3A_278 : vector<16xf32>
      %swap3A_280 = arith.constant 7 : i32
      %swap3A_281 = arith.index_cast %swap3A_280 : i32 to index
      %swap3A_282 = arith.index_cast %mul3A_151 : i32 to index
      %swap3A_283 = tpu.vector_load %arg13[%swap3A_281, %swap3A_282] {strides = array<i32>} : memref<16x1024xf32, #tpu.memory_space<vmem>>, vector<1x16xf32>,
      %swap3A_284 = vector.shape_cast %swap3A_283 : vector<1x16xf32> to vector<16xf32>
      %swap3A_285 = vector.shape_cast %add3A_279 : vector<16xf32> to vector<1x16xf32>
      tpu.vector_store %arg13[%swap3A_281, %swap3A_282], %swap3A_285 {strides = array<i32>} : memref<16x1024xf32, #tpu.memory_space<vmem>>, vector<1x16xf32>,
      %get3A_286 = arith.constant 8 : i32
      %get3A_287 = arith.index_cast %get3A_286 : i32 to index
      %get3A_288 = arith.index_cast %mul3A_151 : i32 to index
      %get3A_289 = tpu.vector_load %arg10[%get3A_287, %get3A_288] {strides = array<i32>} : memref<16x1024xf32, #tpu.memory_space<vmem>>, vector<1x16xf32>,
      %get3A_290 = vector.shape_cast %get3A_289 : vector<1x16xf32> to vector<16xf32>
      %get3A_291 = arith.constant 8 : i32
      %get3A_292 = arith.index_cast %get3A_291 : i32 to index
      %get3A_293 = arith.index_cast %mul3A_151 : i32 to index
      %get3A_294 = tpu.vector_load %arg11[%get3A_292, %get3A_293] {strides = array<i32>} : memref<16x1024xf32, #tpu.memory_space<vmem>>, vector<1x16xf32>,
      %get3A_295 = vector.shape_cast %get3A_294 : vector<1x16xf32> to vector<16xf32>
      %add3A_296 = arith.addf %get3A_290, %get3A_295 : vector<16xf32>
      %swap3A_297 = arith.constant 8 : i32
      %swap3A_298 = arith.index_cast %swap3A_297 : i32 to index
      %swap3A_299 = arith.index_cast %mul3A_151 : i32 to index
      %swap3A_300 = tpu.vector_load %arg13[%swap3A_298, %swap3A_299] {strides = array<i32>} : memref<16x1024xf32, #tpu.memory_space<vmem>>, vector<1x16xf32>,
      %swap3A_301 = vector.shape_cast %swap3A_300 : vector<1x16xf32> to vector<16xf32>
      %swap3A_302 = vector.shape_cast %add3A_296 : vector<16xf32> to vector<1x16xf32>
      tpu.vector_store %arg13[%swap3A_298, %swap3A_299], %swap3A_302 {strides = array<i32>} : memref<16x1024xf32, #tpu.memory_space<vmem>>, vector<1x16xf32>,
      %get3A_303 = arith.constant 9 : i32
      %get3A_304 = arith.index_cast %get3A_303 : i32 to index
      %get3A_305 = arith.index_cast %mul3A_151 : i32 to index
      %get3A_306 = tpu.vector_load %arg10[%get3A_304, %get3A_305] {strides = array<i32>} : memref<16x1024xf32, #tpu.memory_space<vmem>>, vector<1x16xf32>,
      %get3A_307 = vector.shape_cast %get3A_306 : vector<1x16xf32> to vector<16xf32>
      %get3A_308 = arith.constant 9 : i32
      %get3A_309 = arith.index_cast %get3A_308 : i32 to index
      %get3A_310 = arith.index_cast %mul3A_151 : i32 to index
      %get3A_311 = tpu.vector_load %arg11[%get3A_309, %get3A_310] {strides = array<i32>} : memref<16x1024xf32, #tpu.memory_space<vmem>>, vector<1x16xf32>,
      %get3A_312 = vector.shape_cast %get3A_311 : vector<1x16xf32> to vector<16xf32>
      %add3A_313 = arith.addf %get3A_307, %get3A_312 : vector<16xf32>
      %swap3A_314 = arith.constant 9 : i32
      %swap3A_315 = arith.index_cast %swap3A_314 : i32 to index
      %swap3A_316 = arith.index_cast %mul3A_151 : i32 to index
      %swap3A_317 = tpu.vector_load %arg13[%swap3A_315, %swap3A_316] {strides = array<i32>} : memref<16x1024xf32, #tpu.memory_space<vmem>>, vector<1x16xf32>,
      %swap3A_318 = vector.shape_cast %swap3A_317 : vector<1x16xf32> to vector<16xf32>
      %swap3A_319 = vector.shape_cast %add3A_313 : vector<16xf32> to vector<1x16xf32>
      tpu.vector_store %arg13[%swap3A_315, %swap3A_316], %swap3A_319 {strides = array<i32>} : memref<16x1024xf32, #tpu.memory_space<vmem>>, vector<1x16xf32>,
      %get3A_320 = arith.constant 10 : i32
      %get3A_321 = arith.index_cast %get3A_320 : i32 to index
      %get3A_322 = arith.index_cast %mul3A_151 : i32 to index
      %get3A_323 = tpu.vector_load %arg10[%get3A_321, %get3A_322] {strides = array<i32>} : memref<16x1024xf32, #tpu.memory_space<vmem>>, vector<1x16xf32>,
      %get3A_324 = vector.shape_cast %get3A_323 : vector<1x16xf32> to vector<16xf32>
      %get3A_325 = arith.constant 10 : i32
      %get3A_326 = arith.index_cast %get3A_325 : i32 to index
      %get3A_327 = arith.index_cast %mul3A_151 : i32 to index
      %get3A_328 = tpu.vector_load %arg11[%get3A_326, %get3A_327] {strides = array<i32>} : memref<16x1024xf32, #tpu.memory_space<vmem>>, vector<1x16xf32>,
      %get3A_329 = vector.shape_cast %get3A_328 : vector<1x16xf32> to vector<16xf32>
      %add3A_330 = arith.addf %get3A_324, %get3A_329 : vector<16xf32>
      %swap3A_331 = arith.constant 10 : i32
      %swap3A_332 = arith.index_cast %swap3A_331 : i32 to index
      %swap3A_333 = arith.index_cast %mul3A_151 : i32 to index
      %swap3A_334 = tpu.vector_load %arg13[%swap3A_332, %swap3A_333] {strides = array<i32>} : memref<16x1024xf32, #tpu.memory_space<vmem>>, vector<1x16xf32>,
      %swap3A_335 = vector.shape_cast %swap3A_334 : vector<1x16xf32> to vector<16xf32>
      %swap3A_336 = vector.shape_cast %add3A_330 : vector<16xf32> to vector<1x16xf32>
      tpu.vector_store %arg13[%swap3A_332, %swap3A_333], %swap3A_336 {strides = array<i32>} : memref<16x1024xf32, #tpu.memory_space<vmem>>, vector<1x16xf32>,
      %get3A_337 = arith.constant 11 : i32
      %get3A_338 = arith.index_cast %get3A_337 : i32 to index
      %get3A_339 = arith.index_cast %mul3A_151 : i32 to index
      %get3A_340 = tpu.vector_load %arg10[%get3A_338, %get3A_339] {strides = array<i32>} : memref<16x1024xf32, #tpu.memory_space<vmem>>, vector<1x16xf32>,
      %get3A_341 = vector.shape_cast %get3A_340 : vector<1x16xf32> to vector<16xf32>
      %get3A_342 = arith.constant 11 : i32
      %get3A_343 = arith.index_cast %get3A_342 : i32 to index
      %get3A_344 = arith.index_cast %mul3A_151 : i32 to index
      %get3A_345 = tpu.vector_load %arg11[%get3A_343, %get3A_344] {strides = array<i32>} : memref<16x1024xf32, #tpu.memory_space<vmem>>, vector<1x16xf32>,
      %get3A_346 = vector.shape_cast %get3A_345 : vector<1x16xf32> to vector<16xf32>
      %add3A_347 = arith.addf %get3A_341, %get3A_346 : vector<16xf32>
      %swap3A_348 = arith.constant 11 : i32
      %swap3A_349 = arith.index_cast %swap3A_348 : i32 to index
      %swap3A_350 = arith.index_cast %mul3A_151 : i32 to index
      %swap3A_351 = tpu.vector_load %arg13[%swap3A_349, %swap3A_350] {strides = array<i32>} : memref<16x1024xf32, #tpu.memory_space<vmem>>, vector<1x16xf32>,
      %swap3A_352 = vector.shape_cast %swap3A_351 : vector<1x16xf32> to vector<16xf32>
      %swap3A_353 = vector.shape_cast %add3A_347 : vector<16xf32> to vector<1x16xf32>
      tpu.vector_store %arg13[%swap3A_349, %swap3A_350], %swap3A_353 {strides = array<i32>} : memref<16x1024xf32, #tpu.memory_space<vmem>>, vector<1x16xf32>,
      %get3A_354 = arith.constant 12 : i32
      %get3A_355 = arith.index_cast %get3A_354 : i32 to index
      %get3A_356 = arith.index_cast %mul3A_151 : i32 to index
      %get3A_357 = tpu.vector_load %arg10[%get3A_355, %get3A_356] {strides = array<i32>} : memref<16x1024xf32, #tpu.memory_space<vmem>>, vector<1x16xf32>,
      %get3A_358 = vector.shape_cast %get3A_357 : vector<1x16xf32> to vector<16xf32>
      %get3A_359 = arith.constant 12 : i32
      %get3A_360 = arith.index_cast %get3A_359 : i32 to index
      %get3A_361 = arith.index_cast %mul3A_151 : i32 to index
      %get3A_362 = tpu.vector_load %arg11[%get3A_360, %get3A_361] {strides = array<i32>} : memref<16x1024xf32, #tpu.memory_space<vmem>>, vector<1x16xf32>,
      %get3A_363 = vector.shape_cast %get3A_362 : vector<1x16xf32> to vector<16xf32>
      %add3A_364 = arith.addf %get3A_358, %get3A_363 : vector<16xf32>
      %swap3A_365 = arith.constant 12 : i32
      %swap3A_366 = arith.index_cast %swap3A_365 : i32 to index
      %swap3A_367 = arith.index_cast %mul3A_151 : i32 to index
      %swap3A_368 = tpu.vector_load %arg13[%swap3A_366, %swap3A_367] {strides = array<i32>} : memref<16x1024xf32, #tpu.memory_space<vmem>>, vector<1x16xf32>,
      %swap3A_369 = vector.shape_cast %swap3A_368 : vector<1x16xf32> to vector<16xf32>
      %swap3A_370 = vector.shape_cast %add3A_364 : vector<16xf32> to vector<1x16xf32>
      tpu.vector_store %arg13[%swap3A_366, %swap3A_367], %swap3A_370 {strides = array<i32>} : memref<16x1024xf32, #tpu.memory_space<vmem>>, vector<1x16xf32>,
      %get3A_371 = arith.constant 13 : i32
      %get3A_372 = arith.index_cast %get3A_371 : i32 to index
      %get3A_373 = arith.index_cast %mul3A_151 : i32 to index
      %get3A_374 = tpu.vector_load %arg10[%get3A_372, %get3A_373] {strides = array<i32>} : memref<16x1024xf32, #tpu.memory_space<vmem>>, vector<1x16xf32>,
      %get3A_375 = vector.shape_cast %get3A_374 : vector<1x16xf32> to vector<16xf32>
      %get3A_376 = arith.constant 13 : i32
      %get3A_377 = arith.index_cast %get3A_376 : i32 to index
      %get3A_378 = arith.index_cast %mul3A_151 : i32 to index
      %get3A_379 = tpu.vector_load %arg11[%get3A_377, %get3A_378] {strides = array<i32>} : memref<16x1024xf32, #tpu.memory_space<vmem>>, vector<1x16xf32>,
      %get3A_380 = vector.shape_cast %get3A_379 : vector<1x16xf32> to vector<16xf32>
      %add3A_381 = arith.addf %get3A_375, %get3A_380 : vector<16xf32>
      %swap3A_382 = arith.constant 13 : i32
      %swap3A_383 = arith.index_cast %swap3A_382 : i32 to index
      %swap3A_384 = arith.index_cast %mul3A_151 : i32 to index
      %swap3A_385 = tpu.vector_load %arg13[%swap3A_383, %swap3A_384] {strides = array<i32>} : memref<16x1024xf32, #tpu.memory_space<vmem>>, vector<1x16xf32>,
      %swap3A_386 = vector.shape_cast %swap3A_385 : vector<1x16xf32> to vector<16xf32>
      %swap3A_387 = vector.shape_cast %add3A_381 : vector<16xf32> to vector<1x16xf32>
      tpu.vector_store %arg13[%swap3A_383, %swap3A_384], %swap3A_387 {strides = array<i32>} : memref<16x1024xf32, #tpu.memory_space<vmem>>, vector<1x16xf32>,
      %get3A_388 = arith.constant 14 : i32
      %get3A_389 = arith.index_cast %get3A_388 : i32 to index
      %get3A_390 = arith.index_cast %mul3A_151 : i32 to index
      %get3A_391 = tpu.vector_load %arg10[%get3A_389, %get3A_390] {strides = array<i32>} : memref<16x1024xf32, #tpu.memory_space<vmem>>, vector<1x16xf32>,
      %get3A_392 = vector.shape_cast %get3A_391 : vector<1x16xf32> to vector<16xf32>
      %get3A_393 = arith.constant 14 : i32
      %get3A_394 = arith.index_cast %get3A_393 : i32 to index
      %get3A_395 = arith.index_cast %mul3A_151 : i32 to index
      %get3A_396 = tpu.vector_load %arg11[%get3A_394, %get3A_395] {strides = array<i32>} : memref<16x1024xf32, #tpu.memory_space<vmem>>, vector<1x16xf32>,
      %get3A_397 = vector.shape_cast %get3A_396 : vector<1x16xf32> to vector<16xf32>
      %add3A_398 = arith.addf %get3A_392, %get3A_397 : vector<16xf32>
      %swap3A_399 = arith.constant 14 : i32
      %swap3A_400 = arith.index_cast %swap3A_399 : i32 to index
      %swap3A_401 = arith.index_cast %mul3A_151 : i32 to index
      %swap3A_402 = tpu.vector_load %arg13[%swap3A_400, %swap3A_401] {strides = array<i32>} : memref<16x1024xf32, #tpu.memory_space<vmem>>, vector<1x16xf32>,
      %swap3A_403 = vector.shape_cast %swap3A_402 : vector<1x16xf32> to vector<16xf32>
      %swap3A_404 = vector.shape_cast %add3A_398 : vector<16xf32> to vector<1x16xf32>
      tpu.vector_store %arg13[%swap3A_400, %swap3A_401], %swap3A_404 {strides = array<i32>} : memref<16x1024xf32, #tpu.memory_space<vmem>>, vector<1x16xf32>,
      %get3A_405 = arith.constant 15 : i32
      %get3A_406 = arith.index_cast %get3A_405 : i32 to index
      %get3A_407 = arith.index_cast %mul3A_151 : i32 to index
      %get3A_408 = tpu.vector_load %arg10[%get3A_406, %get3A_407] {strides = array<i32>} : memref<16x1024xf32, #tpu.memory_space<vmem>>, vector<1x16xf32>,
      %get3A_409 = vector.shape_cast %get3A_408 : vector<1x16xf32> to vector<16xf32>
      %get3A_410 = arith.constant 15 : i32
      %get3A_411 = arith.index_cast %get3A_410 : i32 to index
      %get3A_412 = arith.index_cast %mul3A_151 : i32 to index
      %get3A_413 = tpu.vector_load %arg11[%get3A_411, %get3A_412] {strides = array<i32>} : memref<16x1024xf32, #tpu.memory_space<vmem>>, vector<1x16xf32>,
      %get3A_414 = vector.shape_cast %get3A_413 : vector<1x16xf32> to vector<16xf32>
      %add3A_415 = arith.addf %get3A_409, %get3A_414 : vector<16xf32>
      %swap3A_416 = arith.constant 15 : i32
      %swap3A_417 = arith.index_cast %swap3A_416 : i32 to index
      %swap3A_418 = arith.index_cast %mul3A_151 : i32 to index
      %swap3A_419 = tpu.vector_load %arg13[%swap3A_417, %swap3A_418] {strides = array<i32>} : memref<16x1024xf32, #tpu.memory_space<vmem>>, vector<1x16xf32>,
      %swap3A_420 = vector.shape_cast %swap3A_419 : vector<1x16xf32> to vector<16xf32>
      %swap3A_421 = vector.shape_cast %add3A_415 : vector<16xf32> to vector<1x16xf32>
      tpu.vector_store %arg13[%swap3A_417, %swap3A_418], %swap3A_421 {strides = array<i32>} : memref<16x1024xf32, #tpu.memory_space<vmem>>, vector<1x16xf32>,
      %scan3A_422 = arith.constant 0 : i32
      scf.yield %scan3A_422 : i32
    }
    %scan3A_133 = arith.constant 64 : i32
    %add3A_134 = arith.constant 48 : i32
    %add3A_135 = arith.addi %mul3A_2, %add3A_134 : i32
    %dma_start3A_136 = arith.constant 0 : i32
    %dma_start3A_137 = tpu.memref_slice %arg5[%add3A_135, %dma_start3A_136] : memref<2048x1024xf32, #tpu.memory_space<hbm>> -> memref<16x1024xf32, #tpu.memory_space<hbm>>
    %dma_start3A_138 = arith.constant 0 : i32
    %dma_start3A_139 = tpu.memref_slice %arg5[%add3A_135, %dma_start3A_138] : memref<2048x1024xf32, #tpu.memory_space<hbm>> -> memref<16x1024xf32, #tpu.memory_space<hbm>>
    tpu.enqueue_dma source(%arg13 : memref<16x1024xf32, #tpu.memory_space<vmem>>) target(%dma_start3A_139 : memref<16x1024xf32, #tpu.memory_space<hbm>>) target_semaphore(%arg17 : memref<!tpu.dma_semaphore, #tpu.memory_space<semaphore_mem>>)
    %dma_wait3A_140 = arith.constant 0 : i32
    %dma_wait3A_141 = tpu.memref_slice %arg5[%add3A_108, %dma_wait3A_140] : memref<2048x1024xf32, #tpu.memory_space<hbm>> -> memref<16x1024xf32, #tpu.memory_space<hbm>>
    %dma_wait3A_142 = arith.constant 0 : i32
    %dma_wait3A_143 = tpu.memref_slice %arg5[%add3A_108, %dma_wait3A_142] : memref<2048x1024xf32, #tpu.memory_space<hbm>> -> memref<16x1024xf32, #tpu.memory_space<hbm>>
    tpu.wait_dma2 semaphore(%arg16 : memref<!tpu.dma_semaphore, #tpu.memory_space<semaphore_mem>>) src(%arg12 : memref<16x1024xf32, #tpu.memory_space<vmem>>) dst(%dma_wait3A_143 : memref<16x1024xf32, #tpu.memory_space<hbm>>)
    %dma_wait3A_144 = arith.constant 0 : i32
    %dma_wait3A_145 = tpu.memref_slice %arg5[%add3A_135, %dma_wait3A_144] : memref<2048x1024xf32, #tpu.memory_space<hbm>> -> memref<16x1024xf32, #tpu.memory_space<hbm>>
    %dma_wait3A_146 = arith.constant 0 : i32
    %dma_wait3A_147 = tpu.memref_slice %arg5[%add3A_135, %dma_wait3A_146] : memref<2048x1024xf32, #tpu.memory_space<hbm>> -> memref<16x1024xf32, #tpu.memory_space<hbm>>
    tpu.wait_dma2 semaphore(%arg17 : memref<!tpu.dma_semaphore, #tpu.memory_space<semaphore_mem>>) src(%arg13 : memref<16x1024xf32, #tpu.memory_space<vmem>>) dst(%dma_wait3A_147 : memref<16x1024xf32, #tpu.memory_space<hbm>>)
    return
  }
}

#map = affine_map<(d0, d1) -> (0, 0)>
#map1 = affine_map<(d0, d1) -> (0)>
module attributes {stable_mosaic.version = 14 : i64} {
  func.func @_scatter_body(%arg0: i32, %arg1: i32, %arg2: memref<2048x1024xf32, #tpu.memory_space<hbm>>, %arg3: memref<2048xi32, #tpu.memory_space<hbm>>, %arg4: memref<2048xi32, #tpu.memory_space<hbm>>, %arg5: memref<2048xf32, #tpu.memory_space<hbm>>, %arg6: memref<2048xf32, #tpu.memory_space<hbm>>, %arg7: memref<5888x1024xf32, #tpu.memory_space<hbm>>, %arg8: memref<5888xf32, #tpu.memory_space<hbm>>, %arg9: memref<32x1024xf32, #tpu.memory_space<vmem>>, %arg10: memref<32x1024xf32, #tpu.memory_space<vmem>>, %arg11: memref<32xi32, #tpu.memory_space<vmem>>, %arg12: memref<32xi32, #tpu.memory_space<vmem>>, %arg13: memref<32xi32, #tpu.memory_space<vmem>>, %arg14: memref<32xi32, #tpu.memory_space<vmem>>, %arg15: memref<32xf32, #tpu.memory_space<vmem>>, %arg16: memref<32xf32, #tpu.memory_space<vmem>>, %arg17: memref<32xf32, #tpu.memory_space<vmem>>, %arg18: memref<32xf32, #tpu.memory_space<vmem>>, %arg19: memref<!tpu.dma_semaphore, #tpu.memory_space<semaphore_mem>>, %arg20: memref<!tpu.dma_semaphore, #tpu.memory_space<semaphore_mem>>) attributes {dimension_semantics = [#tpu.dimension_semantics<core_parallel>, #tpu.dimension_semantics<subcore_parallel>], iteration_bounds = array<i64: 2, 16>, scalar_prefetch = 0 : i64, scratch_operands = 12 : i64, tpu.core_type = #tpu.core_type<sc_vector_subcore>, window_params = [{transform_indices = #map}, {transform_indices = #map1}, {transform_indices = #map1}, {transform_indices = #map1}, {transform_indices = #map1}, {transform_indices = #map}, {transform_indices = #map1}]} {
    %mul3A = arith.constant 16 : i32
    %mul3A_0 = arith.muli %arg0, %mul3A : i32
    %add3A = arith.addi %mul3A_0, %arg1 : i32
    %mul3A_1 = arith.constant 64 : i32
    %mul3A_2 = arith.muli %add3A, %mul3A_1 : i32
    %dma_start3A = arith.constant 0 : i32
    %dma_start3A_3 = tpu.memref_slice %arg2[%mul3A_2, %dma_start3A] : memref<2048x1024xf32, #tpu.memory_space<hbm>> -> memref<32x1024xf32, #tpu.memory_space<hbm>>
    %dma_start3A_4 = arith.constant 0 : i32
    %dma_start3A_5 = tpu.memref_slice %arg2[%mul3A_2, %dma_start3A_4] : memref<2048x1024xf32, #tpu.memory_space<hbm>> -> memref<32x1024xf32, #tpu.memory_space<hbm>>
    tpu.enqueue_dma source(%dma_start3A_5 : memref<32x1024xf32, #tpu.memory_space<hbm>>) target(%arg9 : memref<32x1024xf32, #tpu.memory_space<vmem>>) target_semaphore(%arg19 : memref<!tpu.dma_semaphore, #tpu.memory_space<semaphore_mem>>)
    %add3A_6 = arith.constant 32 : i32
    %add3A_7 = arith.addi %mul3A_2, %add3A_6 : i32
    %dma_start3A_8 = arith.constant 0 : i32
    %dma_start3A_9 = tpu.memref_slice %arg2[%add3A_7, %dma_start3A_8] : memref<2048x1024xf32, #tpu.memory_space<hbm>> -> memref<32x1024xf32, #tpu.memory_space<hbm>>
    %dma_start3A_10 = arith.constant 0 : i32
    %dma_start3A_11 = tpu.memref_slice %arg2[%add3A_7, %dma_start3A_10] : memref<2048x1024xf32, #tpu.memory_space<hbm>> -> memref<32x1024xf32, #tpu.memory_space<hbm>>
    tpu.enqueue_dma source(%dma_start3A_11 : memref<32x1024xf32, #tpu.memory_space<hbm>>) target(%arg10 : memref<32x1024xf32, #tpu.memory_space<vmem>>) target_semaphore(%arg19 : memref<!tpu.dma_semaphore, #tpu.memory_space<semaphore_mem>>)
    %dma_start3A_12 = tpu.memref_slice %arg3[%mul3A_2] : memref<2048xi32, #tpu.memory_space<hbm>> -> memref<32xi32, #tpu.memory_space<hbm>>
    %dma_start3A_13 = tpu.memref_slice %arg3[%mul3A_2] : memref<2048xi32, #tpu.memory_space<hbm>> -> memref<32xi32, #tpu.memory_space<hbm>>
    tpu.enqueue_dma source(%dma_start3A_13 : memref<32xi32, #tpu.memory_space<hbm>>) target(%arg11 : memref<32xi32, #tpu.memory_space<vmem>>) target_semaphore(%arg20 : memref<!tpu.dma_semaphore, #tpu.memory_space<semaphore_mem>>)
    %add3A_14 = arith.constant 32 : i32
    %add3A_15 = arith.addi %mul3A_2, %add3A_14 : i32
    %dma_start3A_16 = tpu.memref_slice %arg3[%add3A_15] : memref<2048xi32, #tpu.memory_space<hbm>> -> memref<32xi32, #tpu.memory_space<hbm>>
    %dma_start3A_17 = tpu.memref_slice %arg3[%add3A_15] : memref<2048xi32, #tpu.memory_space<hbm>> -> memref<32xi32, #tpu.memory_space<hbm>>
    tpu.enqueue_dma source(%dma_start3A_17 : memref<32xi32, #tpu.memory_space<hbm>>) target(%arg12 : memref<32xi32, #tpu.memory_space<vmem>>) target_semaphore(%arg20 : memref<!tpu.dma_semaphore, #tpu.memory_space<semaphore_mem>>)
    %dma_start3A_18 = tpu.memref_slice %arg4[%mul3A_2] : memref<2048xi32, #tpu.memory_space<hbm>> -> memref<32xi32, #tpu.memory_space<hbm>>
    %dma_start3A_19 = tpu.memref_slice %arg4[%mul3A_2] : memref<2048xi32, #tpu.memory_space<hbm>> -> memref<32xi32, #tpu.memory_space<hbm>>
    tpu.enqueue_dma source(%dma_start3A_19 : memref<32xi32, #tpu.memory_space<hbm>>) target(%arg13 : memref<32xi32, #tpu.memory_space<vmem>>) target_semaphore(%arg20 : memref<!tpu.dma_semaphore, #tpu.memory_space<semaphore_mem>>)
    %add3A_20 = arith.constant 32 : i32
    %add3A_21 = arith.addi %mul3A_2, %add3A_20 : i32
    %dma_start3A_22 = tpu.memref_slice %arg4[%add3A_21] : memref<2048xi32, #tpu.memory_space<hbm>> -> memref<32xi32, #tpu.memory_space<hbm>>
    %dma_start3A_23 = tpu.memref_slice %arg4[%add3A_21] : memref<2048xi32, #tpu.memory_space<hbm>> -> memref<32xi32, #tpu.memory_space<hbm>>
    tpu.enqueue_dma source(%dma_start3A_23 : memref<32xi32, #tpu.memory_space<hbm>>) target(%arg14 : memref<32xi32, #tpu.memory_space<vmem>>) target_semaphore(%arg20 : memref<!tpu.dma_semaphore, #tpu.memory_space<semaphore_mem>>)
    %dma_start3A_24 = tpu.memref_slice %arg5[%mul3A_2] : memref<2048xf32, #tpu.memory_space<hbm>> -> memref<32xf32, #tpu.memory_space<hbm>>
    %dma_start3A_25 = tpu.memref_slice %arg5[%mul3A_2] : memref<2048xf32, #tpu.memory_space<hbm>> -> memref<32xf32, #tpu.memory_space<hbm>>
    tpu.enqueue_dma source(%dma_start3A_25 : memref<32xf32, #tpu.memory_space<hbm>>) target(%arg15 : memref<32xf32, #tpu.memory_space<vmem>>) target_semaphore(%arg20 : memref<!tpu.dma_semaphore, #tpu.memory_space<semaphore_mem>>)
    %add3A_26 = arith.constant 32 : i32
    %add3A_27 = arith.addi %mul3A_2, %add3A_26 : i32
    %dma_start3A_28 = tpu.memref_slice %arg5[%add3A_27] : memref<2048xf32, #tpu.memory_space<hbm>> -> memref<32xf32, #tpu.memory_space<hbm>>
    %dma_start3A_29 = tpu.memref_slice %arg5[%add3A_27] : memref<2048xf32, #tpu.memory_space<hbm>> -> memref<32xf32, #tpu.memory_space<hbm>>
    tpu.enqueue_dma source(%dma_start3A_29 : memref<32xf32, #tpu.memory_space<hbm>>) target(%arg16 : memref<32xf32, #tpu.memory_space<vmem>>) target_semaphore(%arg20 : memref<!tpu.dma_semaphore, #tpu.memory_space<semaphore_mem>>)
    %dma_start3A_30 = tpu.memref_slice %arg6[%mul3A_2] : memref<2048xf32, #tpu.memory_space<hbm>> -> memref<32xf32, #tpu.memory_space<hbm>>
    %dma_start3A_31 = tpu.memref_slice %arg6[%mul3A_2] : memref<2048xf32, #tpu.memory_space<hbm>> -> memref<32xf32, #tpu.memory_space<hbm>>
    tpu.enqueue_dma source(%dma_start3A_31 : memref<32xf32, #tpu.memory_space<hbm>>) target(%arg17 : memref<32xf32, #tpu.memory_space<vmem>>) target_semaphore(%arg20 : memref<!tpu.dma_semaphore, #tpu.memory_space<semaphore_mem>>)
    %add3A_32 = arith.constant 32 : i32
    %add3A_33 = arith.addi %mul3A_2, %add3A_32 : i32
    %dma_start3A_34 = tpu.memref_slice %arg6[%add3A_33] : memref<2048xf32, #tpu.memory_space<hbm>> -> memref<32xf32, #tpu.memory_space<hbm>>
    %dma_start3A_35 = tpu.memref_slice %arg6[%add3A_33] : memref<2048xf32, #tpu.memory_space<hbm>> -> memref<32xf32, #tpu.memory_space<hbm>>
    tpu.enqueue_dma source(%dma_start3A_35 : memref<32xf32, #tpu.memory_space<hbm>>) target(%arg18 : memref<32xf32, #tpu.memory_space<vmem>>) target_semaphore(%arg20 : memref<!tpu.dma_semaphore, #tpu.memory_space<semaphore_mem>>)
    %dma_wait3A = tpu.memref_slice %arg3[%mul3A_2] : memref<2048xi32, #tpu.memory_space<hbm>> -> memref<32xi32, #tpu.memory_space<hbm>>
    %dma_wait3A_36 = tpu.memref_slice %arg3[%mul3A_2] : memref<2048xi32, #tpu.memory_space<hbm>> -> memref<32xi32, #tpu.memory_space<hbm>>
    tpu.wait_dma2 semaphore(%arg20 : memref<!tpu.dma_semaphore, #tpu.memory_space<semaphore_mem>>) src(%dma_wait3A_36 : memref<32xi32, #tpu.memory_space<hbm>>) dst(%arg11 : memref<32xi32, #tpu.memory_space<vmem>>)
    %dma_wait3A_37 = tpu.memref_slice %arg3[%add3A_15] : memref<2048xi32, #tpu.memory_space<hbm>> -> memref<32xi32, #tpu.memory_space<hbm>>
    %dma_wait3A_38 = tpu.memref_slice %arg3[%add3A_15] : memref<2048xi32, #tpu.memory_space<hbm>> -> memref<32xi32, #tpu.memory_space<hbm>>
    tpu.wait_dma2 semaphore(%arg20 : memref<!tpu.dma_semaphore, #tpu.memory_space<semaphore_mem>>) src(%dma_wait3A_38 : memref<32xi32, #tpu.memory_space<hbm>>) dst(%arg12 : memref<32xi32, #tpu.memory_space<vmem>>)
    %dma_wait3A_39 = tpu.memref_slice %arg4[%mul3A_2] : memref<2048xi32, #tpu.memory_space<hbm>> -> memref<32xi32, #tpu.memory_space<hbm>>
    %dma_wait3A_40 = tpu.memref_slice %arg4[%mul3A_2] : memref<2048xi32, #tpu.memory_space<hbm>> -> memref<32xi32, #tpu.memory_space<hbm>>
    tpu.wait_dma2 semaphore(%arg20 : memref<!tpu.dma_semaphore, #tpu.memory_space<semaphore_mem>>) src(%dma_wait3A_40 : memref<32xi32, #tpu.memory_space<hbm>>) dst(%arg13 : memref<32xi32, #tpu.memory_space<vmem>>)
    %dma_wait3A_41 = tpu.memref_slice %arg4[%add3A_21] : memref<2048xi32, #tpu.memory_space<hbm>> -> memref<32xi32, #tpu.memory_space<hbm>>
    %dma_wait3A_42 = tpu.memref_slice %arg4[%add3A_21] : memref<2048xi32, #tpu.memory_space<hbm>> -> memref<32xi32, #tpu.memory_space<hbm>>
    tpu.wait_dma2 semaphore(%arg20 : memref<!tpu.dma_semaphore, #tpu.memory_space<semaphore_mem>>) src(%dma_wait3A_42 : memref<32xi32, #tpu.memory_space<hbm>>) dst(%arg14 : memref<32xi32, #tpu.memory_space<vmem>>)
    %dma_wait3A_43 = tpu.memref_slice %arg5[%mul3A_2] : memref<2048xf32, #tpu.memory_space<hbm>> -> memref<32xf32, #tpu.memory_space<hbm>>
    %dma_wait3A_44 = tpu.memref_slice %arg5[%mul3A_2] : memref<2048xf32, #tpu.memory_space<hbm>> -> memref<32xf32, #tpu.memory_space<hbm>>
    tpu.wait_dma2 semaphore(%arg20 : memref<!tpu.dma_semaphore, #tpu.memory_space<semaphore_mem>>) src(%dma_wait3A_44 : memref<32xf32, #tpu.memory_space<hbm>>) dst(%arg15 : memref<32xf32, #tpu.memory_space<vmem>>)
    %dma_wait3A_45 = tpu.memref_slice %arg5[%add3A_27] : memref<2048xf32, #tpu.memory_space<hbm>> -> memref<32xf32, #tpu.memory_space<hbm>>
    %dma_wait3A_46 = tpu.memref_slice %arg5[%add3A_27] : memref<2048xf32, #tpu.memory_space<hbm>> -> memref<32xf32, #tpu.memory_space<hbm>>
    tpu.wait_dma2 semaphore(%arg20 : memref<!tpu.dma_semaphore, #tpu.memory_space<semaphore_mem>>) src(%dma_wait3A_46 : memref<32xf32, #tpu.memory_space<hbm>>) dst(%arg16 : memref<32xf32, #tpu.memory_space<vmem>>)
    %dma_wait3A_47 = tpu.memref_slice %arg6[%mul3A_2] : memref<2048xf32, #tpu.memory_space<hbm>> -> memref<32xf32, #tpu.memory_space<hbm>>
    %dma_wait3A_48 = tpu.memref_slice %arg6[%mul3A_2] : memref<2048xf32, #tpu.memory_space<hbm>> -> memref<32xf32, #tpu.memory_space<hbm>>
    tpu.wait_dma2 semaphore(%arg20 : memref<!tpu.dma_semaphore, #tpu.memory_space<semaphore_mem>>) src(%dma_wait3A_48 : memref<32xf32, #tpu.memory_space<hbm>>) dst(%arg17 : memref<32xf32, #tpu.memory_space<vmem>>)
    %dma_wait3A_49 = tpu.memref_slice %arg6[%add3A_33] : memref<2048xf32, #tpu.memory_space<hbm>> -> memref<32xf32, #tpu.memory_space<hbm>>
    %dma_wait3A_50 = tpu.memref_slice %arg6[%add3A_33] : memref<2048xf32, #tpu.memory_space<hbm>> -> memref<32xf32, #tpu.memory_space<hbm>>
    tpu.wait_dma2 semaphore(%arg20 : memref<!tpu.dma_semaphore, #tpu.memory_space<semaphore_mem>>) src(%dma_wait3A_50 : memref<32xf32, #tpu.memory_space<hbm>>) dst(%arg18 : memref<32xf32, #tpu.memory_space<vmem>>)
    %dma_start3A_51 = arith.constant 0 : i32
    %dma_start3A_52 = tpu.memref_slice %arg8[%dma_start3A_51] : memref<5888xf32, #tpu.memory_space<hbm>> -> memref<5888xf32, #tpu.memory_space<hbm>>
    tpu.enqueue_indirect_dma source(%arg15 : memref<32xf32, #tpu.memory_space<vmem>>) target(%dma_start3A_52 : memref<5888xf32, #tpu.memory_space<hbm>>) offsets(%arg11 : memref<32xi32, #tpu.memory_space<vmem>>) semaphore(%arg20 : memref<!tpu.dma_semaphore, #tpu.memory_space<semaphore_mem>>)
    %dma_start3A_53 = arith.constant 0 : i32
    %dma_start3A_54 = tpu.memref_slice %arg8[%dma_start3A_53] : memref<5888xf32, #tpu.memory_space<hbm>> -> memref<5888xf32, #tpu.memory_space<hbm>>
    tpu.enqueue_indirect_dma source(%arg16 : memref<32xf32, #tpu.memory_space<vmem>>) target(%dma_start3A_54 : memref<5888xf32, #tpu.memory_space<hbm>>) offsets(%arg12 : memref<32xi32, #tpu.memory_space<vmem>>) semaphore(%arg20 : memref<!tpu.dma_semaphore, #tpu.memory_space<semaphore_mem>>)
    %dma_start3A_55 = arith.constant 0 : i32
    %dma_start3A_56 = tpu.memref_slice %arg8[%dma_start3A_55] : memref<5888xf32, #tpu.memory_space<hbm>> -> memref<5888xf32, #tpu.memory_space<hbm>>
    tpu.enqueue_indirect_dma source(%arg17 : memref<32xf32, #tpu.memory_space<vmem>>) target(%dma_start3A_56 : memref<5888xf32, #tpu.memory_space<hbm>>) offsets(%arg13 : memref<32xi32, #tpu.memory_space<vmem>>) semaphore(%arg20 : memref<!tpu.dma_semaphore, #tpu.memory_space<semaphore_mem>>)
    %dma_start3A_57 = arith.constant 0 : i32
    %dma_start3A_58 = tpu.memref_slice %arg8[%dma_start3A_57] : memref<5888xf32, #tpu.memory_space<hbm>> -> memref<5888xf32, #tpu.memory_space<hbm>>
    tpu.enqueue_indirect_dma source(%arg18 : memref<32xf32, #tpu.memory_space<vmem>>) target(%dma_start3A_58 : memref<5888xf32, #tpu.memory_space<hbm>>) offsets(%arg14 : memref<32xi32, #tpu.memory_space<vmem>>) semaphore(%arg20 : memref<!tpu.dma_semaphore, #tpu.memory_space<semaphore_mem>>)
    %dma_wait3A_59 = arith.constant 0 : i32
    %dma_wait3A_60 = tpu.memref_slice %arg2[%mul3A_2, %dma_wait3A_59] : memref<2048x1024xf32, #tpu.memory_space<hbm>> -> memref<32x1024xf32, #tpu.memory_space<hbm>>
    %dma_wait3A_61 = arith.constant 0 : i32
    %dma_wait3A_62 = tpu.memref_slice %arg2[%mul3A_2, %dma_wait3A_61] : memref<2048x1024xf32, #tpu.memory_space<hbm>> -> memref<32x1024xf32, #tpu.memory_space<hbm>>
    tpu.wait_dma2 semaphore(%arg19 : memref<!tpu.dma_semaphore, #tpu.memory_space<semaphore_mem>>) src(%dma_wait3A_62 : memref<32x1024xf32, #tpu.memory_space<hbm>>) dst(%arg9 : memref<32x1024xf32, #tpu.memory_space<vmem>>)
    %dma_start3A_63 = arith.constant 0 : i32
    %dma_start3A_64 = arith.constant 0 : i32
    %dma_start3A_65 = tpu.memref_slice %arg7[%dma_start3A_63, %dma_start3A_64] : memref<5888x1024xf32, #tpu.memory_space<hbm>> -> memref<5888x1024xf32, #tpu.memory_space<hbm>>
    tpu.enqueue_indirect_dma source(%arg9 : memref<32x1024xf32, #tpu.memory_space<vmem>>) target(%dma_start3A_65 : memref<5888x1024xf32, #tpu.memory_space<hbm>>) offsets(%arg11 : memref<32xi32, #tpu.memory_space<vmem>>) semaphore(%arg19 : memref<!tpu.dma_semaphore, #tpu.memory_space<semaphore_mem>>)
    %dma_start3A_66 = arith.constant 0 : i32
    %dma_start3A_67 = arith.constant 0 : i32
    %dma_start3A_68 = tpu.memref_slice %arg7[%dma_start3A_66, %dma_start3A_67] : memref<5888x1024xf32, #tpu.memory_space<hbm>> -> memref<5888x1024xf32, #tpu.memory_space<hbm>>
    tpu.enqueue_indirect_dma source(%arg9 : memref<32x1024xf32, #tpu.memory_space<vmem>>) target(%dma_start3A_68 : memref<5888x1024xf32, #tpu.memory_space<hbm>>) offsets(%arg13 : memref<32xi32, #tpu.memory_space<vmem>>) semaphore(%arg19 : memref<!tpu.dma_semaphore, #tpu.memory_space<semaphore_mem>>)
    %dma_wait3A_69 = arith.constant 0 : i32
    %dma_wait3A_70 = tpu.memref_slice %arg2[%add3A_7, %dma_wait3A_69] : memref<2048x1024xf32, #tpu.memory_space<hbm>> -> memref<32x1024xf32, #tpu.memory_space<hbm>>
    %dma_wait3A_71 = arith.constant 0 : i32
    %dma_wait3A_72 = tpu.memref_slice %arg2[%add3A_7, %dma_wait3A_71] : memref<2048x1024xf32, #tpu.memory_space<hbm>> -> memref<32x1024xf32, #tpu.memory_space<hbm>>
    tpu.wait_dma2 semaphore(%arg19 : memref<!tpu.dma_semaphore, #tpu.memory_space<semaphore_mem>>) src(%dma_wait3A_72 : memref<32x1024xf32, #tpu.memory_space<hbm>>) dst(%arg10 : memref<32x1024xf32, #tpu.memory_space<vmem>>)
    %dma_start3A_73 = arith.constant 0 : i32
    %dma_start3A_74 = arith.constant 0 : i32
    %dma_start3A_75 = tpu.memref_slice %arg7[%dma_start3A_73, %dma_start3A_74] : memref<5888x1024xf32, #tpu.memory_space<hbm>> -> memref<5888x1024xf32, #tpu.memory_space<hbm>>
    tpu.enqueue_indirect_dma source(%arg10 : memref<32x1024xf32, #tpu.memory_space<vmem>>) target(%dma_start3A_75 : memref<5888x1024xf32, #tpu.memory_space<hbm>>) offsets(%arg12 : memref<32xi32, #tpu.memory_space<vmem>>) semaphore(%arg19 : memref<!tpu.dma_semaphore, #tpu.memory_space<semaphore_mem>>)
    %dma_start3A_76 = arith.constant 0 : i32
    %dma_start3A_77 = arith.constant 0 : i32
    %dma_start3A_78 = tpu.memref_slice %arg7[%dma_start3A_76, %dma_start3A_77] : memref<5888x1024xf32, #tpu.memory_space<hbm>> -> memref<5888x1024xf32, #tpu.memory_space<hbm>>
    tpu.enqueue_indirect_dma source(%arg10 : memref<32x1024xf32, #tpu.memory_space<vmem>>) target(%dma_start3A_78 : memref<5888x1024xf32, #tpu.memory_space<hbm>>) offsets(%arg14 : memref<32xi32, #tpu.memory_space<vmem>>) semaphore(%arg19 : memref<!tpu.dma_semaphore, #tpu.memory_space<semaphore_mem>>)
    %dma_wait3A_79 = arith.constant 0 : i32
    %dma_wait3A_80 = tpu.memref_slice %arg8[%dma_wait3A_79] : memref<5888xf32, #tpu.memory_space<hbm>> -> memref<5888xf32, #tpu.memory_space<hbm>>
    tpu.wait_indirect_dma semaphore(%arg20 : memref<!tpu.dma_semaphore, #tpu.memory_space<semaphore_mem>>) src(%arg15 : memref<32xf32, #tpu.memory_space<vmem>>) dst(%dma_wait3A_80 : memref<5888xf32, #tpu.memory_space<hbm>>)
    %dma_wait3A_81 = arith.constant 0 : i32
    %dma_wait3A_82 = tpu.memref_slice %arg8[%dma_wait3A_81] : memref<5888xf32, #tpu.memory_space<hbm>> -> memref<5888xf32, #tpu.memory_space<hbm>>
    tpu.wait_indirect_dma semaphore(%arg20 : memref<!tpu.dma_semaphore, #tpu.memory_space<semaphore_mem>>) src(%arg16 : memref<32xf32, #tpu.memory_space<vmem>>) dst(%dma_wait3A_82 : memref<5888xf32, #tpu.memory_space<hbm>>)
    %dma_wait3A_83 = arith.constant 0 : i32
    %dma_wait3A_84 = tpu.memref_slice %arg8[%dma_wait3A_83] : memref<5888xf32, #tpu.memory_space<hbm>> -> memref<5888xf32, #tpu.memory_space<hbm>>
    tpu.wait_indirect_dma semaphore(%arg20 : memref<!tpu.dma_semaphore, #tpu.memory_space<semaphore_mem>>) src(%arg17 : memref<32xf32, #tpu.memory_space<vmem>>) dst(%dma_wait3A_84 : memref<5888xf32, #tpu.memory_space<hbm>>)
    %dma_wait3A_85 = arith.constant 0 : i32
    %dma_wait3A_86 = tpu.memref_slice %arg8[%dma_wait3A_85] : memref<5888xf32, #tpu.memory_space<hbm>> -> memref<5888xf32, #tpu.memory_space<hbm>>
    tpu.wait_indirect_dma semaphore(%arg20 : memref<!tpu.dma_semaphore, #tpu.memory_space<semaphore_mem>>) src(%arg18 : memref<32xf32, #tpu.memory_space<vmem>>) dst(%dma_wait3A_86 : memref<5888xf32, #tpu.memory_space<hbm>>)
    %dma_wait3A_87 = arith.constant 0 : i32
    %dma_wait3A_88 = arith.constant 0 : i32
    %dma_wait3A_89 = tpu.memref_slice %arg7[%dma_wait3A_87, %dma_wait3A_88] : memref<5888x1024xf32, #tpu.memory_space<hbm>> -> memref<5888x1024xf32, #tpu.memory_space<hbm>>
    tpu.wait_indirect_dma semaphore(%arg19 : memref<!tpu.dma_semaphore, #tpu.memory_space<semaphore_mem>>) src(%arg9 : memref<32x1024xf32, #tpu.memory_space<vmem>>) dst(%dma_wait3A_89 : memref<5888x1024xf32, #tpu.memory_space<hbm>>)
    %dma_wait3A_90 = arith.constant 0 : i32
    %dma_wait3A_91 = arith.constant 0 : i32
    %dma_wait3A_92 = tpu.memref_slice %arg7[%dma_wait3A_90, %dma_wait3A_91] : memref<5888x1024xf32, #tpu.memory_space<hbm>> -> memref<5888x1024xf32, #tpu.memory_space<hbm>>
    tpu.wait_indirect_dma semaphore(%arg19 : memref<!tpu.dma_semaphore, #tpu.memory_space<semaphore_mem>>) src(%arg9 : memref<32x1024xf32, #tpu.memory_space<vmem>>) dst(%dma_wait3A_92 : memref<5888x1024xf32, #tpu.memory_space<hbm>>)
    %dma_wait3A_93 = arith.constant 0 : i32
    %dma_wait3A_94 = arith.constant 0 : i32
    %dma_wait3A_95 = tpu.memref_slice %arg7[%dma_wait3A_93, %dma_wait3A_94] : memref<5888x1024xf32, #tpu.memory_space<hbm>> -> memref<5888x1024xf32, #tpu.memory_space<hbm>>
    tpu.wait_indirect_dma semaphore(%arg19 : memref<!tpu.dma_semaphore, #tpu.memory_space<semaphore_mem>>) src(%arg10 : memref<32x1024xf32, #tpu.memory_space<vmem>>) dst(%dma_wait3A_95 : memref<5888x1024xf32, #tpu.memory_space<hbm>>)
    %dma_wait3A_96 = arith.constant 0 : i32
    %dma_wait3A_97 = arith.constant 0 : i32
    %dma_wait3A_98 = tpu.memref_slice %arg7[%dma_wait3A_96, %dma_wait3A_97] : memref<5888x1024xf32, #tpu.memory_space<hbm>> -> memref<5888x1024xf32, #tpu.memory_space<hbm>>
    tpu.wait_indirect_dma semaphore(%arg19 : memref<!tpu.dma_semaphore, #tpu.memory_space<semaphore_mem>>) src(%arg10 : memref<32x1024xf32, #tpu.memory_space<vmem>>) dst(%dma_wait3A_98 : memref<5888x1024xf32, #tpu.memory_space<hbm>>)
    return
  }
}

module attributes {stable_mosaic.version = 14 : i64} {
  func.func @_gemm_body(%arg0: i32, %arg1: memref<48xi32, #tpu.memory_space<smem>>, %arg2: memref<256x1024xf32, #tpu.memory_space<vmem>>, %arg3: memref<1x1x256xf32, #tpu.memory_space<vmem>>, %arg4: memref<1x512x1024xf32, #tpu.memory_space<vmem>>, %arg5: memref<1x512x1024xf32, #tpu.memory_space<vmem>>, %arg6: memref<1x1024x512xf32, #tpu.memory_space<vmem>>, %arg7: memref<256x1024xf32, #tpu.memory_space<vmem>>) attributes {dimension_semantics = [#tpu.dimension_semantics<arbitrary>], iteration_bounds = array<i64: 23>, scalar_prefetch = 1 : i64, scratch_operands = 0 : i64, tpu.core_type = #tpu.core_type<tc>, window_params = [{transform_indices = @transform_0, window_bounds = array<i64: 256, 1024>}, {transform_indices = @transform_1, window_bounds = array<i64: 1, 1, 256>}, {transform_indices = @transform_2, window_bounds = array<i64: 1, 512, 1024>}, {transform_indices = @transform_3, window_bounds = array<i64: 1, 512, 1024>}, {transform_indices = @transform_4, window_bounds = array<i64: 1, 1024, 512>}, {transform_indices = @transform_5, window_bounds = array<i64: 256, 1024>}]} {
    %get3A = arith.constant 47 : index
    %get3A_0 = memref.load %arg1[%get3A] : memref<48xi32, #tpu.memory_space<smem>>
    %lt3A = arith.cmpi slt, %arg0, %get3A_0 : i32
    %convert_element_type3A = arith.extui %lt3A : i1 to i32
    %cond3A = arith.constant 0 : i32
    %cond3A_1 = arith.cmpi ne, %convert_element_type3A, %cond3A : i32
    scf.if %cond3A_1 {
      %get3A_2 = arith.constant 0 : index
      %get3A_3 = arith.constant 0 : index
      %get3A_4 = arith.constant 0 : index
      %get3A_5 = vector.load %arg3[%get3A_2, %get3A_3, %get3A_4] : memref<1x1x256xf32, #tpu.memory_space<vmem>>, vector<1x1x256xf32>
      %get3A_6 = vector.shape_cast %get3A_5 : vector<1x1x256xf32> to vector<1x256xf32>
      %iota3A = tpu.iota {dimensions = array<i32: 0>} : vector<256x256xi32>
      %iota3A_7 = tpu.iota {dimensions = array<i32: 1>} : vector<256x256xi32>
      %eq3A = arith.cmpi eq, %iota3A, %iota3A_7 : vector<256x256xi32>
      %broadcast_in_dim3A = vector.shape_cast %get3A_6 : vector<1x256xf32> to vector<1x256xf32>
      %broadcast_in_dim3A_8 = vector.broadcast %broadcast_in_dim3A : vector<1x256xf32> to vector<256x256xf32>
      %jit3A = arith.constant 0.000000e+00 : f32
      %broadcast_in_dim3A_9 = vector.broadcast %jit3A : f32 to vector<256x256xf32>
      %select_n3A = arith.select %eq3A, %broadcast_in_dim3A_8, %broadcast_in_dim3A_9 : vector<256x256xi1>, vector<256x256xf32>
      %reduce_sum3A = arith.constant dense<0.000000e+00> : vector<256xf32>
      %reduce_sum3A_10 = vector.multi_reduction <add>, %select_n3A, %reduce_sum3A [1] : vector<256x256xf32> to vector<256xf32>
      %broadcast_in_dim3A_11 = vector.shape_cast %reduce_sum3A_10 : vector<256xf32> to vector<256x1xf32>
      %get3A_12 = arith.constant 0 : index
      %get3A_13 = arith.constant 0 : index
      %get3A_14 = vector.load %arg2[%get3A_12, %get3A_13] : memref<256x1024xf32, #tpu.memory_space<vmem>>, vector<256x1024xf32>
      %convert_element_type3A_15 = arith.truncf %get3A_14 : vector<256x1024xf32> to vector<256x1024xbf16>
      %get3A_16 = arith.constant 0 : index
      %get3A_17 = arith.constant 0 : index
      %get3A_18 = arith.constant 0 : index
      %get3A_19 = vector.load %arg4[%get3A_16, %get3A_17, %get3A_18] : memref<1x512x1024xf32, #tpu.memory_space<vmem>>, vector<1x512x1024xf32>
      %get3A_20 = vector.shape_cast %get3A_19 : vector<1x512x1024xf32> to vector<512x1024xf32>
      %convert_element_type3A_21 = arith.truncf %get3A_20 : vector<512x1024xf32> to vector<512x1024xbf16>
      %get3A_22 = arith.constant 0 : index
      %get3A_23 = arith.constant 0 : index
      %get3A_24 = arith.constant 0 : index
      %get3A_25 = vector.load %arg5[%get3A_22, %get3A_23, %get3A_24] : memref<1x512x1024xf32, #tpu.memory_space<vmem>>, vector<1x512x1024xf32>
      %get3A_26 = vector.shape_cast %get3A_25 : vector<1x512x1024xf32> to vector<512x1024xf32>
      %convert_element_type3A_27 = arith.truncf %get3A_26 : vector<512x1024xf32> to vector<512x1024xbf16>
      %get3A_28 = arith.constant 0 : index
      %get3A_29 = arith.constant 0 : index
      %get3A_30 = arith.constant 0 : index
      %get3A_31 = vector.load %arg6[%get3A_28, %get3A_29, %get3A_30] : memref<1x1024x512xf32, #tpu.memory_space<vmem>>, vector<1x1024x512xf32>
      %get3A_32 = vector.shape_cast %get3A_31 : vector<1x1024x512xf32> to vector<1024x512xf32>
      %convert_element_type3A_33 = arith.truncf %get3A_32 : vector<1024x512xf32> to vector<1024x512xbf16>
      %dot_general3A = arith.constant dense<0.000000e+00> : vector<256x512xf32>
      %dot_general3A_34 = tpu.matmul %convert_element_type3A_15, %convert_element_type3A_21, %dot_general3A {dimension_numbers = #tpu.dot_dimension_numbers<[1], [1], [0], [0], [0, 0, 1, 0], [], []>, transpose_lhs_hint = false} : vector<256x1024xbf16>, vector<512x1024xbf16>, vector<256x512xf32> -> vector<256x512xf32>
      %dot_general3A_35 = arith.constant dense<0.000000e+00> : vector<256x512xf32>
      %dot_general3A_36 = tpu.matmul %convert_element_type3A_15, %convert_element_type3A_27, %dot_general3A_35 {dimension_numbers = #tpu.dot_dimension_numbers<[1], [1], [0], [0], [0, 0, 1, 0], [], []>, transpose_lhs_hint = false} : vector<256x1024xbf16>, vector<512x1024xbf16>, vector<256x512xf32> -> vector<256x512xf32>
      %mul3A = vector.broadcast %broadcast_in_dim3A_11 : vector<256x1xf32> to vector<256x512xf32>
      %mul3A_37 = arith.mulf %dot_general3A_36, %mul3A : vector<256x512xf32>
      %logistic3A = arith.negf %mul3A_37 : vector<256x512xf32>
      %logistic3A_38 = math.exp %logistic3A : vector<256x512xf32>
      %logistic3A_39 = arith.constant 1.000000e+00 : f32
      %logistic3A_40 = vector.broadcast %logistic3A_39 : f32 to vector<256x512xf32>
      %logistic3A_41 = arith.addf %logistic3A_40, %logistic3A_38 : vector<256x512xf32>
      %logistic3A_42 = arith.divf %logistic3A_40, %logistic3A_41 : vector<256x512xf32>
      %mul3A_43 = arith.mulf %mul3A_37, %logistic3A_42 : vector<256x512xf32>
      %mul3A_44 = vector.broadcast %broadcast_in_dim3A_11 : vector<256x1xf32> to vector<256x512xf32>
      %mul3A_45 = arith.mulf %dot_general3A_34, %mul3A_44 : vector<256x512xf32>
      %mul3A_46 = arith.mulf %mul3A_43, %mul3A_45 : vector<256x512xf32>
      %convert_element_type3A_47 = arith.truncf %mul3A_46 : vector<256x512xf32> to vector<256x512xbf16>
      %dot_general3A_48 = arith.constant dense<0.000000e+00> : vector<256x1024xf32>
      %dot_general3A_49 = tpu.matmul %convert_element_type3A_47, %convert_element_type3A_33, %dot_general3A_48 {dimension_numbers = #tpu.dot_dimension_numbers<[1], [1], [0], [0], [0, 0, 1, 0], [], []>, transpose_lhs_hint = false} : vector<256x512xbf16>, vector<1024x512xbf16>, vector<256x1024xf32> -> vector<256x1024xf32>
      %mul3A_50 = vector.broadcast %broadcast_in_dim3A_11 : vector<256x1xf32> to vector<256x1024xf32>
      %mul3A_51 = arith.mulf %dot_general3A_49, %mul3A_50 : vector<256x1024xf32>
      %swap3A = arith.constant 0 : index
      %swap3A_52 = arith.constant 0 : index
      %swap3A_53 = vector.load %arg7[%swap3A, %swap3A_52] : memref<256x1024xf32, #tpu.memory_space<vmem>>, vector<256x1024xf32>
      tpu.vector_store %arg7[%swap3A, %swap3A_52], %mul3A_51 {strides = array<i32>} : memref<256x1024xf32, #tpu.memory_space<vmem>>, vector<256x1024xf32>,
    } else {
    }
    return
  }
  func.func @transform_0(%arg0: i32, %arg1: memref<48xi32, #tpu.memory_space<smem>>) -> (i32, i32) {
    %get3A = arith.constant 47 : index
    %get3A_0 = memref.load %arg1[%get3A] : memref<48xi32, #tpu.memory_space<smem>>
    %sub3A = arith.constant 1 : i32
    %sub3A_1 = arith.subi %get3A_0, %sub3A : i32
    %min3A = arith.minsi %arg0, %sub3A_1 : i32
    %c0_i32 = arith.constant 0 : i32
    %c0_i32_2 = arith.constant 0 : i32
    return %min3A, %c0_i32 : i32, i32
  }
  func.func @transform_1(%arg0: i32, %arg1: memref<48xi32, #tpu.memory_space<smem>>) -> (i32, i32, i32) {
    %get3A = arith.constant 47 : index
    %get3A_0 = memref.load %arg1[%get3A] : memref<48xi32, #tpu.memory_space<smem>>
    %sub3A = arith.constant 1 : i32
    %sub3A_1 = arith.subi %get3A_0, %sub3A : i32
    %min3A = arith.minsi %arg0, %sub3A_1 : i32
    %c0_i32 = arith.constant 0 : i32
    %c0_i32_2 = arith.constant 0 : i32
    %c0_i32_3 = arith.constant 0 : i32
    return %min3A, %c0_i32, %c0_i32_2 : i32, i32, i32
  }
  func.func @transform_2(%arg0: i32, %arg1: memref<48xi32, #tpu.memory_space<smem>>) -> (i32, i32, i32) {
    %get3A = arith.constant 47 : index
    %get3A_0 = memref.load %arg1[%get3A] : memref<48xi32, #tpu.memory_space<smem>>
    %sub3A = arith.constant 1 : i32
    %sub3A_1 = arith.subi %get3A_0, %sub3A : i32
    %min3A = arith.minsi %arg0, %sub3A_1 : i32
    %get3A_2 = arith.index_cast %min3A : i32 to index
    %get3A_3 = memref.load %arg1[%get3A_2] : memref<48xi32, #tpu.memory_space<smem>>
    %c0_i32 = arith.constant 0 : i32
    %c0_i32_4 = arith.constant 0 : i32
    %c0_i32_5 = arith.constant 0 : i32
    return %get3A_3, %c0_i32, %c0_i32_4 : i32, i32, i32
  }
  func.func @transform_3(%arg0: i32, %arg1: memref<48xi32, #tpu.memory_space<smem>>) -> (i32, i32, i32) {
    %get3A = arith.constant 47 : index
    %get3A_0 = memref.load %arg1[%get3A] : memref<48xi32, #tpu.memory_space<smem>>
    %sub3A = arith.constant 1 : i32
    %sub3A_1 = arith.subi %get3A_0, %sub3A : i32
    %min3A = arith.minsi %arg0, %sub3A_1 : i32
    %get3A_2 = arith.index_cast %min3A : i32 to index
    %get3A_3 = memref.load %arg1[%get3A_2] : memref<48xi32, #tpu.memory_space<smem>>
    %c0_i32 = arith.constant 0 : i32
    %c0_i32_4 = arith.constant 0 : i32
    %c0_i32_5 = arith.constant 0 : i32
    return %get3A_3, %c0_i32, %c0_i32_4 : i32, i32, i32
  }
  func.func @transform_4(%arg0: i32, %arg1: memref<48xi32, #tpu.memory_space<smem>>) -> (i32, i32, i32) {
    %get3A = arith.constant 47 : index
    %get3A_0 = memref.load %arg1[%get3A] : memref<48xi32, #tpu.memory_space<smem>>
    %sub3A = arith.constant 1 : i32
    %sub3A_1 = arith.subi %get3A_0, %sub3A : i32
    %min3A = arith.minsi %arg0, %sub3A_1 : i32
    %get3A_2 = arith.index_cast %min3A : i32 to index
    %get3A_3 = memref.load %arg1[%get3A_2] : memref<48xi32, #tpu.memory_space<smem>>
    %c0_i32 = arith.constant 0 : i32
    %c0_i32_4 = arith.constant 0 : i32
    %c0_i32_5 = arith.constant 0 : i32
    return %get3A_3, %c0_i32, %c0_i32_4 : i32, i32, i32
  }
  func.func @transform_5(%arg0: i32, %arg1: memref<48xi32, #tpu.memory_space<smem>>) -> (i32, i32) {
    %get3A = arith.constant 47 : index
    %get3A_0 = memref.load %arg1[%get3A] : memref<48xi32, #tpu.memory_space<smem>>
    %sub3A = arith.constant 1 : i32
    %sub3A_1 = arith.subi %get3A_0, %sub3A : i32
    %min3A = arith.minsi %arg0, %sub3A_1 : i32
    %c0_i32 = arith.constant 0 : i32
    %c0_i32_2 = arith.constant 0 : i32
    return %min3A, %c0_i32 : i32, i32
  }
}

module attributes {stable_mosaic.version = 14 : i64} {
  func.func @_dispatch_body(%arg0: memref<8x2048xf32, #tpu.memory_space<vmem>>, %arg1: memref<2048xi32, #tpu.memory_space<vmem>>, %arg2: memref<2048xi32, #tpu.memory_space<vmem>>, %arg3: memref<2048xf32, #tpu.memory_space<vmem>>, %arg4: memref<2048xf32, #tpu.memory_space<vmem>>, %arg5: memref<48xi32, #tpu.memory_space<vmem>>) attributes {dimension_semantics = [], scalar_prefetch = 0 : i64, scratch_operands = 0 : i64, tpu.core_type = #tpu.core_type<tc>} {
    %get3A = arith.constant 0 : index
    %get3A_0 = arith.constant 0 : index
    %get3A_1 = vector.load %arg0[%get3A, %get3A_0] : memref<8x2048xf32, #tpu.memory_space<vmem>>, vector<8x2048xf32>
    %iota3A = tpu.iota {dimensions = array<i32: 0>} : vector<8x2048xi32>
    %reduce_max3A = arith.constant dense<0xFF800000> : vector<2048xf32>
    %reduce_max3A_2 = vector.multi_reduction <maximumf>, %get3A_1, %reduce_max3A [0] : vector<8x2048xf32> to vector<2048xf32>
    %max3A = arith.constant 0xFF800000 : f32
    %max3A_3 = vector.broadcast %max3A : f32 to vector<2048xf32>
    %max3A_4 = arith.maximumf %max3A_3, %reduce_max3A_2 : vector<2048xf32>
    %broadcast_in_dim3A = vector.shape_cast %max3A_4 : vector<2048xf32> to vector<1x2048xf32>
    %sub3A = vector.broadcast %broadcast_in_dim3A : vector<1x2048xf32> to vector<8x2048xf32>
    %sub3A_5 = arith.subf %get3A_1, %sub3A : vector<8x2048xf32>
    %exp3A = math.exp %sub3A_5 : vector<8x2048xf32>
    %reduce_sum3A = arith.constant dense<0.000000e+00> : vector<2048xf32>
    %reduce_sum3A_6 = vector.multi_reduction <add>, %exp3A, %reduce_sum3A [0] : vector<8x2048xf32> to vector<2048xf32>
    %broadcast_in_dim3A_7 = vector.shape_cast %reduce_sum3A_6 : vector<2048xf32> to vector<1x2048xf32>
    %div3A = vector.broadcast %broadcast_in_dim3A_7 : vector<1x2048xf32> to vector<8x2048xf32>
    %div3A_8 = arith.divf %exp3A, %div3A : vector<8x2048xf32>
    %reduce_max3A_9 = arith.constant dense<0xFF800000> : vector<2048xf32>
    %reduce_max3A_10 = vector.multi_reduction <maximumf>, %div3A_8, %reduce_max3A_9 [0] : vector<8x2048xf32> to vector<2048xf32>
    %broadcast_in_dim3A_11 = vector.shape_cast %reduce_max3A_10 : vector<2048xf32> to vector<1x2048xf32>
    %eq3A = vector.broadcast %broadcast_in_dim3A_11 : vector<1x2048xf32> to vector<8x2048xf32>
    %eq3A_12 = arith.cmpf oeq, %div3A_8, %eq3A : vector<8x2048xf32>
    %jit3A = arith.constant 8 : i32
    %broadcast_in_dim3A_13 = vector.broadcast %jit3A : i32 to vector<8x2048xi32>
    %select_n3A = arith.select %eq3A_12, %iota3A, %broadcast_in_dim3A_13 : vector<8x2048xi1>, vector<8x2048xi32>
    %reduce_min3A = arith.constant dense<2147483647> : vector<2048xi32>
    %reduce_min3A_14 = vector.multi_reduction <minsi>, %select_n3A, %reduce_min3A [0] : vector<8x2048xi32> to vector<2048xi32>
    %broadcast_in_dim3A_15 = vector.shape_cast %reduce_min3A_14 : vector<2048xi32> to vector<1x2048xi32>
    %eq3A_16 = vector.broadcast %broadcast_in_dim3A_15 : vector<1x2048xi32> to vector<8x2048xi32>
    %eq3A_17 = arith.cmpi eq, %iota3A, %eq3A_16 : vector<8x2048xi32>
    %jit3A_18 = arith.constant -1.000000e+00 : f32
    %broadcast_in_dim3A_19 = vector.broadcast %jit3A_18 : f32 to vector<8x2048xf32>
    %select_n3A_20 = arith.select %eq3A_17, %broadcast_in_dim3A_19, %div3A_8 : vector<8x2048xi1>, vector<8x2048xf32>
    %reduce_max3A_21 = arith.constant dense<0xFF800000> : vector<2048xf32>
    %reduce_max3A_22 = vector.multi_reduction <maximumf>, %select_n3A_20, %reduce_max3A_21 [0] : vector<8x2048xf32> to vector<2048xf32>
    %broadcast_in_dim3A_23 = vector.shape_cast %reduce_max3A_22 : vector<2048xf32> to vector<1x2048xf32>
    %eq3A_24 = vector.broadcast %broadcast_in_dim3A_23 : vector<1x2048xf32> to vector<8x2048xf32>
    %eq3A_25 = arith.cmpf oeq, %select_n3A_20, %eq3A_24 : vector<8x2048xf32>
    %jit3A_26 = arith.constant 8 : i32
    %broadcast_in_dim3A_27 = vector.broadcast %jit3A_26 : i32 to vector<8x2048xi32>
    %select_n3A_28 = arith.select %eq3A_25, %iota3A, %broadcast_in_dim3A_27 : vector<8x2048xi1>, vector<8x2048xi32>
    %reduce_min3A_29 = arith.constant dense<2147483647> : vector<2048xi32>
    %reduce_min3A_30 = vector.multi_reduction <minsi>, %select_n3A_28, %reduce_min3A_29 [0] : vector<8x2048xi32> to vector<2048xi32>
    %broadcast_in_dim3A_31 = vector.shape_cast %reduce_min3A_30 : vector<2048xi32> to vector<1x2048xi32>
    %add3A = arith.addf %broadcast_in_dim3A_11, %broadcast_in_dim3A_23 : vector<1x2048xf32>
    %div3A_32 = arith.divf %broadcast_in_dim3A_11, %add3A : vector<1x2048xf32>
    %reshape3A = vector.shape_cast %div3A_32 : vector<1x2048xf32> to vector<2048xf32>
    %swap3A = arith.constant 0 : index
    %swap3A_33 = vector.load %arg3[%swap3A] : memref<2048xf32, #tpu.memory_space<vmem>>, vector<2048xf32>
    tpu.vector_store %arg3[%swap3A], %reshape3A {strides = array<i32>} : memref<2048xf32, #tpu.memory_space<vmem>>, vector<2048xf32>,
    %div3A_34 = arith.divf %broadcast_in_dim3A_23, %add3A : vector<1x2048xf32>
    %reshape3A_35 = vector.shape_cast %div3A_34 : vector<1x2048xf32> to vector<2048xf32>
    %swap3A_36 = arith.constant 0 : index
    %swap3A_37 = vector.load %arg4[%swap3A_36] : memref<2048xf32, #tpu.memory_space<vmem>>, vector<2048xf32>
    tpu.vector_store %arg4[%swap3A_36], %reshape3A_35 {strides = array<i32>} : memref<2048xf32, #tpu.memory_space<vmem>>, vector<2048xf32>,
    %eq3A_38 = vector.broadcast %broadcast_in_dim3A_15 : vector<1x2048xi32> to vector<8x2048xi32>
    %eq3A_39 = arith.cmpi eq, %iota3A, %eq3A_38 : vector<8x2048xi32>
    %eq3A_40 = vector.broadcast %broadcast_in_dim3A_31 : vector<1x2048xi32> to vector<8x2048xi32>
    %eq3A_41 = arith.cmpi eq, %iota3A, %eq3A_40 : vector<8x2048xi32>
    %or3A = arith.ori %eq3A_39, %eq3A_41 : vector<8x2048xi1>
    %convert_element_type3A = arith.extui %or3A : vector<8x2048xi1> to vector<8x2048xi32>
    %reduce_sum3A_42 = arith.constant dense<0> : vector<8xi32>
    %reduce_sum3A_43 = vector.multi_reduction <add>, %convert_element_type3A, %reduce_sum3A_42 [1] : vector<8x2048xi32> to vector<8xi32>
    %broadcast_in_dim3A_44 = vector.shape_cast %reduce_sum3A_43 : vector<8xi32> to vector<8x1xi32>
    %add3A_45 = arith.constant 255 : i32
    %add3A_46 = vector.broadcast %add3A_45 : i32 to vector<8x1xi32>
    %add3A_47 = arith.addi %broadcast_in_dim3A_44, %add3A_46 : vector<8x1xi32>
    %shift_right_arithmetic3A = arith.constant 8 : i32
    %shift_right_arithmetic3A_48 = vector.broadcast %shift_right_arithmetic3A : i32 to vector<8x1xi32>
    %shift_right_arithmetic3A_49 = arith.shrsi %add3A_47, %shift_right_arithmetic3A_48 : vector<8x1xi32>
    %broadcast_in_dim3A_50 = arith.constant 0 : i32
    %broadcast_in_dim3A_51 = vector.broadcast %broadcast_in_dim3A_50 : i32 to vector<1x1xi32>
    %slice3A = vector.extract_strided_slice %shift_right_arithmetic3A_49 {offsets = [0, 0], sizes = [7, 1], strides = [1, 1]} : vector<8x1xi32> to vector<7x1xi32>
    %concatenate3A = tpu.concatenate %broadcast_in_dim3A_51, %slice3A in 0 : vector<1x1xi32>, vector<7x1xi32> -> vector<8x1xi32>
    %add3A_52 = arith.addi %shift_right_arithmetic3A_49, %concatenate3A : vector<8x1xi32>
    %broadcast_in_dim3A_53 = arith.constant 0 : i32
    %broadcast_in_dim3A_54 = vector.broadcast %broadcast_in_dim3A_53 : i32 to vector<2x1xi32>
    %slice3A_55 = vector.extract_strided_slice %add3A_52 {offsets = [0, 0], sizes = [6, 1], strides = [1, 1]} : vector<8x1xi32> to vector<6x1xi32>
    %concatenate3A_56 = tpu.concatenate %broadcast_in_dim3A_54, %slice3A_55 in 0 : vector<2x1xi32>, vector<6x1xi32> -> vector<8x1xi32>
    %add3A_57 = arith.addi %add3A_52, %concatenate3A_56 : vector<8x1xi32>
    %broadcast_in_dim3A_58 = arith.constant 0 : i32
    %broadcast_in_dim3A_59 = vector.broadcast %broadcast_in_dim3A_58 : i32 to vector<4x1xi32>
    %slice3A_60 = vector.extract_strided_slice %add3A_57 {offsets = [0, 0], sizes = [4, 1], strides = [1, 1]} : vector<8x1xi32> to vector<4x1xi32>
    %concatenate3A_61 = tpu.concatenate %broadcast_in_dim3A_59, %slice3A_60 in 0 : vector<4x1xi32>, vector<4x1xi32> -> vector<8x1xi32>
    %add3A_62 = arith.addi %add3A_57, %concatenate3A_61 : vector<8x1xi32>
    %sub3A_63 = arith.subi %add3A_62, %shift_right_arithmetic3A_49 : vector<8x1xi32>
    %mul3A = arith.constant 256 : i32
    %mul3A_64 = vector.broadcast %mul3A : i32 to vector<8x1xi32>
    %mul3A_65 = arith.muli %sub3A_63, %mul3A_64 : vector<8x1xi32>
    %broadcast_in_dim3A_66 = arith.constant 0 : i32
    %broadcast_in_dim3A_67 = vector.broadcast %broadcast_in_dim3A_66 : i32 to vector<8x1xi32>
    %slice3A_68 = vector.extract_strided_slice %convert_element_type3A {offsets = [0, 0], sizes = [8, 2047], strides = [1, 1]} : vector<8x2048xi32> to vector<8x2047xi32>
    %concatenate3A_69 = tpu.concatenate %broadcast_in_dim3A_67, %slice3A_68 in 1 : vector<8x1xi32>, vector<8x2047xi32> -> vector<8x2048xi32>
    %add3A_70 = arith.addi %convert_element_type3A, %concatenate3A_69 : vector<8x2048xi32>
    %broadcast_in_dim3A_71 = arith.constant 0 : i32
    %broadcast_in_dim3A_72 = vector.broadcast %broadcast_in_dim3A_71 : i32 to vector<8x2xi32>
    %slice3A_73 = vector.extract_strided_slice %add3A_70 {offsets = [0, 0], sizes = [8, 2046], strides = [1, 1]} : vector<8x2048xi32> to vector<8x2046xi32>
    %concatenate3A_74 = tpu.concatenate %broadcast_in_dim3A_72, %slice3A_73 in 1 : vector<8x2xi32>, vector<8x2046xi32> -> vector<8x2048xi32>
    %add3A_75 = arith.addi %add3A_70, %concatenate3A_74 : vector<8x2048xi32>
    %broadcast_in_dim3A_76 = arith.constant 0 : i32
    %broadcast_in_dim3A_77 = vector.broadcast %broadcast_in_dim3A_76 : i32 to vector<8x4xi32>
    %slice3A_78 = vector.extract_strided_slice %add3A_75 {offsets = [0, 0], sizes = [8, 2044], strides = [1, 1]} : vector<8x2048xi32> to vector<8x2044xi32>
    %concatenate3A_79 = tpu.concatenate %broadcast_in_dim3A_77, %slice3A_78 in 1 : vector<8x4xi32>, vector<8x2044xi32> -> vector<8x2048xi32>
    %add3A_80 = arith.addi %add3A_75, %concatenate3A_79 : vector<8x2048xi32>
    %broadcast_in_dim3A_81 = arith.constant 0 : i32
    %broadcast_in_dim3A_82 = vector.broadcast %broadcast_in_dim3A_81 : i32 to vector<8x8xi32>
    %slice3A_83 = vector.extract_strided_slice %add3A_80 {offsets = [0, 0], sizes = [8, 2040], strides = [1, 1]} : vector<8x2048xi32> to vector<8x2040xi32>
    %concatenate3A_84 = tpu.concatenate %broadcast_in_dim3A_82, %slice3A_83 in 1 : vector<8x8xi32>, vector<8x2040xi32> -> vector<8x2048xi32>
    %add3A_85 = arith.addi %add3A_80, %concatenate3A_84 : vector<8x2048xi32>
    %broadcast_in_dim3A_86 = arith.constant 0 : i32
    %broadcast_in_dim3A_87 = vector.broadcast %broadcast_in_dim3A_86 : i32 to vector<8x16xi32>
    %slice3A_88 = vector.extract_strided_slice %add3A_85 {offsets = [0, 0], sizes = [8, 2032], strides = [1, 1]} : vector<8x2048xi32> to vector<8x2032xi32>
    %concatenate3A_89 = tpu.concatenate %broadcast_in_dim3A_87, %slice3A_88 in 1 : vector<8x16xi32>, vector<8x2032xi32> -> vector<8x2048xi32>
    %add3A_90 = arith.addi %add3A_85, %concatenate3A_89 : vector<8x2048xi32>
    %broadcast_in_dim3A_91 = arith.constant 0 : i32
    %broadcast_in_dim3A_92 = vector.broadcast %broadcast_in_dim3A_91 : i32 to vector<8x32xi32>
    %slice3A_93 = vector.extract_strided_slice %add3A_90 {offsets = [0, 0], sizes = [8, 2016], strides = [1, 1]} : vector<8x2048xi32> to vector<8x2016xi32>
    %concatenate3A_94 = tpu.concatenate %broadcast_in_dim3A_92, %slice3A_93 in 1 : vector<8x32xi32>, vector<8x2016xi32> -> vector<8x2048xi32>
    %add3A_95 = arith.addi %add3A_90, %concatenate3A_94 : vector<8x2048xi32>
    %broadcast_in_dim3A_96 = arith.constant 0 : i32
    %broadcast_in_dim3A_97 = vector.broadcast %broadcast_in_dim3A_96 : i32 to vector<8x64xi32>
    %slice3A_98 = vector.extract_strided_slice %add3A_95 {offsets = [0, 0], sizes = [8, 1984], strides = [1, 1]} : vector<8x2048xi32> to vector<8x1984xi32>
    %concatenate3A_99 = tpu.concatenate %broadcast_in_dim3A_97, %slice3A_98 in 1 : vector<8x64xi32>, vector<8x1984xi32> -> vector<8x2048xi32>
    %add3A_100 = arith.addi %add3A_95, %concatenate3A_99 : vector<8x2048xi32>
    %broadcast_in_dim3A_101 = arith.constant 0 : i32
    %broadcast_in_dim3A_102 = vector.broadcast %broadcast_in_dim3A_101 : i32 to vector<8x128xi32>
    %slice3A_103 = vector.extract_strided_slice %add3A_100 {offsets = [0, 0], sizes = [8, 1920], strides = [1, 1]} : vector<8x2048xi32> to vector<8x1920xi32>
    %concatenate3A_104 = tpu.concatenate %broadcast_in_dim3A_102, %slice3A_103 in 1 : vector<8x128xi32>, vector<8x1920xi32> -> vector<8x2048xi32>
    %add3A_105 = arith.addi %add3A_100, %concatenate3A_104 : vector<8x2048xi32>
    %broadcast_in_dim3A_106 = arith.constant 0 : i32
    %broadcast_in_dim3A_107 = vector.broadcast %broadcast_in_dim3A_106 : i32 to vector<8x256xi32>
    %slice3A_108 = vector.extract_strided_slice %add3A_105 {offsets = [0, 0], sizes = [8, 1792], strides = [1, 1]} : vector<8x2048xi32> to vector<8x1792xi32>
    %concatenate3A_109 = tpu.concatenate %broadcast_in_dim3A_107, %slice3A_108 in 1 : vector<8x256xi32>, vector<8x1792xi32> -> vector<8x2048xi32>
    %add3A_110 = arith.addi %add3A_105, %concatenate3A_109 : vector<8x2048xi32>
    %broadcast_in_dim3A_111 = arith.constant 0 : i32
    %broadcast_in_dim3A_112 = vector.broadcast %broadcast_in_dim3A_111 : i32 to vector<8x512xi32>
    %slice3A_113 = vector.extract_strided_slice %add3A_110 {offsets = [0, 0], sizes = [8, 1536], strides = [1, 1]} : vector<8x2048xi32> to vector<8x1536xi32>
    %concatenate3A_114 = tpu.concatenate %broadcast_in_dim3A_112, %slice3A_113 in 1 : vector<8x512xi32>, vector<8x1536xi32> -> vector<8x2048xi32>
    %add3A_115 = arith.addi %add3A_110, %concatenate3A_114 : vector<8x2048xi32>
    %broadcast_in_dim3A_116 = arith.constant 0 : i32
    %broadcast_in_dim3A_117 = vector.broadcast %broadcast_in_dim3A_116 : i32 to vector<8x1024xi32>
    %slice3A_118 = vector.extract_strided_slice %add3A_115 {offsets = [0, 0], sizes = [8, 1024], strides = [1, 1]} : vector<8x2048xi32> to vector<8x1024xi32>
    %concatenate3A_119 = tpu.concatenate %broadcast_in_dim3A_117, %slice3A_118 in 1 : vector<8x1024xi32>, vector<8x1024xi32> -> vector<8x2048xi32>
    %add3A_120 = arith.addi %add3A_115, %concatenate3A_119 : vector<8x2048xi32>
    %sub3A_121 = arith.subi %add3A_120, %convert_element_type3A : vector<8x2048xi32>
    %add3A_122 = vector.broadcast %mul3A_65 : vector<8x1xi32> to vector<8x2048xi32>
    %add3A_123 = arith.addi %sub3A_121, %add3A_122 : vector<8x2048xi32>
    %eq3A_124 = vector.broadcast %broadcast_in_dim3A_15 : vector<1x2048xi32> to vector<8x2048xi32>
    %eq3A_125 = arith.cmpi eq, %iota3A, %eq3A_124 : vector<8x2048xi32>
    %jit3A_126 = arith.constant 0 : i32
    %broadcast_in_dim3A_127 = vector.broadcast %jit3A_126 : i32 to vector<8x2048xi32>
    %select_n3A_128 = arith.select %eq3A_125, %add3A_123, %broadcast_in_dim3A_127 : vector<8x2048xi1>, vector<8x2048xi32>
    %reduce_sum3A_129 = arith.constant dense<0> : vector<2048xi32>
    %reduce_sum3A_130 = vector.multi_reduction <add>, %select_n3A_128, %reduce_sum3A_129 [0] : vector<8x2048xi32> to vector<2048xi32>
    %swap3A_131 = arith.constant 0 : index
    %swap3A_132 = vector.load %arg1[%swap3A_131] : memref<2048xi32, #tpu.memory_space<vmem>>, vector<2048xi32>
    tpu.vector_store %arg1[%swap3A_131], %reduce_sum3A_130 {strides = array<i32>} : memref<2048xi32, #tpu.memory_space<vmem>>, vector<2048xi32>,
    %eq3A_133 = vector.broadcast %broadcast_in_dim3A_31 : vector<1x2048xi32> to vector<8x2048xi32>
    %eq3A_134 = arith.cmpi eq, %iota3A, %eq3A_133 : vector<8x2048xi32>
    %jit3A_135 = arith.constant 0 : i32
    %broadcast_in_dim3A_136 = vector.broadcast %jit3A_135 : i32 to vector<8x2048xi32>
    %select_n3A_137 = arith.select %eq3A_134, %add3A_123, %broadcast_in_dim3A_136 : vector<8x2048xi1>, vector<8x2048xi32>
    %reduce_sum3A_138 = arith.constant dense<0> : vector<2048xi32>
    %reduce_sum3A_139 = vector.multi_reduction <add>, %select_n3A_137, %reduce_sum3A_138 [0] : vector<8x2048xi32> to vector<2048xi32>
    %swap3A_140 = arith.constant 0 : index
    %swap3A_141 = vector.load %arg2[%swap3A_140] : memref<2048xi32, #tpu.memory_space<vmem>>, vector<2048xi32>
    tpu.vector_store %arg2[%swap3A_140], %reduce_sum3A_139 {strides = array<i32>} : memref<2048xi32, #tpu.memory_space<vmem>>, vector<2048xi32>,
    %iota3A_142 = tpu.iota {dimensions = array<i32: 0>} : vector<8x1xi32>
    %iota3A_143 = tpu.iota {dimensions = array<i32: 1>} : vector<1x48xi32>
    %broadcast_in_dim3A_144 = arith.constant 0 : i32
    %broadcast_in_dim3A_145 = vector.broadcast %broadcast_in_dim3A_144 : i32 to vector<1x48xi32>
    %eq3A_146 = arith.constant 0 : i32
    %eq3A_147 = vector.broadcast %eq3A_146 : i32 to vector<8x1xi32>
    %eq3A_148 = arith.cmpi eq, %iota3A_142, %eq3A_147 : vector<8x1xi32>
    %jit3A_149 = arith.constant 0 : i32
    %broadcast_in_dim3A_150 = vector.broadcast %jit3A_149 : i32 to vector<8x1xi32>
    %select_n3A_151 = arith.select %eq3A_148, %sub3A_63, %broadcast_in_dim3A_150 : vector<8x1xi1>, vector<8x1xi32>
    %reduce_sum3A_152 = vector.shape_cast %select_n3A_151 : vector<8x1xi32> to vector<1x8x1xi32>
    %reduce_sum3A_153 = arith.constant dense<0> : vector<1xi32>
    %reduce_sum3A_154 = vector.multi_reduction <add>, %reduce_sum3A_152, %reduce_sum3A_153 [1, 2] : vector<1x8x1xi32> to vector<1xi32>
    %reduce_sum3A_155 = vector.shape_cast %reduce_sum3A_154 : vector<1xi32> to vector<1x1x1xi32>
    %reduce_sum3A_156 = vector.extract %reduce_sum3A_155[0, 0, 0] : i32 from vector<1x1x1xi32>
    %le3A = vector.broadcast %reduce_sum3A_156 : i32 to vector<1x48xi32>
    %le3A_157 = arith.cmpi sle, %le3A, %iota3A_143 : vector<1x48xi32>
    %convert_element_type3A_158 = arith.extui %le3A_157 : vector<1x48xi1> to vector<1x48xi32>
    %add3A_159 = arith.addi %broadcast_in_dim3A_145, %convert_element_type3A_158 : vector<1x48xi32>
    %eq3A_160 = arith.constant 1 : i32
    %eq3A_161 = vector.broadcast %eq3A_160 : i32 to vector<8x1xi32>
    %eq3A_162 = arith.cmpi eq, %iota3A_142, %eq3A_161 : vector<8x1xi32>
    %jit3A_163 = arith.constant 0 : i32
    %broadcast_in_dim3A_164 = vector.broadcast %jit3A_163 : i32 to vector<8x1xi32>
    %select_n3A_165 = arith.select %eq3A_162, %sub3A_63, %broadcast_in_dim3A_164 : vector<8x1xi1>, vector<8x1xi32>
    %reduce_sum3A_166 = vector.shape_cast %select_n3A_165 : vector<8x1xi32> to vector<1x8x1xi32>
    %reduce_sum3A_167 = arith.constant dense<0> : vector<1xi32>
    %reduce_sum3A_168 = vector.multi_reduction <add>, %reduce_sum3A_166, %reduce_sum3A_167 [1, 2] : vector<1x8x1xi32> to vector<1xi32>
    %reduce_sum3A_169 = vector.shape_cast %reduce_sum3A_168 : vector<1xi32> to vector<1x1x1xi32>
    %reduce_sum3A_170 = vector.extract %reduce_sum3A_169[0, 0, 0] : i32 from vector<1x1x1xi32>
    %le3A_171 = vector.broadcast %reduce_sum3A_170 : i32 to vector<1x48xi32>
    %le3A_172 = arith.cmpi sle, %le3A_171, %iota3A_143 : vector<1x48xi32>
    %convert_element_type3A_173 = arith.extui %le3A_172 : vector<1x48xi1> to vector<1x48xi32>
    %add3A_174 = arith.addi %add3A_159, %convert_element_type3A_173 : vector<1x48xi32>
    %eq3A_175 = arith.constant 2 : i32
    %eq3A_176 = vector.broadcast %eq3A_175 : i32 to vector<8x1xi32>
    %eq3A_177 = arith.cmpi eq, %iota3A_142, %eq3A_176 : vector<8x1xi32>
    %jit3A_178 = arith.constant 0 : i32
    %broadcast_in_dim3A_179 = vector.broadcast %jit3A_178 : i32 to vector<8x1xi32>
    %select_n3A_180 = arith.select %eq3A_177, %sub3A_63, %broadcast_in_dim3A_179 : vector<8x1xi1>, vector<8x1xi32>
    %reduce_sum3A_181 = vector.shape_cast %select_n3A_180 : vector<8x1xi32> to vector<1x8x1xi32>
    %reduce_sum3A_182 = arith.constant dense<0> : vector<1xi32>
    %reduce_sum3A_183 = vector.multi_reduction <add>, %reduce_sum3A_181, %reduce_sum3A_182 [1, 2] : vector<1x8x1xi32> to vector<1xi32>
    %reduce_sum3A_184 = vector.shape_cast %reduce_sum3A_183 : vector<1xi32> to vector<1x1x1xi32>
    %reduce_sum3A_185 = vector.extract %reduce_sum3A_184[0, 0, 0] : i32 from vector<1x1x1xi32>
    %le3A_186 = vector.broadcast %reduce_sum3A_185 : i32 to vector<1x48xi32>
    %le3A_187 = arith.cmpi sle, %le3A_186, %iota3A_143 : vector<1x48xi32>
    %convert_element_type3A_188 = arith.extui %le3A_187 : vector<1x48xi1> to vector<1x48xi32>
    %add3A_189 = arith.addi %add3A_174, %convert_element_type3A_188 : vector<1x48xi32>
    %eq3A_190 = arith.constant 3 : i32
    %eq3A_191 = vector.broadcast %eq3A_190 : i32 to vector<8x1xi32>
    %eq3A_192 = arith.cmpi eq, %iota3A_142, %eq3A_191 : vector<8x1xi32>
    %jit3A_193 = arith.constant 0 : i32
    %broadcast_in_dim3A_194 = vector.broadcast %jit3A_193 : i32 to vector<8x1xi32>
    %select_n3A_195 = arith.select %eq3A_192, %sub3A_63, %broadcast_in_dim3A_194 : vector<8x1xi1>, vector<8x1xi32>
    %reduce_sum3A_196 = vector.shape_cast %select_n3A_195 : vector<8x1xi32> to vector<1x8x1xi32>
    %reduce_sum3A_197 = arith.constant dense<0> : vector<1xi32>
    %reduce_sum3A_198 = vector.multi_reduction <add>, %reduce_sum3A_196, %reduce_sum3A_197 [1, 2] : vector<1x8x1xi32> to vector<1xi32>
    %reduce_sum3A_199 = vector.shape_cast %reduce_sum3A_198 : vector<1xi32> to vector<1x1x1xi32>
    %reduce_sum3A_200 = vector.extract %reduce_sum3A_199[0, 0, 0] : i32 from vector<1x1x1xi32>
    %le3A_201 = vector.broadcast %reduce_sum3A_200 : i32 to vector<1x48xi32>
    %le3A_202 = arith.cmpi sle, %le3A_201, %iota3A_143 : vector<1x48xi32>
    %convert_element_type3A_203 = arith.extui %le3A_202 : vector<1x48xi1> to vector<1x48xi32>
    %add3A_204 = arith.addi %add3A_189, %convert_element_type3A_203 : vector<1x48xi32>
    %eq3A_205 = arith.constant 4 : i32
    %eq3A_206 = vector.broadcast %eq3A_205 : i32 to vector<8x1xi32>
    %eq3A_207 = arith.cmpi eq, %iota3A_142, %eq3A_206 : vector<8x1xi32>
    %jit3A_208 = arith.constant 0 : i32
    %broadcast_in_dim3A_209 = vector.broadcast %jit3A_208 : i32 to vector<8x1xi32>
    %select_n3A_210 = arith.select %eq3A_207, %sub3A_63, %broadcast_in_dim3A_209 : vector<8x1xi1>, vector<8x1xi32>
    %reduce_sum3A_211 = vector.shape_cast %select_n3A_210 : vector<8x1xi32> to vector<1x8x1xi32>
    %reduce_sum3A_212 = arith.constant dense<0> : vector<1xi32>
    %reduce_sum3A_213 = vector.multi_reduction <add>, %reduce_sum3A_211, %reduce_sum3A_212 [1, 2] : vector<1x8x1xi32> to vector<1xi32>
    %reduce_sum3A_214 = vector.shape_cast %reduce_sum3A_213 : vector<1xi32> to vector<1x1x1xi32>
    %reduce_sum3A_215 = vector.extract %reduce_sum3A_214[0, 0, 0] : i32 from vector<1x1x1xi32>
    %le3A_216 = vector.broadcast %reduce_sum3A_215 : i32 to vector<1x48xi32>
    %le3A_217 = arith.cmpi sle, %le3A_216, %iota3A_143 : vector<1x48xi32>
    %convert_element_type3A_218 = arith.extui %le3A_217 : vector<1x48xi1> to vector<1x48xi32>
    %add3A_219 = arith.addi %add3A_204, %convert_element_type3A_218 : vector<1x48xi32>
    %eq3A_220 = arith.constant 5 : i32
    %eq3A_221 = vector.broadcast %eq3A_220 : i32 to vector<8x1xi32>
    %eq3A_222 = arith.cmpi eq, %iota3A_142, %eq3A_221 : vector<8x1xi32>
    %jit3A_223 = arith.constant 0 : i32
    %broadcast_in_dim3A_224 = vector.broadcast %jit3A_223 : i32 to vector<8x1xi32>
    %select_n3A_225 = arith.select %eq3A_222, %sub3A_63, %broadcast_in_dim3A_224 : vector<8x1xi1>, vector<8x1xi32>
    %reduce_sum3A_226 = vector.shape_cast %select_n3A_225 : vector<8x1xi32> to vector<1x8x1xi32>
    %reduce_sum3A_227 = arith.constant dense<0> : vector<1xi32>
    %reduce_sum3A_228 = vector.multi_reduction <add>, %reduce_sum3A_226, %reduce_sum3A_227 [1, 2] : vector<1x8x1xi32> to vector<1xi32>
    %reduce_sum3A_229 = vector.shape_cast %reduce_sum3A_228 : vector<1xi32> to vector<1x1x1xi32>
    %reduce_sum3A_230 = vector.extract %reduce_sum3A_229[0, 0, 0] : i32 from vector<1x1x1xi32>
    %le3A_231 = vector.broadcast %reduce_sum3A_230 : i32 to vector<1x48xi32>
    %le3A_232 = arith.cmpi sle, %le3A_231, %iota3A_143 : vector<1x48xi32>
    %convert_element_type3A_233 = arith.extui %le3A_232 : vector<1x48xi1> to vector<1x48xi32>
    %add3A_234 = arith.addi %add3A_219, %convert_element_type3A_233 : vector<1x48xi32>
    %eq3A_235 = arith.constant 6 : i32
    %eq3A_236 = vector.broadcast %eq3A_235 : i32 to vector<8x1xi32>
    %eq3A_237 = arith.cmpi eq, %iota3A_142, %eq3A_236 : vector<8x1xi32>
    %jit3A_238 = arith.constant 0 : i32
    %broadcast_in_dim3A_239 = vector.broadcast %jit3A_238 : i32 to vector<8x1xi32>
    %select_n3A_240 = arith.select %eq3A_237, %sub3A_63, %broadcast_in_dim3A_239 : vector<8x1xi1>, vector<8x1xi32>
    %reduce_sum3A_241 = vector.shape_cast %select_n3A_240 : vector<8x1xi32> to vector<1x8x1xi32>
    %reduce_sum3A_242 = arith.constant dense<0> : vector<1xi32>
    %reduce_sum3A_243 = vector.multi_reduction <add>, %reduce_sum3A_241, %reduce_sum3A_242 [1, 2] : vector<1x8x1xi32> to vector<1xi32>
    %reduce_sum3A_244 = vector.shape_cast %reduce_sum3A_243 : vector<1xi32> to vector<1x1x1xi32>
    %reduce_sum3A_245 = vector.extract %reduce_sum3A_244[0, 0, 0] : i32 from vector<1x1x1xi32>
    %le3A_246 = vector.broadcast %reduce_sum3A_245 : i32 to vector<1x48xi32>
    %le3A_247 = arith.cmpi sle, %le3A_246, %iota3A_143 : vector<1x48xi32>
    %convert_element_type3A_248 = arith.extui %le3A_247 : vector<1x48xi1> to vector<1x48xi32>
    %add3A_249 = arith.addi %add3A_234, %convert_element_type3A_248 : vector<1x48xi32>
    %eq3A_250 = arith.constant 7 : i32
    %eq3A_251 = vector.broadcast %eq3A_250 : i32 to vector<8x1xi32>
    %eq3A_252 = arith.cmpi eq, %iota3A_142, %eq3A_251 : vector<8x1xi32>
    %jit3A_253 = arith.constant 0 : i32
    %broadcast_in_dim3A_254 = vector.broadcast %jit3A_253 : i32 to vector<8x1xi32>
    %select_n3A_255 = arith.select %eq3A_252, %sub3A_63, %broadcast_in_dim3A_254 : vector<8x1xi1>, vector<8x1xi32>
    %reduce_sum3A_256 = vector.shape_cast %select_n3A_255 : vector<8x1xi32> to vector<1x8x1xi32>
    %reduce_sum3A_257 = arith.constant dense<0> : vector<1xi32>
    %reduce_sum3A_258 = vector.multi_reduction <add>, %reduce_sum3A_256, %reduce_sum3A_257 [1, 2] : vector<1x8x1xi32> to vector<1xi32>
    %reduce_sum3A_259 = vector.shape_cast %reduce_sum3A_258 : vector<1xi32> to vector<1x1x1xi32>
    %reduce_sum3A_260 = vector.extract %reduce_sum3A_259[0, 0, 0] : i32 from vector<1x1x1xi32>
    %le3A_261 = vector.broadcast %reduce_sum3A_260 : i32 to vector<1x48xi32>
    %le3A_262 = arith.cmpi sle, %le3A_261, %iota3A_143 : vector<1x48xi32>
    %convert_element_type3A_263 = arith.extui %le3A_262 : vector<1x48xi1> to vector<1x48xi32>
    %add3A_264 = arith.addi %add3A_249, %convert_element_type3A_263 : vector<1x48xi32>
    %reduce_sum3A_265 = vector.shape_cast %shift_right_arithmetic3A_49 : vector<8x1xi32> to vector<1x8x1xi32>
    %reduce_sum3A_266 = arith.constant dense<0> : vector<1xi32>
    %reduce_sum3A_267 = vector.multi_reduction <add>, %reduce_sum3A_265, %reduce_sum3A_266 [1, 2] : vector<1x8x1xi32> to vector<1xi32>
    %reduce_sum3A_268 = vector.shape_cast %reduce_sum3A_267 : vector<1xi32> to vector<1x1x1xi32>
    %reduce_sum3A_269 = vector.extract %reduce_sum3A_268[0, 0, 0] : i32 from vector<1x1x1xi32>
    %eq3A_270 = arith.constant 47 : i32
    %eq3A_271 = vector.broadcast %eq3A_270 : i32 to vector<1x48xi32>
    %eq3A_272 = arith.cmpi eq, %iota3A_143, %eq3A_271 : vector<1x48xi32>
    %sub3A_273 = arith.constant 1 : i32
    %sub3A_274 = vector.broadcast %sub3A_273 : i32 to vector<1x48xi32>
    %sub3A_275 = arith.subi %add3A_264, %sub3A_274 : vector<1x48xi32>
    %broadcast_in_dim3A_276 = vector.broadcast %reduce_sum3A_269 : i32 to vector<1x48xi32>
    %select_n3A_277 = arith.select %eq3A_272, %broadcast_in_dim3A_276, %sub3A_275 : vector<1x48xi1>, vector<1x48xi32>
    %reshape3A_278 = vector.shape_cast %select_n3A_277 : vector<1x48xi32> to vector<48xi32>
    %swap3A_279 = arith.constant 0 : index
    %swap3A_280 = vector.load %arg5[%swap3A_279] : memref<48xi32, #tpu.memory_space<vmem>>, vector<48xi32>
    tpu.vector_store %arg5[%swap3A_279], %reshape3A_278 {strides = array<i32>} : memref<48xi32, #tpu.memory_space<vmem>>, vector<48xi32>,
    return
  }
}

</mosaic_0001>

<sc_bundles>
// kernel: kernel.6.cloned.1.call-start
scs
__scs_entry_jumppad:
0x0: {  	(pc) =	sbr.rel $0x88, $3  }
0x1: {  	(tag) =	ssettag $0x0;
	lr =	simm.s32 $0x1  }
0x2: {  	[smem:$0x3F9C] =	sst lr;
	_ =	strace $0xD0000000  }
0x3: {  	_ = 	snop  }
0x4: {  	_ = 	snop  }
0x5: {  	_ = 	snop  }
0x6: {  	_ = 	snop  }
0x7: {  	_ = 	snop  }
__scs_overlays_trampoline_lowered:
0x8: {  	[smem:$0x3FAB] =	sst s0  }
0x9: {  	[smem:$0x3FAC] =	sst s1  }
0xa: {  	[smem:$0x3FAD] =	sst s2  }
0xb: {  	[smem:$0x3FAE] =	sst s3  }
0xc: {  	[smem:$0x3FAF] =	sst s4  }
0xd: {  	[smem:$0x3FB0] =	sst s5  }
0xe: {  	[smem:$0x3FB1] =	sst s6  }
0xf: {  	[smem:$0x3FB2] =	sst s7  }
0x10: {  	[smem:$0x3FB3] =	sst s8  }
0x11: {  	[smem:$0x3FB4] =	sst s9;
	s0 =	simm.s32 @!p0 $0x0  }
0x12: {  	s1 =	sld [smem:$0x3F9A];
	s0 =	simm.s32 @p0 $0x1  }
0x13: {  	[smem:$0x3FB5] =	sst s0;
	s0 =	simm.s32 @!p1 $0x0  }
0x14: {  	s2 =	sld [smem:$0x3F99];
	s0 =	simm.s32 @p1 $0x1  }
0x15: {  	[smem:$0x3FB6] =	sst s0;
	s0 =	simm.s32 @!p2 $0x0  }
0x16: {  	s3 =	sld [smem:$0x3FDB];
	s0 =	simm.s32 @p2 $0x1  }
0x17: {  	s4 =	simm.s32 $0x1BF5;
	[smem:$0x3FB8] =	sst s0  }
0x18: {  	s0 =	sld [smem:$0x3F9B];
	_ =	swait.ge [sflag:s4], $0x0  }
0x19: {  	s7 =	sld [smem:$0x3F9C]  }
0x1a: {  	s8 =	sadd.s32 $0xFFFFE003, lr  }
0x1b: {  	s9 =	sadd.s32 $0xFFFFFEF7, lr;
	s5 =	simm.s32 $0xFFFFFFFF;
	p2 =	slt.u32 s8, $0xFFFFF086  }
0x1c: {  	p1 =	slt.u32 s9, $0xF7A;
	s5 =	simm.s32 @!p2 $0x0  }
0x1d: {  	s5 =	simm.s32 @p1 $0x1;
	p0 =	seq.s32 s7, s2  }
0x1e: {  	s7 =	smul.u32 @!p0 $0xF7A, s2;
	p2 =	seq.s32 @!p0 s5, $0x0  }
0x1f: {  	s9 =	smul.u32 $0xF7A, s1;
	s8 =	simm.s32 @!p0 $0x1BF5;
	p2 =	por !p2, p0  }
0x20: {  	[sflag:s8] =	ssyncset.s32 @!p0 $0xFFFFF086;
	s6 =	sadd.s32 @!p0 s3, s7;
	s7 =	simm.s32 @!p0 $0x108  }
0x21: {  	s3 =	sadd.s32 s3, s9;
	s6 =	sadd.s32 @!p0 $0x88, s6;
	s7 =	simm.s32 @p2 $0x1082  }
0x22: {  	[simem:s7], [sflag:s8] =	dma.local @!p0 [hbm:s6], $0xF7A  }
0x23: {  	s9 =	sor.u32 $0xD0000000, s2;
	s6 =	simm.s32 $0x108;
	_ =	swait.ge @!p0 [sflag:s8], $0x0  }
0x24: {  	s3 =	sadd.s32 $0x88, s3;
	s6 =	simm.s32 @!p1 $0x1082;
	[sflag:s4] =	ssyncset.s32 $0xFFFFF086  }
0x25: {  	[simem:s6], [sflag:s4] =	dma.local [hbm:s3], $0xF7A  }
0x26: {  	[smem:$0x3F9C] =	sst s1;
	(tag) =	ssettag s2;
	_ =	strace s9  }
0x27: {  	s1 =	sld [smem:$0x3FAC]  }
0x28: {  	s2 =	sld [smem:$0x3FAD]  }
0x29: {  	s4 =	sld [smem:$0x3FAF]  }
0x2a: {  	p0 =	seq.s32 s5, $0x0;
	s5 =	sld [smem:$0x3FB0]  }
0x2b: {  	s6 =	sld [smem:$0x3FB1]  }
0x2c: {  	s7 =	sld [smem:$0x3FB2]  }
0x2d: {  	s3 =	simm.s32 $0x108;
	s8 =	sld [smem:$0x3FB3]  }
0x2e: {  	s3 =	simm.s32 @!p0 $0x1082;
	s9 =	sld [smem:$0x3FB4]  }
0x2f: {  	lr =	sadd.s32 s0, s3;
	s0 =	sld [smem:$0x3FAB]  }
0x30: {  	s3 =	sld [smem:$0x3FAE]  }
0x31: {  	[smem:$0x3FB7] =	sst s10  }
0x32: {  	s10 =	sld [smem:$0x3FB5];
	_ =	sdelay $0x3  }
0x33: {  	p0 =	seq.s32 s10, $0x1;
	s10 =	sld [smem:$0x3FB7];
	_ =	sdelay $0x3  }
0x34: {  	[smem:$0x3FB7] =	sst s10  }
0x35: {  	s10 =	sld [smem:$0x3FB6];
	_ =	sdelay $0x3  }
0x36: {  	p1 =	seq.s32 s10, $0x1;
	s10 =	sld [smem:$0x3FB7];
	_ =	sdelay $0x3  }
0x37: {  	[smem:$0x3FB7] =	sst s10  }
0x38: {  	s10 =	sld [smem:$0x3FB8]  }
0x39: {  	_ = 	snop;
	(pc) =	sbr.ind lr, $3  }
0x3a: {  	_ = 	snop  }
0x3b: {  	_ = 	snop  }
0x3c: {  	p2 =	seq.s32 s10, $0x1;
	s10 =	sld [smem:$0x3FB7]  }
0x3d: {  	_ =	shalt  }
0x3e: {  	_ =	shalt  }
0x3f: {  	_ =	shalt  }
0x40: {  	_ =	shalt  }
0x41: {  	_ =	shalt  }
0x42: {  	_ =	shalt  }
0x43: {  	_ =	shalt  }
0x44: {  	_ =	shalt  }
0x45: {  	_ =	shalt  }
0x46: {  	_ =	shalt  }
0x47: {  	_ =	shalt  }
0x48: {  	_ =	shalt  }
0x49: {  	_ =	shalt  }
0x4a: {  	_ =	shalt  }
0x4b: {  	_ =	shalt  }
0x4c: {  	_ =	shalt  }
0x4d: {  	_ =	shalt  }
0x4e: {  	_ =	shalt  }
0x4f: {  	_ =	shalt  }
0x50: {  	_ =	shalt  }
0x51: {  	_ =	shalt  }
0x52: {  	_ =	shalt  }
0x53: {  	_ =	shalt  }
0x54: {  	_ =	shalt  }
0x55: {  	_ =	shalt  }
0x56: {  	_ =	shalt  }
0x57: {  	_ =	shalt  }
0x58: {  	_ =	shalt  }
0x59: {  	_ =	shalt  }
0x5a: {  	_ =	shalt  }
0x5b: {  	_ =	shalt  }
0x5c: {  	_ =	shalt  }
0x5d: {  	_ =	shalt  }
0x5e: {  	_ =	shalt  }
0x5f: {  	_ =	shalt  }
0x60: {  	_ =	shalt  }
0x61: {  	_ =	shalt  }
0x62: {  	_ =	shalt  }
0x63: {  	_ =	shalt  }
0x64: {  	_ =	shalt  }
0x65: {  	_ =	shalt  }
0x66: {  	_ =	shalt  }
0x67: {  	_ =	shalt  }
0x68: {  	_ =	shalt  }
0x69: {  	_ =	shalt  }
0x6a: {  	_ =	shalt  }
0x6b: {  	_ =	shalt  }
0x6c: {  	_ =	shalt  }
0x6d: {  	_ =	shalt  }
0x6e: {  	_ =	shalt  }
0x6f: {  	_ =	shalt  }
0x70: {  	_ =	shalt  }
0x71: {  	_ =	shalt  }
0x72: {  	_ =	shalt  }
0x73: {  	_ =	shalt  }
0x74: {  	_ =	shalt  }
0x75: {  	_ =	shalt  }
0x76: {  	_ =	shalt  }
0x77: {  	_ =	shalt  }
0x78: {  	_ =	shalt  }
0x79: {  	_ =	shalt  }
0x7a: {  	_ =	shalt  }
0x7b: {  	_ =	shalt  }
0x7c: {  	_ =	shalt  }
0x7d: {  	_ =	shalt  }
0x7e: {  	_ =	shalt  }
0x7f: {  	_ =	shalt  }
0x80: {  	_ =	shalt  }
0x81: {  	_ =	shalt  }
0x82: {  	_ =	shalt  }
0x83: {  	_ =	shalt  }
0x84: {  	_ =	shalt  }
0x85: {  	_ =	shalt  }
0x86: {  	_ =	shalt  }
0x87: {  	_ =	shalt  }
.Lfunc_end0:
.L_simem_size_0:
called_computation_lowered:
.L_overlay_start_0:
0x88: {  	s2 =	sld [smem:$0x3FD9]  }
0x89: {  	s3 =	sld [smem:$0x3FFE];
	_ =	sdelay $0x1  }
0x8a: {  	s1 =	srdreg.scid  }
0x8b: {  	s0 =	sand.u32 $0x1, s1  }
0x8c: {  	s17 =	sshll.u32 s0, $0xA;
	s2 =	sadd.s32 s3, s2  }
0x8d: {  	s2 =	sadd.s32 s2, s17  }
0x8e: {  	[smem:$0x3FC3] =	sst s2  }
0x8f: {  	_ = 	snop  }
0x90: {  	s2 =	sld [smem:$0x3FC9]  }
0x91: {  	s18 =	sld [smem:$0x3FD0];
	(tm) =	ssettm $0x1  }
0x92: {  	s4 =	sld [smem:$0x3FFB];
	_ =	sdelay $0x3  }
0x93: {  	_ =	strace s4  }
0x94: {  	s4 =	sld [smem:$0x3FFC];
	_ =	sdelay $0x3  }
0x95: {  	_ =	strace s4  }
0x96: {  	s4 =	sld [smem:$0x3FFD];
	_ =	sdelay $0x3  }
0x97: {  	_ =	strace s4  }
0x98: {  	_ =	strace $0x8FFFFFFF  }
0x99: {  	s19 =	sld [smem:$0x3FDB];
	_ =	sdelay $0x1  }
0x9a: {  	s5 =	simm.s32 $_scs_section_size  }
0x9b: {  	s6 =	simm.s32 $_size__tile_overlayer_lowered;
	s7 =	simm.s32 $_tile_overlayer_lowered  }
0x9c: {  	s22 =	simm.s32 $0x1BFF;
	s21 =	sshll.u32 s7, $0x1;
	s4 =	sadd.s32 s5, s19  }
0x9d: {  	s8 =	simm.s32 $0x0;
	s20 =	sshll.u32 s6, $0x1;
	s6 =	sadd.s32 s21, s4  }
0x9e: {  	[timem:s8], [sflag:s22] =	dma.local [hbm:s6], s20  }
0x9f: {  	_ =	swait.ge [sflag:s22], s20  }
0xa0: {  	s5 =	ssub.s32 $0x0, s20;
	[sflag:s22] =	ssyncset.done $0x0  }
0xa1: {  	[sflag:s22] =	ssyncadd.s32 s5;
	_ =	sdelay $0x1  }
0xa2: {  	s23 =	simm.s32 $0x1B8B  }
0xa3: {  	_ =	swait.ge [sflag:s23], $0x1  }
0xa4: {  	[sflag:s23] =	ssyncset.done $0x0  }
0xa5: {  	s25 =	simm.s32 $0x1B8E;
	s24 =	sld [smem:$0x3FFE];
	[sflag:s23] =	ssyncadd.s32 $0xFFFFFFFF  }
0xa6: {  	s26 =	simm.s32 $execute0_lowered;
	[smem:$0x3FD2] =	sst s25  }
0xa7: {  	s6 =	sshll.u32 s26, $0x1;
	_ =	strace $0x80000046;
	[dreg:$0x1] =	wrdreg $0xFFFFFFFF  }
0xa8: {  	s28 =	simm.s32 $_size_execute0_lowered;
	s4 =	sadd.s32 s4, s6;
	[dreg:$0x0] =	wrdreg $0x0  }
0xa9: {  	s6 =	sshll.u32 s28, $0x1;
	[dreg:$0x2] =	wrdreg s4  }
0xaa: {  	[dreg:$0x3] =	wrdreg s6  }
0xab: {  	[dreg:$0x4] =	wrdreg $0xC0  }
0xac: {  	_ =	task [dreg:s8], $0x5FFFF  }
0xad: {  	[dreg:$0x1] =	wrdreg $0xFFFFFFFF  }
0xae: {  	[dreg:$0x0] =	wrdreg $0x60  }
0xaf: {  	[dreg:$0x2] =	wrdreg s2  }
0xb0: {  	[dreg:$0x3] =	wrdreg s24  }
0xb1: {  	[dreg:$0x4] =	wrdreg s18  }
0xb2: {  	[dreg:$0x5] =	wrdreg $0x9  }
0xb3: {  	_ =	task.clear_ibuf [dreg:s8], $0x6FFFF;
	_ =	strace $0x90000046  }
0xb4: {  	s29 =	simm.s32 $0x9;
	_ =	strace $0x80000048  }
0xb5: {  	_ =	swait.ge [sflag:s29], $0x1  }
0xb6: {  	[sflag:s29] =	ssyncadd.s32 $0xFFFFFFFF  }
0xb7: {  	_ =	strace $0x90000048  }
0xb8: {  	_ =	sfence  }
0xb9: {  	s30 =	sld [smem:$0x0];
	_ =	sdelay $0x2  }
0xba: {  	s31 =	sshll.u32 s1, $0xD;
	s1 =	sshrl.u32 s1, $0x2  }
0xbb: {  	s3 =	sand.u32 $0x4000, s31;
	s1 =	sadd.s32 s1, s30  }
0xbc: {  	s0 =	sor.u32 s3, s0;
	s1 =	sshll.u32 s1, $0x11  }
0xbd: {  	s0 =	sor.u32 s1, s0  }
0xbe: {  	s0 =	sadd.s32 $0x8F2B, s0  }
0xbf: {  	[sflag:s0] =	ssyncadd.remote.s32 $0x1  }
0xc0: {  	_ =	sfence.sel $0xFFFF  }
0xc1: {  	[dreg:$0x0] =	wrdreg $0xFFFFFFFF;
	(pc) =	sbr.abs _section_cstart, $3  }
0xc2: {  	[dreg:$0x1] =	wrdreg $0xFFFFFFFF  }
0xc3: {  	_ =	task.clear_ibuf [dreg:s8], $0x2FFFF;
	_ =	strace $0x9FFFFFFF  }
0xc4: {  	(tm) =	ssettm $0x7FFFFFFF  }
0xc5: {  	_ =	shalt  }
tec
execute0_lowered:
.L_overlay_start_1:
0x0: {  	(tag) =	ssettag $0x1  }
0x1: {  	s0 =	rddreg [dreg:$0x0]  }
0x2: {  	s1 =	rddreg [dreg:$0x1]  }
0x3: {  	s2 =	rddreg [dreg:$0x2]  }
0x4: {  	s3 =	srdreg.scid;
	s6 =	stileid.u32;
	s28 =	simm.s32 $0xE000  }
0x5: {  	s29 =	simm.s32 $0xE800;
	s30 =	simm.s32 $0xF000;
	s31 =	simm.s32 $0xF800  }
0x6: {  	s5 =	sand.u32 $0x1, s3;
	s3 =	simm.s32 $0x0;
	s6 =	sshll.u32 s6, $0x6  }
0x7: {  	s8 =	sadd.s32 $0x1A00, s1;
	s15 =	sadd.s32 $0x1C00, s1;
	s18 =	sadd.s32 $0x1E00, s1  }
0x8: {  	s20 =	sadd.s32 $0x2000, s1;
	s4 =	sshll.u32 s5, $0xA;
	[smem:$0x7FF] =	sst s3  }
0x9: {  	s5 =	ssub.s32 $0x2, s5;
	s4 =	sor.u32 s6, s4;
	_ =	strace $0x80000047  }
0xa: {  	s24 =	sshrl.u32 s5, $0x1;
	s6 =	sshll.u32 s4, $0x7;
	s7 =	sor.u32 $0x20, s4  }
0xb: {  	s13 =	sshrl.u32 s4, $0x3;
	s4 =	sadd.s32 $0x2200, s1;
	s26 =	ssub.s32 s5, s24  }
0xc: {  	s5 =	sadd.s32 $0x2300, s1;
	s24 =	simm.s32 $0x7000;
	s6 =	sadd.s32 s0, s6  }
0xd: {  	s9 =	sshll.u32 s7, $0x7;
	s14 =	sadd.s32 s8, s13;
	[dreg:$0x4] =	wrdreg s6  }
0xe: {  	s7 =	sshrl.u32 s7, $0x3;
	s17 =	sadd.s32 s15, s13;
	[dreg:$0x6] =	wrdreg s14  }
0xf: {  	s21 =	sadd.s32 s18, s13;
	s23 =	sadd.s32 s20, s13;
	[dreg:$0x8] =	wrdreg s17  }
0x10: {  	s0 =	sadd.s32 s0, s9;
	s16 =	sadd.s32 s8, s7;
	[dreg:$0xa] =	wrdreg s21  }
0x11: {  	s19 =	sadd.s32 s15, s7;
	s22 =	sadd.s32 s18, s7;
	[dreg:$0xc] =	wrdreg s23  }
0x12: {  	s25 =	sadd.s32 s20, s7;
	s6 =	sadd.s32 $0x2400, s1;
	[dreg:$0x5] =	wrdreg s0  }
0x13: {  	s7 =	sadd.s32 $0x2500, s1;
	s8 =	smax.u32 s26, $0x1;
	[dreg:$0x7] =	wrdreg s16  }
0x14: {  	s9 =	simm.s32 $0x8000;
	s18 =	simm.s32 $0x2;
	[dreg:$0x9] =	wrdreg s19  }
0x15: {  	v2 =	vlaneseq.u32;
	s20 =	simm.s32 $0x1;
	s26 =	simm.s32 $0xD800;
	[dreg:$0xb] =	wrdreg s22  }
0x16: {  	vm0 =	vmmov $0xffff;
	v1 =	vshrl.u32 v2, $0x3;
	s21 =	simm.s32 $0x5800;
	s23 =	simm.s32 $0x6800;
	[dreg:$0xd] =	wrdreg s25  }
0x17: {  	v0 =	vand.u32 $0x7, v2;
	v2 =	vor.u32 $0x8, v2;
	v1 =	vmul.u32 $0x8, v1;
	s19 =	simm.s32 $0x20;
	s22 =	simm.s32 $0x6000;
	s25 =	simm.s32 $0x7800  }
.LBB2_1:
0x18: {  	s0 =	rddreg [dreg:$0x4]  }
0x19: {  	[tilespmem:s3], [sflag:$0x1] =	stream.linear.gather [hbm4b:s0+s3], $0x8000, $0x38;
	[tilespmem:$0x10400] =	vst v63  }
0x1a: {  	s1 =	rddreg [dreg:$0x5]  }
0x1b: {  	[tilespmem:s9], [sflag:$0x1] =	stream.linear.gather [hbm4b:s1+s3], $0x8000, $0x38;
	[tilespmem:$0x10400] =	vst v63  }
0x1c: {  	s11 =	rddreg [dreg:$0x6];
	s10 =	simm.s32 $0x10000  }
0x1d: {  	[tilespmem:s10], [sflag:$0x2] =	stream.linear.gather [hbm4b:s11+s3], $0x20, $0x38;
	[tilespmem:$0x10400] =	vst v63  }
0x1e: {  	s12 =	rddreg [dreg:$0x7];
	s11 =	simm.s32 $0x10080  }
0x1f: {  	[tilespmem:s11], [sflag:$0x2] =	stream.linear.gather [hbm4b:s12+s3], $0x20, $0x38;
	[tilespmem:$0x10400] =	vst v63  }
0x20: {  	s13 =	rddreg [dreg:$0x8];
	s12 =	simm.s32 $0x10100  }
0x21: {  	[tilespmem:s12], [sflag:$0x2] =	stream.linear.gather [hbm4b:s13+s3], $0x20, $0x38;
	[tilespmem:$0x10400] =	vst v63  }
0x22: {  	s14 =	rddreg [dreg:$0x9];
	s13 =	simm.s32 $0x10180  }
0x23: {  	[tilespmem:s13], [sflag:$0x2] =	stream.linear.gather [hbm4b:s14+s3], $0x20, $0x38;
	[tilespmem:$0x10400] =	vst v63  }
0x24: {  	s15 =	rddreg [dreg:$0xa];
	s14 =	simm.s32 $0x10200  }
0x25: {  	[tilespmem:s14], [sflag:$0x2] =	stream.linear.gather [hbm4b:s15+s3], $0x20, $0x38;
	[tilespmem:$0x10400] =	vst v63  }
0x26: {  	s16 =	rddreg [dreg:$0xb];
	s15 =	simm.s32 $0x10280  }
0x27: {  	[tilespmem:s15], [sflag:$0x2] =	stream.linear.gather [hbm4b:s16+s3], $0x20, $0x38;
	[tilespmem:$0x10400] =	vst v63  }
0x28: {  	s17 =	rddreg [dreg:$0xc];
	s16 =	simm.s32 $0x10300  }
0x29: {  	[tilespmem:s16], [sflag:$0x2] =	stream.linear.gather [hbm4b:s17+s3], $0x20, $0x38;
	[tilespmem:$0x10400] =	vst v63  }
0x2a: {  	s1 =	rddreg [dreg:$0xd];
	s17 =	simm.s32 $0x10380  }
0x2b: {  	[tilespmem:s17], [sflag:$0x2] =	stream.linear.gather [hbm4b:s1+s3], $0x20, $0x38;
	[tilespmem:$0x10400] =	vst v63  }
0x2c: {  	_ =	swait.ge [sflag:s18], $0x20  }
0x2d: {  	[sflag:s18] =	ssyncset.done $0x0  }
0x2e: {  	[sflag:s18] =	ssyncadd.s32 $0xFFFFFFE0  }
0x2f: {  	_ =	swait.ge [sflag:s18], $0x20  }
0x30: {  	[sflag:s18] =	ssyncset.done $0x0  }
0x31: {  	[sflag:s18] =	ssyncadd.s32 $0xFFFFFFE0  }
0x32: {  	_ =	swait.ge [sflag:s18], $0x20  }
0x33: {  	[sflag:s18] =	ssyncset.done $0x0  }
0x34: {  	[sflag:s18] =	ssyncadd.s32 $0xFFFFFFE0  }
0x35: {  	_ =	swait.ge [sflag:s18], $0x20  }
0x36: {  	[sflag:s18] =	ssyncset.done $0x0  }
0x37: {  	[sflag:s18] =	ssyncadd.s32 $0xFFFFFFE0  }
0x38: {  	_ =	swait.ge [sflag:s18], $0x20  }
0x39: {  	[sflag:s18] =	ssyncset.done $0x0  }
0x3a: {  	[sflag:s18] =	ssyncadd.s32 $0xFFFFFFE0  }
0x3b: {  	_ =	swait.ge [sflag:s18], $0x20  }
0x3c: {  	[sflag:s18] =	ssyncset.done $0x0  }
0x3d: {  	[sflag:s18] =	ssyncadd.s32 $0xFFFFFFE0  }
0x3e: {  	_ =	swait.ge [sflag:s18], $0x20  }
0x3f: {  	[sflag:s18] =	ssyncset.done $0x0  }
0x40: {  	[sflag:s18] =	ssyncadd.s32 $0xFFFFFFE0  }
0x41: {  	_ =	swait.ge [sflag:s18], $0x20  }
0x42: {  	[sflag:s18] =	ssyncset.done $0x0  }
0x43: {  	[sflag:s18] =	ssyncadd.s32 $0xFFFFFFE0  }
0x44: {  	[hbm4b:s2+s19] =	stream.indirect.scatter [tilespmem:s14], [sflag:$0x2], $0x1, s10, s19, $0xb8;
	[tilespmem:$0x10400] =	vst v63  }
0x45: {  	_ = 	snop  }
0x46: {  	[hbm4b:s2+s19] =	stream.indirect.scatter [tilespmem:s15], [sflag:$0x2], $0x1, s11, s19, $0xb8;
	[tilespmem:$0x10400] =	vst v63  }
0x47: {  	_ = 	snop  }
0x48: {  	[hbm4b:s2+s19] =	stream.indirect.scatter [tilespmem:s16], [sflag:$0x2], $0x1, s12, s19, $0xb8;
	[tilespmem:$0x10400] =	vst v63  }
0x49: {  	_ = 	snop  }
0x4a: {  	[hbm4b:s2+s19] =	stream.indirect.scatter [tilespmem:s17], [sflag:$0x2], $0x1, s13, s19, $0xb8;
	[tilespmem:$0x10400] =	vst v63  }
0x4b: {  	_ =	swait.ge [sflag:s20], $0x8000  }
0x4c: {  	[sflag:s20] =	ssyncset.done $0x0  }
0x4d: {  	[sflag:s20] =	ssyncadd.s32 $0xFFFF8000  }
0x4e: {  	v3 =	vld [tilespmem:$0x10000];
	_ =	sdelay $0x4  }
0x4f: {  	v4 =	vshll.u32 v3, $0x3  }
0x50: {  	v3 =	vand.u32 $0x7, v3;
	v4 =	vand.u32 $0xFFFFFFC0, v4  }
0x51: {  	v3 =	vor.u32 v3, v4  }
0x52: {  	v4 =	vperm.xlane v3, v0;
	_ =	sdelay $0x1  }
0x53: {  	v4 =	vadd.s32 v1, v4;
	_ =	sdelay $0x4  }
0x54: {  	[hbm4b:s4+s3] =	stream.indirect_vreg.scatter [tilespmem:s3], [sflag:$0x1], $0x80, v4, vm0, $0xb8;
	[tilespmem:$0x10400] =	vst v63  }
0x55: {  	s0 =	simm.s32 $0x800;
	v3 =	vperm.xlane v3, v2  }
0x56: {  	[hbm4b:s5+s3] =	stream.indirect_vreg.scatter [tilespmem:s0], [sflag:$0x1], $0x80, v4, vm0, $0xb8;
	[tilespmem:$0x10400] =	vst v63  }
0x57: {  	s1 =	simm.s32 $0x1000;
	v3 =	vadd.s32 v1, v3  }
0x58: {  	[hbm4b:s6+s3] =	stream.indirect_vreg.scatter [tilespmem:s1], [sflag:$0x1], $0x80, v4, vm0, $0xb8;
	[tilespmem:$0x10400] =	vst v63  }
0x59: {  	s10 =	simm.s32 $0x1800  }
0x5a: {  	[hbm4b:s7+s3] =	stream.indirect_vreg.scatter [tilespmem:s10], [sflag:$0x1], $0x80, v4, vm0, $0xb8;
	[tilespmem:$0x10400] =	vst v63  }
0x5b: {  	s11 =	simm.s32 $0x2000  }
0x5c: {  	[hbm4b:s4+s3] =	stream.indirect_vreg.scatter [tilespmem:s11], [sflag:$0x1], $0x80, v3, vm0, $0xb8;
	[tilespmem:$0x10400] =	vst v63  }
0x5d: {  	s12 =	simm.s32 $0x2800  }
0x5e: {  	[hbm4b:s5+s3] =	stream.indirect_vreg.scatter [tilespmem:s12], [sflag:$0x1], $0x80, v3, vm0, $0xb8;
	[tilespmem:$0x10400] =	vst v63  }
0x5f: {  	s13 =	simm.s32 $0x3000  }
0x60: {  	[hbm4b:s6+s3] =	stream.indirect_vreg.scatter [tilespmem:s13], [sflag:$0x1], $0x80, v3, vm0, $0xb8;
	[tilespmem:$0x10400] =	vst v63  }
0x61: {  	s14 =	simm.s32 $0x3800  }
0x62: {  	[hbm4b:s7+s3] =	stream.indirect_vreg.scatter [tilespmem:s14], [sflag:$0x1], $0x80, v3, vm0, $0xb8;
	[tilespmem:$0x10400] =	vst v63  }
0x63: {  	v3 =	vld [tilespmem:$0x10010];
	_ =	sdelay $0x4  }
0x64: {  	v57 =	vshll.u32 v3, $0x3  }
0x65: {  	v3 =	vand.u32 $0x7, v3;
	v4 =	vand.u32 $0xFFFFFFC0, v57  }
0x66: {  	v3 =	vor.u32 v3, v4  }
0x67: {  	v4 =	vperm.xlane v3, v0;
	_ =	sdelay $0x1  }
0x68: {  	v4 =	vadd.s32 v1, v4;
	_ =	sdelay $0x3  }
0x69: {  	s15 =	simm.s32 $0x4000  }
0x6a: {  	[hbm4b:s4+s3] =	stream.indirect_vreg.scatter [tilespmem:s15], [sflag:$0x1], $0x80, v4, vm0, $0xb8;
	[tilespmem:$0x10400] =	vst v63  }
0x6b: {  	s16 =	simm.s32 $0x4800;
	v3 =	vperm.xlane v3, v2  }
0x6c: {  	[hbm4b:s5+s3] =	stream.indirect_vreg.scatter [tilespmem:s16], [sflag:$0x1], $0x80, v4, vm0, $0xb8;
	[tilespmem:$0x10400] =	vst v63  }
0x6d: {  	s17 =	simm.s32 $0x5000;
	v3 =	vadd.s32 v1, v3  }
0x6e: {  	[hbm4b:s6+s3] =	stream.indirect_vreg.scatter [tilespmem:s17], [sflag:$0x1], $0x80, v4, vm0, $0xb8;
	[tilespmem:$0x10400] =	vst v63  }
0x6f: {  	_ = 	snop  }
0x70: {  	[hbm4b:s7+s3] =	stream.indirect_vreg.scatter [tilespmem:s21], [sflag:$0x1], $0x80, v4, vm0, $0xb8;
	[tilespmem:$0x10400] =	vst v63  }
0x71: {  	_ = 	snop  }
0x72: {  	[hbm4b:s4+s3] =	stream.indirect_vreg.scatter [tilespmem:s22], [sflag:$0x1], $0x80, v3, vm0, $0xb8;
	[tilespmem:$0x10400] =	vst v63  }
0x73: {  	_ = 	snop  }
0x74: {  	[hbm4b:s5+s3] =	stream.indirect_vreg.scatter [tilespmem:s23], [sflag:$0x1], $0x80, v3, vm0, $0xb8;
	[tilespmem:$0x10400] =	vst v63  }
0x75: {  	_ = 	snop  }
0x76: {  	[hbm4b:s6+s3] =	stream.indirect_vreg.scatter [tilespmem:s24], [sflag:$0x1], $0x80, v3, vm0, $0xb8;
	[tilespmem:$0x10400] =	vst v63  }
0x77: {  	_ = 	snop  }
0x78: {  	[hbm4b:s7+s3] =	stream.indirect_vreg.scatter [tilespmem:s25], [sflag:$0x1], $0x80, v3, vm0, $0xb8;
	[tilespmem:$0x10400] =	vst v63  }
0x79: {  	v3 =	vld [tilespmem:$0x10100];
	_ =	sdelay $0x4  }
0x7a: {  	v58 =	vshll.u32 v3, $0x3  }
0x7b: {  	v3 =	vand.u32 $0x7, v3;
	v4 =	vand.u32 $0xFFFFFFC0, v58  }
0x7c: {  	v3 =	vor.u32 v3, v4  }
0x7d: {  	v4 =	vperm.xlane v3, v0;
	_ =	sdelay $0x1  }
0x7e: {  	v4 =	vadd.s32 v1, v4;
	_ =	sdelay $0x4  }
0x7f: {  	[hbm4b:s4+s3] =	stream.indirect_vreg.scatter [tilespmem:s3], [sflag:$0x1], $0x80, v4, vm0, $0xb8;
	[tilespmem:$0x10400] =	vst v63  }
0x80: {  	v3 =	vperm.xlane v3, v2  }
0x81: {  	[hbm4b:s5+s3] =	stream.indirect_vreg.scatter [tilespmem:s0], [sflag:$0x1], $0x80, v4, vm0, $0xb8;
	[tilespmem:$0x10400] =	vst v63  }
0x82: {  	v3 =	vadd.s32 v1, v3  }
0x83: {  	[hbm4b:s6+s3] =	stream.indirect_vreg.scatter [tilespmem:s1], [sflag:$0x1], $0x80, v4, vm0, $0xb8;
	[tilespmem:$0x10400] =	vst v63  }
0x84: {  	_ = 	snop  }
0x85: {  	[hbm4b:s7+s3] =	stream.indirect_vreg.scatter [tilespmem:s10], [sflag:$0x1], $0x80, v4, vm0, $0xb8;
	[tilespmem:$0x10400] =	vst v63  }
0x86: {  	_ = 	snop  }
0x87: {  	[hbm4b:s4+s3] =	stream.indirect_vreg.scatter [tilespmem:s11], [sflag:$0x1], $0x80, v3, vm0, $0xb8;
	[tilespmem:$0x10400] =	vst v63  }
0x88: {  	_ = 	snop  }
0x89: {  	[hbm4b:s5+s3] =	stream.indirect_vreg.scatter [tilespmem:s12], [sflag:$0x1], $0x80, v3, vm0, $0xb8;
	[tilespmem:$0x10400] =	vst v63  }
0x8a: {  	_ = 	snop  }
0x8b: {  	[hbm4b:s6+s3] =	stream.indirect_vreg.scatter [tilespmem:s13], [sflag:$0x1], $0x80, v3, vm0, $0xb8;
	[tilespmem:$0x10400] =	vst v63  }
0x8c: {  	_ = 	snop  }
0x8d: {  	[hbm4b:s7+s3] =	stream.indirect_vreg.scatter [tilespmem:s14], [sflag:$0x1], $0x80, v3, vm0, $0xb8;
	[tilespmem:$0x10400] =	vst v63  }
0x8e: {  	v3 =	vld [tilespmem:$0x10110];
	_ =	sdelay $0x4  }
0x8f: {  	v59 =	vshll.u32 v3, $0x3  }
0x90: {  	v3 =	vand.u32 $0x7, v3;
	v4 =	vand.u32 $0xFFFFFFC0, v59  }
0x91: {  	v3 =	vor.u32 v3, v4  }
0x92: {  	v4 =	vperm.xlane v3, v0;
	_ =	sdelay $0x1  }
0x93: {  	v4 =	vadd.s32 v1, v4;
	_ =	sdelay $0x4  }
0x94: {  	[hbm4b:s4+s3] =	stream.indirect_vreg.scatter [tilespmem:s15], [sflag:$0x1], $0x80, v4, vm0, $0xb8;
	[tilespmem:$0x10400] =	vst v63  }
0x95: {  	v3 =	vperm.xlane v3, v2  }
0x96: {  	[hbm4b:s5+s3] =	stream.indirect_vreg.scatter [tilespmem:s16], [sflag:$0x1], $0x80, v4, vm0, $0xb8;
	[tilespmem:$0x10400] =	vst v63  }
0x97: {  	v3 =	vadd.s32 v1, v3  }
0x98: {  	[hbm4b:s6+s3] =	stream.indirect_vreg.scatter [tilespmem:s17], [sflag:$0x1], $0x80, v4, vm0, $0xb8;
	[tilespmem:$0x10400] =	vst v63  }
0x99: {  	_ = 	snop  }
0x9a: {  	[hbm4b:s7+s3] =	stream.indirect_vreg.scatter [tilespmem:s21], [sflag:$0x1], $0x80, v4, vm0, $0xb8;
	[tilespmem:$0x10400] =	vst v63  }
0x9b: {  	_ = 	snop  }
0x9c: {  	[hbm4b:s4+s3] =	stream.indirect_vreg.scatter [tilespmem:s22], [sflag:$0x1], $0x80, v3, vm0, $0xb8;
	[tilespmem:$0x10400] =	vst v63  }
0x9d: {  	_ = 	snop  }
0x9e: {  	[hbm4b:s5+s3] =	stream.indirect_vreg.scatter [tilespmem:s23], [sflag:$0x1], $0x80, v3, vm0, $0xb8;
	[tilespmem:$0x10400] =	vst v63  }
0x9f: {  	_ = 	snop  }
0xa0: {  	[hbm4b:s6+s3] =	stream.indirect_vreg.scatter [tilespmem:s24], [sflag:$0x1], $0x80, v3, vm0, $0xb8;
	[tilespmem:$0x10400] =	vst v63  }
0xa1: {  	_ = 	snop  }
0xa2: {  	[hbm4b:s7+s3] =	stream.indirect_vreg.scatter [tilespmem:s25], [sflag:$0x1], $0x80, v3, vm0, $0xb8;
	[tilespmem:$0x10400] =	vst v63  }
0xa3: {  	_ =	swait.ge [sflag:s20], $0x8000  }
0xa4: {  	[sflag:s20] =	ssyncset.done $0x0  }
0xa5: {  	[sflag:s20] =	ssyncadd.s32 $0xFFFF8000  }
0xa6: {  	v3 =	vld [tilespmem:$0x10080];
	_ =	sdelay $0x4  }
0xa7: {  	v60 =	vshll.u32 v3, $0x3  }
0xa8: {  	v3 =	vand.u32 $0x7, v3;
	v4 =	vand.u32 $0xFFFFFFC0, v60  }
0xa9: {  	v3 =	vor.u32 v3, v4  }
0xaa: {  	v4 =	vperm.xlane v3, v0;
	_ =	sdelay $0x1  }
0xab: {  	v4 =	vadd.s32 v1, v4;
	_ =	sdelay $0x4  }
0xac: {  	[hbm4b:s4+s3] =	stream.indirect_vreg.scatter [tilespmem:s9], [sflag:$0x1], $0x80, v4, vm0, $0xb8;
	[tilespmem:$0x10400] =	vst v63  }
0xad: {  	s0 =	simm.s32 $0x8800;
	v3 =	vperm.xlane v3, v2  }
0xae: {  	[hbm4b:s5+s3] =	stream.indirect_vreg.scatter [tilespmem:s0], [sflag:$0x1], $0x80, v4, vm0, $0xb8;
	[tilespmem:$0x10400] =	vst v63  }
0xaf: {  	s1 =	simm.s32 $0x9000;
	v3 =	vadd.s32 v1, v3  }
0xb0: {  	[hbm4b:s6+s3] =	stream.indirect_vreg.scatter [tilespmem:s1], [sflag:$0x1], $0x80, v4, vm0, $0xb8;
	[tilespmem:$0x10400] =	vst v63  }
0xb1: {  	s10 =	simm.s32 $0x9800  }
0xb2: {  	[hbm4b:s7+s3] =	stream.indirect_vreg.scatter [tilespmem:s10], [sflag:$0x1], $0x80, v4, vm0, $0xb8;
	[tilespmem:$0x10400] =	vst v63  }
0xb3: {  	s11 =	simm.s32 $0xA000  }
0xb4: {  	[hbm4b:s4+s3] =	stream.indirect_vreg.scatter [tilespmem:s11], [sflag:$0x1], $0x80, v3, vm0, $0xb8;
	[tilespmem:$0x10400] =	vst v63  }
0xb5: {  	s12 =	simm.s32 $0xA800  }
0xb6: {  	[hbm4b:s5+s3] =	stream.indirect_vreg.scatter [tilespmem:s12], [sflag:$0x1], $0x80, v3, vm0, $0xb8;
	[tilespmem:$0x10400] =	vst v63  }
0xb7: {  	s13 =	simm.s32 $0xB000  }
0xb8: {  	[hbm4b:s6+s3] =	stream.indirect_vreg.scatter [tilespmem:s13], [sflag:$0x1], $0x80, v3, vm0, $0xb8;
	[tilespmem:$0x10400] =	vst v63  }
0xb9: {  	s14 =	simm.s32 $0xB800  }
0xba: {  	[hbm4b:s7+s3] =	stream.indirect_vreg.scatter [tilespmem:s14], [sflag:$0x1], $0x80, v3, vm0, $0xb8;
	[tilespmem:$0x10400] =	vst v63  }
0xbb: {  	v3 =	vld [tilespmem:$0x10090];
	_ =	sdelay $0x4  }
0xbc: {  	v61 =	vshll.u32 v3, $0x3  }
0xbd: {  	v3 =	vand.u32 $0x7, v3;
	v4 =	vand.u32 $0xFFFFFFC0, v61  }
0xbe: {  	v3 =	vor.u32 v3, v4  }
0xbf: {  	v4 =	vperm.xlane v3, v0;
	_ =	sdelay $0x1  }
0xc0: {  	v4 =	vadd.s32 v1, v4;
	_ =	sdelay $0x3  }
0xc1: {  	s15 =	simm.s32 $0xC000  }
0xc2: {  	[hbm4b:s4+s3] =	stream.indirect_vreg.scatter [tilespmem:s15], [sflag:$0x1], $0x80, v4, vm0, $0xb8;
	[tilespmem:$0x10400] =	vst v63  }
0xc3: {  	s16 =	simm.s32 $0xC800;
	v3 =	vperm.xlane v3, v2  }
0xc4: {  	[hbm4b:s5+s3] =	stream.indirect_vreg.scatter [tilespmem:s16], [sflag:$0x1], $0x80, v4, vm0, $0xb8;
	[tilespmem:$0x10400] =	vst v63  }
0xc5: {  	s17 =	simm.s32 $0xD000;
	v3 =	vadd.s32 v1, v3  }
0xc6: {  	[hbm4b:s6+s3] =	stream.indirect_vreg.scatter [tilespmem:s17], [sflag:$0x1], $0x80, v4, vm0, $0xb8;
	[tilespmem:$0x10400] =	vst v63  }
0xc7: {  	_ = 	snop  }
0xc8: {  	[hbm4b:s7+s3] =	stream.indirect_vreg.scatter [tilespmem:s26], [sflag:$0x1], $0x80, v4, vm0, $0xb8;
	[tilespmem:$0x10400] =	vst v63  }
0xc9: {  	_ = 	snop  }
0xca: {  	[hbm4b:s4+s3] =	stream.indirect_vreg.scatter [tilespmem:s28], [sflag:$0x1], $0x80, v3, vm0, $0xb8;
	[tilespmem:$0x10400] =	vst v63  }
0xcb: {  	_ = 	snop  }
0xcc: {  	[hbm4b:s5+s3] =	stream.indirect_vreg.scatter [tilespmem:s29], [sflag:$0x1], $0x80, v3, vm0, $0xb8;
	[tilespmem:$0x10400] =	vst v63  }
0xcd: {  	_ = 	snop  }
0xce: {  	[hbm4b:s6+s3] =	stream.indirect_vreg.scatter [tilespmem:s30], [sflag:$0x1], $0x80, v3, vm0, $0xb8;
	[tilespmem:$0x10400] =	vst v63  }
0xcf: {  	_ = 	snop  }
0xd0: {  	[hbm4b:s7+s3] =	stream.indirect_vreg.scatter [tilespmem:s31], [sflag:$0x1], $0x80, v3, vm0, $0xb8;
	[tilespmem:$0x10400] =	vst v63  }
0xd1: {  	v3 =	vld [tilespmem:$0x10180];
	_ =	sdelay $0x4  }
0xd2: {  	v62 =	vshll.u32 v3, $0x3  }
0xd3: {  	v3 =	vand.u32 $0x7, v3;
	v4 =	vand.u32 $0xFFFFFFC0, v62  }
0xd4: {  	v3 =	vor.u32 v3, v4  }
0xd5: {  	v4 =	vperm.xlane v3, v0;
	_ =	sdelay $0x1  }
0xd6: {  	v4 =	vadd.s32 v1, v4;
	_ =	sdelay $0x4  }
0xd7: {  	[hbm4b:s4+s3] =	stream.indirect_vreg.scatter [tilespmem:s9], [sflag:$0x1], $0x80, v4, vm0, $0xb8;
	[tilespmem:$0x10400] =	vst v63  }
0xd8: {  	v3 =	vperm.xlane v3, v2  }
0xd9: {  	[hbm4b:s5+s3] =	stream.indirect_vreg.scatter [tilespmem:s0], [sflag:$0x1], $0x80, v4, vm0, $0xb8;
	[tilespmem:$0x10400] =	vst v63  }
0xda: {  	v3 =	vadd.s32 v1, v3  }
0xdb: {  	[hbm4b:s6+s3] =	stream.indirect_vreg.scatter [tilespmem:s1], [sflag:$0x1], $0x80, v4, vm0, $0xb8;
	[tilespmem:$0x10400] =	vst v63  }
0xdc: {  	_ = 	snop  }
0xdd: {  	[hbm4b:s7+s3] =	stream.indirect_vreg.scatter [tilespmem:s10], [sflag:$0x1], $0x80, v4, vm0, $0xb8;
	[tilespmem:$0x10400] =	vst v63  }
0xde: {  	_ = 	snop  }
0xdf: {  	[hbm4b:s4+s3] =	stream.indirect_vreg.scatter [tilespmem:s11], [sflag:$0x1], $0x80, v3, vm0, $0xb8;
	[tilespmem:$0x10400] =	vst v63  }
0xe0: {  	_ = 	snop  }
0xe1: {  	[hbm4b:s5+s3] =	stream.indirect_vreg.scatter [tilespmem:s12], [sflag:$0x1], $0x80, v3, vm0, $0xb8;
	[tilespmem:$0x10400] =	vst v63  }
0xe2: {  	_ = 	snop  }
0xe3: {  	[hbm4b:s6+s3] =	stream.indirect_vreg.scatter [tilespmem:s13], [sflag:$0x1], $0x80, v3, vm0, $0xb8;
	[tilespmem:$0x10400] =	vst v63  }
0xe4: {  	_ = 	snop  }
0xe5: {  	[hbm4b:s7+s3] =	stream.indirect_vreg.scatter [tilespmem:s14], [sflag:$0x1], $0x80, v3, vm0, $0xb8;
	[tilespmem:$0x10400] =	vst v63  }
0xe6: {  	v3 =	vld [tilespmem:$0x10190];
	_ =	sdelay $0x4  }
0xe7: {  	v63 =	vshll.u32 v3, $0x3  }
0xe8: {  	v3 =	vand.u32 $0x7, v3;
	v4 =	vand.u32 $0xFFFFFFC0, v63  }
0xe9: {  	v3 =	vor.u32 v3, v4  }
0xea: {  	v4 =	vperm.xlane v3, v0;
	_ =	sdelay $0x1  }
0xeb: {  	v4 =	vadd.s32 v1, v4;
	_ =	sdelay $0x4  }
0xec: {  	[hbm4b:s4+s3] =	stream.indirect_vreg.scatter [tilespmem:s15], [sflag:$0x1], $0x80, v4, vm0, $0xb8;
	[tilespmem:$0x10400] =	vst v63  }
0xed: {  	v3 =	vperm.xlane v3, v2  }
0xee: {  	[hbm4b:s5+s3] =	stream.indirect_vreg.scatter [tilespmem:s16], [sflag:$0x1], $0x80, v4, vm0, $0xb8;
	[tilespmem:$0x10400] =	vst v63  }
0xef: {  	v3 =	vadd.s32 v1, v3  }
0xf0: {  	[hbm4b:s6+s3] =	stream.indirect_vreg.scatter [tilespmem:s17], [sflag:$0x1], $0x80, v4, vm0, $0xb8;
	[tilespmem:$0x10400] =	vst v63  }
0xf1: {  	_ = 	snop  }
0xf2: {  	[hbm4b:s7+s3] =	stream.indirect_vreg.scatter [tilespmem:s26], [sflag:$0x1], $0x80, v4, vm0, $0xb8;
	[tilespmem:$0x10400] =	vst v63  }
0xf3: {  	_ = 	snop  }
0xf4: {  	[hbm4b:s4+s3] =	stream.indirect_vreg.scatter [tilespmem:s28], [sflag:$0x1], $0x80, v3, vm0, $0xb8;
	[tilespmem:$0x10400] =	vst v63  }
0xf5: {  	_ = 	snop  }
0xf6: {  	[hbm4b:s5+s3] =	stream.indirect_vreg.scatter [tilespmem:s29], [sflag:$0x1], $0x80, v3, vm0, $0xb8;
	[tilespmem:$0x10400] =	vst v63  }
0xf7: {  	_ = 	snop  }
0xf8: {  	[hbm4b:s6+s3] =	stream.indirect_vreg.scatter [tilespmem:s30], [sflag:$0x1], $0x80, v3, vm0, $0xb8;
	[tilespmem:$0x10400] =	vst v63  }
0xf9: {  	_ = 	snop  }
0xfa: {  	[hbm4b:s7+s3] =	stream.indirect_vreg.scatter [tilespmem:s31], [sflag:$0x1], $0x80, v3, vm0, $0xb8;
	[tilespmem:$0x10400] =	vst v63  }
0xfb: {  	_ =	swait.ge [sflag:s18], $0x20  }
0xfc: {  	[sflag:s18] =	ssyncset.done $0x0  }
0xfd: {  	[sflag:s18] =	ssyncadd.s32 $0xFFFFFFE0  }
0xfe: {  	_ =	swait.ge [sflag:s18], $0x20  }
0xff: {  	[sflag:s18] =	ssyncset.done $0x0  }
0x100: {  	[sflag:s18] =	ssyncadd.s32 $0xFFFFFFE0  }
0x101: {  	_ =	swait.ge [sflag:s18], $0x20  }
0x102: {  	[sflag:s18] =	ssyncset.done $0x0  }
0x103: {  	[sflag:s18] =	ssyncadd.s32 $0xFFFFFFE0  }
0x104: {  	_ =	swait.ge [sflag:s18], $0x20  }
0x105: {  	[sflag:s18] =	ssyncset.done $0x0  }
0x106: {  	[sflag:s18] =	ssyncadd.s32 $0xFFFFFFE0  }
0x107: {  	_ =	swait.ge [sflag:s20], $0x8000  }
0x108: {  	[sflag:s20] =	ssyncset.done $0x0  }
0x109: {  	[sflag:s20] =	ssyncadd.s32 $0xFFFF8000  }
0x10a: {  	_ =	swait.ge [sflag:s20], $0x8000  }
0x10b: {  	[sflag:s20] =	ssyncset.done $0x0  }
0x10c: {  	[sflag:s20] =	ssyncadd.s32 $0xFFFF8000  }
0x10d: {  	p0 =	sne.s32 s8, $0x1;
	_ =	swait.ge [sflag:s20], $0x8000  }
.Ltmp0:
0x10e: {  	[sflag:s20] =	ssyncset.done $0x0;
	(pc) =	sbr.rel @p0 .LBB2_1-.Ltmp0, $4  }
0x10f: {  	[sflag:s20] =	ssyncadd.s32 $0xFFFF8000  }
0x110: {  	_ =	swait.ge [sflag:s20], $0x8000  }
0x111: {  	[sflag:s20] =	ssyncset.done $0x0  }
0x112: {  	s8 =	sadd.s32 $0xFFFFFFFF, s8;
	[sflag:s20] =	ssyncadd.s32 $0xFFFF8000  }
0x113: {  	_ =	sfence.sel $0x180000  }
0x114: {  	[bflag:$0x0] =	sbarrier.arrive $0xFFFF  }
0x115: {  	_ =	strace $0x90000047  }
0x116: {  	s0 =	stileid.u32;
	[bflag:$0x2] =	sbarrier.arrive $0xFFFF  }
0x117: {  	p0 =	sne.s32 s0, $0x0;
	s0 =	rddreg [dreg:$0x3]  }
0x118: {  	s0 =	sadd.s32 @!p0 $0x100000, s0  }
0x119: {  	[sflag:s0] =	ssyncadd.tile.s32 @!p0 $0x1;
	_ =	shalt  }
.Lfunc_end2:
_tile_overlayer_lowered:
.L_overlay_start_2:
0x11a: {  	(tag) =	ssettag $0x2  }
0x11b: {  	s0 =	rddreg [dreg:$0x0];
	s2 =	stileid.u32  }
0x11c: {  	s1 =	rddreg [dreg:$0x1];
	p0 =	sne.s32 s2, $0x0  }
0x11d: {  	s3 =	rddreg [dreg:$0x2];
	[bflag:$0x3] =	sbarrier.arrive $0xFFFF;
	s2 =	simm.s32 @!p0 $0x1C03  }
0x11e: {  	[timem:s3], [sflag:s2] =	dma.local @!p0 [hbm:s0], s1  }
0x11f: {  	s0 =	simm.s32 @!p0 $0x3  }
0x120: {  	_ =	swait.ge @!p0 [sflag:s0], s1  }
0x121: {  	s1 =	ssub.s32 @!p0 $0x0, s1;
	[sflag:s0] =	ssyncset.done @!p0 $0x0  }
0x122: {  	[sflag:s0] =	ssyncadd.s32 @!p0 s1  }
0x123: {  	[bflag:$0x3] =	sbarrier.arrive $0xFFFF  }
0x124: {  	_ =	shalt  }

// kernel: kernel.9.cloned.1.call-start
scs
__scs_entry_jumppad:
0x0: {  	(pc) =	sbr.rel $0x88, $3  }
0x1: {  	(tag) =	ssettag $0x0;
	lr =	simm.s32 $0x1  }
0x2: {  	[smem:$0x3F9C] =	sst lr;
	_ =	strace $0xD0000000  }
0x3: {  	_ = 	snop  }
0x4: {  	_ = 	snop  }
0x5: {  	_ = 	snop  }
0x6: {  	_ = 	snop  }
0x7: {  	_ = 	snop  }
__scs_overlays_trampoline_lowered:
0x8: {  	[smem:$0x3FAB] =	sst s0  }
0x9: {  	[smem:$0x3FAC] =	sst s1  }
0xa: {  	[smem:$0x3FAD] =	sst s2  }
0xb: {  	[smem:$0x3FAE] =	sst s3  }
0xc: {  	[smem:$0x3FAF] =	sst s4  }
0xd: {  	[smem:$0x3FB0] =	sst s5  }
0xe: {  	[smem:$0x3FB1] =	sst s6  }
0xf: {  	[smem:$0x3FB2] =	sst s7  }
0x10: {  	[smem:$0x3FB3] =	sst s8  }
0x11: {  	[smem:$0x3FB4] =	sst s9;
	s0 =	simm.s32 @!p0 $0x0  }
0x12: {  	s1 =	sld [smem:$0x3F9A];
	s0 =	simm.s32 @p0 $0x1  }
0x13: {  	[smem:$0x3FB5] =	sst s0;
	s0 =	simm.s32 @!p1 $0x0  }
0x14: {  	s2 =	sld [smem:$0x3F99];
	s0 =	simm.s32 @p1 $0x1  }
0x15: {  	[smem:$0x3FB6] =	sst s0;
	s0 =	simm.s32 @!p2 $0x0  }
0x16: {  	s3 =	sld [smem:$0x3FDB];
	s0 =	simm.s32 @p2 $0x1  }
0x17: {  	s4 =	simm.s32 $0x1BF5;
	[smem:$0x3FB8] =	sst s0  }
0x18: {  	s0 =	sld [smem:$0x3F9B];
	_ =	swait.ge [sflag:s4], $0x0  }
0x19: {  	s7 =	sld [smem:$0x3F9C]  }
0x1a: {  	s8 =	sadd.s32 $0xFFFFE003, lr  }
0x1b: {  	s9 =	sadd.s32 $0xFFFFFEF7, lr;
	s5 =	simm.s32 $0xFFFFFFFF;
	p2 =	slt.u32 s8, $0xFFFFF086  }
0x1c: {  	p1 =	slt.u32 s9, $0xF7A;
	s5 =	simm.s32 @!p2 $0x0  }
0x1d: {  	s5 =	simm.s32 @p1 $0x1;
	p0 =	seq.s32 s7, s2  }
0x1e: {  	s7 =	smul.u32 @!p0 $0xF7A, s2;
	p2 =	seq.s32 @!p0 s5, $0x0  }
0x1f: {  	s9 =	smul.u32 $0xF7A, s1;
	s8 =	simm.s32 @!p0 $0x1BF5;
	p2 =	por !p2, p0  }
0x20: {  	[sflag:s8] =	ssyncset.s32 @!p0 $0xFFFFF086;
	s6 =	sadd.s32 @!p0 s3, s7;
	s7 =	simm.s32 @!p0 $0x108  }
0x21: {  	s3 =	sadd.s32 s3, s9;
	s6 =	sadd.s32 @!p0 $0x88, s6;
	s7 =	simm.s32 @p2 $0x1082  }
0x22: {  	[simem:s7], [sflag:s8] =	dma.local @!p0 [hbm:s6], $0xF7A  }
0x23: {  	s9 =	sor.u32 $0xD0000000, s2;
	s6 =	simm.s32 $0x108;
	_ =	swait.ge @!p0 [sflag:s8], $0x0  }
0x24: {  	s3 =	sadd.s32 $0x88, s3;
	s6 =	simm.s32 @!p1 $0x1082;
	[sflag:s4] =	ssyncset.s32 $0xFFFFF086  }
0x25: {  	[simem:s6], [sflag:s4] =	dma.local [hbm:s3], $0xF7A  }
0x26: {  	[smem:$0x3F9C] =	sst s1;
	(tag) =	ssettag s2;
	_ =	strace s9  }
0x27: {  	s1 =	sld [smem:$0x3FAC]  }
0x28: {  	s2 =	sld [smem:$0x3FAD]  }
0x29: {  	s4 =	sld [smem:$0x3FAF]  }
0x2a: {  	p0 =	seq.s32 s5, $0x0;
	s5 =	sld [smem:$0x3FB0]  }
0x2b: {  	s6 =	sld [smem:$0x3FB1]  }
0x2c: {  	s7 =	sld [smem:$0x3FB2]  }
0x2d: {  	s3 =	simm.s32 $0x108;
	s8 =	sld [smem:$0x3FB3]  }
0x2e: {  	s3 =	simm.s32 @!p0 $0x1082;
	s9 =	sld [smem:$0x3FB4]  }
0x2f: {  	lr =	sadd.s32 s0, s3;
	s0 =	sld [smem:$0x3FAB]  }
0x30: {  	s3 =	sld [smem:$0x3FAE]  }
0x31: {  	[smem:$0x3FB7] =	sst s10  }
0x32: {  	s10 =	sld [smem:$0x3FB5];
	_ =	sdelay $0x3  }
0x33: {  	p0 =	seq.s32 s10, $0x1;
	s10 =	sld [smem:$0x3FB7];
	_ =	sdelay $0x3  }
0x34: {  	[smem:$0x3FB7] =	sst s10  }
0x35: {  	s10 =	sld [smem:$0x3FB6];
	_ =	sdelay $0x3  }
0x36: {  	p1 =	seq.s32 s10, $0x1;
	s10 =	sld [smem:$0x3FB7];
	_ =	sdelay $0x3  }
0x37: {  	[smem:$0x3FB7] =	sst s10  }
0x38: {  	s10 =	sld [smem:$0x3FB8]  }
0x39: {  	_ = 	snop;
	(pc) =	sbr.ind lr, $3  }
0x3a: {  	_ = 	snop  }
0x3b: {  	_ = 	snop  }
0x3c: {  	p2 =	seq.s32 s10, $0x1;
	s10 =	sld [smem:$0x3FB7]  }
0x3d: {  	_ =	shalt  }
0x3e: {  	_ =	shalt  }
0x3f: {  	_ =	shalt  }
0x40: {  	_ =	shalt  }
0x41: {  	_ =	shalt  }
0x42: {  	_ =	shalt  }
0x43: {  	_ =	shalt  }
0x44: {  	_ =	shalt  }
0x45: {  	_ =	shalt  }
0x46: {  	_ =	shalt  }
0x47: {  	_ =	shalt  }
0x48: {  	_ =	shalt  }
0x49: {  	_ =	shalt  }
0x4a: {  	_ =	shalt  }
0x4b: {  	_ =	shalt  }
0x4c: {  	_ =	shalt  }
0x4d: {  	_ =	shalt  }
0x4e: {  	_ =	shalt  }
0x4f: {  	_ =	shalt  }
0x50: {  	_ =	shalt  }
0x51: {  	_ =	shalt  }
0x52: {  	_ =	shalt  }
0x53: {  	_ =	shalt  }
0x54: {  	_ =	shalt  }
0x55: {  	_ =	shalt  }
0x56: {  	_ =	shalt  }
0x57: {  	_ =	shalt  }
0x58: {  	_ =	shalt  }
0x59: {  	_ =	shalt  }
0x5a: {  	_ =	shalt  }
0x5b: {  	_ =	shalt  }
0x5c: {  	_ =	shalt  }
0x5d: {  	_ =	shalt  }
0x5e: {  	_ =	shalt  }
0x5f: {  	_ =	shalt  }
0x60: {  	_ =	shalt  }
0x61: {  	_ =	shalt  }
0x62: {  	_ =	shalt  }
0x63: {  	_ =	shalt  }
0x64: {  	_ =	shalt  }
0x65: {  	_ =	shalt  }
0x66: {  	_ =	shalt  }
0x67: {  	_ =	shalt  }
0x68: {  	_ =	shalt  }
0x69: {  	_ =	shalt  }
0x6a: {  	_ =	shalt  }
0x6b: {  	_ =	shalt  }
0x6c: {  	_ =	shalt  }
0x6d: {  	_ =	shalt  }
0x6e: {  	_ =	shalt  }
0x6f: {  	_ =	shalt  }
0x70: {  	_ =	shalt  }
0x71: {  	_ =	shalt  }
0x72: {  	_ =	shalt  }
0x73: {  	_ =	shalt  }
0x74: {  	_ =	shalt  }
0x75: {  	_ =	shalt  }
0x76: {  	_ =	shalt  }
0x77: {  	_ =	shalt  }
0x78: {  	_ =	shalt  }
0x79: {  	_ =	shalt  }
0x7a: {  	_ =	shalt  }
0x7b: {  	_ =	shalt  }
0x7c: {  	_ =	shalt  }
0x7d: {  	_ =	shalt  }
0x7e: {  	_ =	shalt  }
0x7f: {  	_ =	shalt  }
0x80: {  	_ =	shalt  }
0x81: {  	_ =	shalt  }
0x82: {  	_ =	shalt  }
0x83: {  	_ =	shalt  }
0x84: {  	_ =	shalt  }
0x85: {  	_ =	shalt  }
0x86: {  	_ =	shalt  }
0x87: {  	_ =	shalt  }
.Lfunc_end0:
.L_simem_size_0:
called_computation.1_lowered:
.L_overlay_start_0:
0x88: {  	s2 =	sld [smem:$0x3FD9]  }
0x89: {  	s3 =	sld [smem:$0x3FFE];
	_ =	sdelay $0x1  }
0x8a: {  	s1 =	srdreg.scid  }
0x8b: {  	s0 =	sand.u32 $0x1, s1  }
0x8c: {  	s17 =	sshll.u32 s0, $0xA;
	s2 =	sadd.s32 s3, s2  }
0x8d: {  	s2 =	sadd.s32 s2, s17  }
0x8e: {  	[smem:$0x3FC3] =	sst s2  }
0x8f: {  	_ = 	snop  }
0x90: {  	s2 =	sld [smem:$0x3FD0];
	(tm) =	ssettm $0x1  }
0x91: {  	s18 =	sld [smem:$0x3FFB];
	_ =	sdelay $0x3  }
0x92: {  	_ =	strace s18  }
0x93: {  	s3 =	sld [smem:$0x3FFC];
	_ =	sdelay $0x3  }
0x94: {  	_ =	strace s3  }
0x95: {  	s3 =	sld [smem:$0x3FFD];
	_ =	sdelay $0x3  }
0x96: {  	_ =	strace s3  }
0x97: {  	_ =	strace $0x8FFFFFFF  }
0x98: {  	s19 =	sld [smem:$0x3FDB];
	_ =	sdelay $0x1  }
0x99: {  	s4 =	simm.s32 $_scs_section_size  }
0x9a: {  	s5 =	simm.s32 $_size__tile_overlayer_lowered;
	s6 =	simm.s32 $_tile_overlayer_lowered  }
0x9b: {  	s22 =	simm.s32 $0x1BFF;
	s21 =	sshll.u32 s6, $0x1;
	s3 =	sadd.s32 s4, s19  }
0x9c: {  	s7 =	simm.s32 $0x0;
	s20 =	sshll.u32 s5, $0x1;
	s5 =	sadd.s32 s21, s3  }
0x9d: {  	[timem:s7], [sflag:s22] =	dma.local [hbm:s5], s20  }
0x9e: {  	_ =	swait.ge [sflag:s22], s20  }
0x9f: {  	s4 =	ssub.s32 $0x0, s20;
	[sflag:s22] =	ssyncset.done $0x0  }
0xa0: {  	[sflag:s22] =	ssyncadd.s32 s4;
	_ =	sdelay $0x1  }
0xa1: {  	s23 =	simm.s32 $0x1B8B  }
0xa2: {  	_ =	swait.ge [sflag:s23], $0x1  }
0xa3: {  	[sflag:s23] =	ssyncset.done $0x0  }
0xa4: {  	s25 =	simm.s32 $0x1B8E;
	s24 =	sld [smem:$0x3FFE];
	[sflag:s23] =	ssyncadd.s32 $0xFFFFFFFF  }
0xa5: {  	s26 =	simm.s32 $execute0_lowered;
	[smem:$0x3FD2] =	sst s25  }
0xa6: {  	s5 =	sshll.u32 s26, $0x1;
	_ =	strace $0x80000049;
	[dreg:$0x1] =	wrdreg $0xFFFFFFFF  }
0xa7: {  	s28 =	simm.s32 $_size_execute0_lowered;
	s3 =	sadd.s32 s3, s5;
	[dreg:$0x0] =	wrdreg $0x0  }
0xa8: {  	s5 =	sshll.u32 s28, $0x1;
	[dreg:$0x2] =	wrdreg s3  }
0xa9: {  	[dreg:$0x3] =	wrdreg s5  }
0xaa: {  	[dreg:$0x4] =	wrdreg $0xC0  }
0xab: {  	_ =	task [dreg:s7], $0x5FFFF  }
0xac: {  	[dreg:$0x1] =	wrdreg $0xFFFFFFFF  }
0xad: {  	[dreg:$0x0] =	wrdreg $0x60  }
0xae: {  	[dreg:$0x2] =	wrdreg s24  }
0xaf: {  	[dreg:$0x3] =	wrdreg s2  }
0xb0: {  	[dreg:$0x4] =	wrdreg $0x9  }
0xb1: {  	_ =	task.clear_ibuf [dreg:s7], $0x5FFFF;
	_ =	strace $0x90000049  }
0xb2: {  	s29 =	simm.s32 $0x9;
	_ =	strace $0x8000004B  }
0xb3: {  	_ =	swait.ge [sflag:s29], $0x1  }
0xb4: {  	[sflag:s29] =	ssyncadd.s32 $0xFFFFFFFF  }
0xb5: {  	_ =	strace $0x9000004B  }
0xb6: {  	_ =	sfence  }
0xb7: {  	s30 =	sld [smem:$0x0];
	_ =	sdelay $0x2  }
0xb8: {  	s31 =	sshll.u32 s1, $0xD;
	s1 =	sshrl.u32 s1, $0x2  }
0xb9: {  	s3 =	sand.u32 $0x4000, s31;
	s1 =	sadd.s32 s1, s30  }
0xba: {  	s0 =	sor.u32 s3, s0;
	s1 =	sshll.u32 s1, $0x11  }
0xbb: {  	s0 =	sor.u32 s1, s0  }
0xbc: {  	s0 =	sadd.s32 $0x8F2B, s0  }
0xbd: {  	[sflag:s0] =	ssyncadd.remote.s32 $0x1  }
0xbe: {  	_ =	sfence.sel $0xFFFF  }
0xbf: {  	[dreg:$0x0] =	wrdreg $0xFFFFFFFF;
	(pc) =	sbr.abs _section_cstart, $3  }
0xc0: {  	[dreg:$0x1] =	wrdreg $0xFFFFFFFF  }
0xc1: {  	_ =	task.clear_ibuf [dreg:s7], $0x2FFFF;
	_ =	strace $0x9FFFFFFF  }
0xc2: {  	(tm) =	ssettm $0x7FFFFFFF  }
0xc3: {  	_ =	shalt  }
tec
execute0_lowered:
.L_overlay_start_1:
0x0: {  	(tag) =	ssettag $0x1  }
0x1: {  	s0 =	srdreg.scid;
	s1 =	rddreg [dreg:$0x0]  }
0x2: {  	s2 =	stileid.u32;
	s4 =	rddreg [dreg:$0x1];
	s14 =	simm.s32 $0x5  }
0x3: {  	s15 =	simm.s32 $0x2;
	s20 =	simm.s32 $0xA900;
	s21 =	simm.s32 $0xB900  }
0x4: {  	s22 =	simm.s32 $0xC100;
	s10 =	simm.s32 $0xE900;
	s28 =	simm.s32 $0xF100  }
0x5: {  	s11 =	simm.s32 $0xF900;
	s29 =	simm.s32 $0x10100;
	s12 =	simm.s32 $0x14100  }
0x6: {  	s30 =	simm.s32 $0x3;
	s13 =	simm.s32 $0x4;
	s31 =	simm.s32 $0x0  }
0x7: {  	s0 =	sand.u32 $0x1, s0;
	s5 =	sshll.u32 s2, $0x6;
	s2 =	simm.s32 $0x0  }
0x8: {  	s8 =	sadd.s32 $0xBA500, s1;
	s3 =	sshll.u32 s0, $0xA;
	s0 =	ssub.s32 $0x2, s0  }
0x9: {  	[smem:$0x7FF] =	sst s2;
	s5 =	sor.u32 s5, s3;
	s7 =	sshrl.u32 s0, $0x1  }
0xa: {  	_ =	strace $0x8000004A;
	s3 =	sshrl.u32 s5, $0x3;
	s0 =	ssub.s32 s0, s7  }
0xb: {  	s5 =	sshll.u32 s5, $0x7;
	s6 =	sadd.s32 s3, s1;
	s0 =	smax.u32 s0, $0x1  }
0xc: {  	s7 =	sadd.s32 $0xBA400, s1;
	s23 =	sadd.s32 $0x1A00, s6;
	[dreg:$0x8] =	wrdreg s0  }
0xd: {  	s9 =	sadd.s32 s4, s5;
	s6 =	sadd.s32 $0x1C00, s6;
	[dreg:$0x3] =	wrdreg s23  }
0xe: {  	s3 =	sadd.s32 $0xBA200, s1;
	s24 =	sadd.s32 $0x800, s9;
	[dreg:$0x4] =	wrdreg s6  }
0xf: {  	s5 =	simm.s32 $0xB100;
	s25 =	sadd.s32 $0x1000, s9;
	[dreg:$0x5] =	wrdreg s24  }
0x10: {  	v2 =	vlaneseq.u32;
	s26 =	sadd.s32 $0x1800, s9;
	s0 =	simm.s32 $0x1;
	[dreg:$0x6] =	wrdreg s25  }
0x11: {  	vm0 =	vmmov $0xffff;
	v1 =	vshrl.u32 v2, $0x3;
	s6 =	sadd.s32 $0xBA300, s1;
	[dreg:$0x7] =	wrdreg s26;
	s23 =	simm.s32 $0xC900  }
0x12: {  	v0 =	vand.u32 $0x7, v2;
	v2 =	vor.u32 $0x8, v2;
	v1 =	vmul.u32 $0x8, v1;
	s24 =	simm.s32 $0xD100;
	s25 =	simm.s32 $0xD900;
	s26 =	simm.s32 $0xE100  }
.LBB2_1:
0x13: {  	s1 =	rddreg [dreg:$0x3]  }
0x14: {  	[tilespmem:s2], [sflag:$0x5] =	stream.linear.gather [hbm4b:s1+s2], $0x40, $0x38;
	[tilespmem:$0x18100] =	vst v63  }
0x15: {  	_ =	swait.ge [sflag:s14], $0x40  }
0x16: {  	[sflag:s14] =	ssyncset.done $0x0  }
0x17: {  	s4 =	simm.s32 $0x80;
	s19 =	rddreg [dreg:$0x4];
	[sflag:s14] =	ssyncadd.s32 $0xFFFFFFC0  }
0x18: {  	[tilespmem:s4], [sflag:$0x5] =	stream.linear.gather [hbm4b:s19+s2], $0x40, $0x38;
	[tilespmem:$0x18100] =	vst v63  }
0x19: {  	_ =	swait.ge [sflag:s14], $0x40  }
0x1a: {  	[sflag:s14] =	ssyncset.done $0x0  }
0x1b: {  	[sflag:s14] =	ssyncadd.s32 $0xFFFFFFC0  }
0x1c: {  	v3 =	vld [tilespmem:$0x0];
	_ =	sdelay $0x4  }
0x1d: {  	v4 =	vshll.u32 v3, $0x3  }
0x1e: {  	v3 =	vand.u32 $0x7, v3;
	v4 =	vand.u32 $0xFFFFFFC0, v4  }
0x1f: {  	v3 =	vor.u32 v3, v4  }
0x20: {  	v4 =	vperm.xlane v3, v0;
	_ =	sdelay $0x1  }
0x21: {  	v4 =	vadd.s32 v1, v4;
	_ =	sdelay $0x3  }
0x22: {  	s16 =	simm.s32 $0x100  }
0x23: {  	[tilespmem:s16], [sflag:$0x1] =	stream.indirect_vreg.gather [hbm4b:s3+s2], $0x80, v4, vm0, $0xb8;
	[tilespmem:$0x18100] =	vst v63  }
0x24: {  	s17 =	simm.s32 $0x900;
	v3 =	vperm.xlane v3, v2  }
0x25: {  	[tilespmem:s17], [sflag:$0x1] =	stream.indirect_vreg.gather [hbm4b:s6+s2], $0x80, v4, vm0, $0xb8;
	[tilespmem:$0x18100] =	vst v63  }
0x26: {  	s18 =	simm.s32 $0x1100;
	v3 =	vadd.s32 v1, v3  }
0x27: {  	[tilespmem:s18], [sflag:$0x1] =	stream.indirect_vreg.gather [hbm4b:s7+s2], $0x80, v4, vm0, $0xb8;
	[tilespmem:$0x18100] =	vst v63  }
0x28: {  	s19 =	simm.s32 $0x1900  }
0x29: {  	[tilespmem:s19], [sflag:$0x1] =	stream.indirect_vreg.gather [hbm4b:s8+s2], $0x80, v4, vm0, $0xb8;
	[tilespmem:$0x18100] =	vst v63  }
0x2a: {  	s4 =	simm.s32 $0x2100  }
0x2b: {  	[tilespmem:s4], [sflag:$0x1] =	stream.indirect_vreg.gather [hbm4b:s3+s2], $0x80, v3, vm0, $0xb8;
	[tilespmem:$0x18100] =	vst v63  }
0x2c: {  	s16 =	simm.s32 $0x2900  }
0x2d: {  	[tilespmem:s16], [sflag:$0x1] =	stream.indirect_vreg.gather [hbm4b:s6+s2], $0x80, v3, vm0, $0xb8;
	[tilespmem:$0x18100] =	vst v63  }
0x2e: {  	s17 =	simm.s32 $0x3100  }
0x2f: {  	[tilespmem:s17], [sflag:$0x1] =	stream.indirect_vreg.gather [hbm4b:s7+s2], $0x80, v3, vm0, $0xb8;
	[tilespmem:$0x18100] =	vst v63  }
0x30: {  	s18 =	simm.s32 $0x3900  }
0x31: {  	[tilespmem:s18], [sflag:$0x1] =	stream.indirect_vreg.gather [hbm4b:s8+s2], $0x80, v3, vm0, $0xb8;
	[tilespmem:$0x18100] =	vst v63  }
0x32: {  	v3 =	vld [tilespmem:$0x80];
	_ =	sdelay $0x4  }
0x33: {  	v4 =	vshll.u32 v3, $0x3  }
0x34: {  	v3 =	vand.u32 $0x7, v3;
	v4 =	vand.u32 $0xFFFFFFC0, v4  }
0x35: {  	v3 =	vor.u32 v3, v4  }
0x36: {  	v4 =	vperm.xlane v3, v0;
	_ =	sdelay $0x1  }
0x37: {  	v4 =	vadd.s32 v1, v4;
	_ =	sdelay $0x3  }
0x38: {  	s19 =	simm.s32 $0x4100  }
0x39: {  	[tilespmem:s19], [sflag:$0x2] =	stream.indirect_vreg.gather [hbm4b:s3+s2], $0x80, v4, vm0, $0xb8;
	[tilespmem:$0x18100] =	vst v63  }
0x3a: {  	s4 =	simm.s32 $0x4900;
	v3 =	vperm.xlane v3, v2  }
0x3b: {  	[tilespmem:s4], [sflag:$0x2] =	stream.indirect_vreg.gather [hbm4b:s6+s2], $0x80, v4, vm0, $0xb8;
	[tilespmem:$0x18100] =	vst v63  }
0x3c: {  	s16 =	simm.s32 $0x5100;
	v3 =	vadd.s32 v1, v3  }
0x3d: {  	[tilespmem:s16], [sflag:$0x2] =	stream.indirect_vreg.gather [hbm4b:s7+s2], $0x80, v4, vm0, $0xb8;
	[tilespmem:$0x18100] =	vst v63  }
0x3e: {  	s17 =	simm.s32 $0x5900  }
0x3f: {  	[tilespmem:s17], [sflag:$0x2] =	stream.indirect_vreg.gather [hbm4b:s8+s2], $0x80, v4, vm0, $0xb8;
	[tilespmem:$0x18100] =	vst v63  }
0x40: {  	s18 =	simm.s32 $0x6100  }
0x41: {  	[tilespmem:s18], [sflag:$0x2] =	stream.indirect_vreg.gather [hbm4b:s3+s2], $0x80, v3, vm0, $0xb8;
	[tilespmem:$0x18100] =	vst v63  }
0x42: {  	s19 =	simm.s32 $0x6900  }
0x43: {  	[tilespmem:s19], [sflag:$0x2] =	stream.indirect_vreg.gather [hbm4b:s6+s2], $0x80, v3, vm0, $0xb8;
	[tilespmem:$0x18100] =	vst v63  }
0x44: {  	s4 =	simm.s32 $0x7100  }
0x45: {  	[tilespmem:s4], [sflag:$0x2] =	stream.indirect_vreg.gather [hbm4b:s7+s2], $0x80, v3, vm0, $0xb8;
	[tilespmem:$0x18100] =	vst v63  }
0x46: {  	s16 =	simm.s32 $0x7900  }
0x47: {  	[tilespmem:s16], [sflag:$0x2] =	stream.indirect_vreg.gather [hbm4b:s8+s2], $0x80, v3, vm0, $0xb8;
	[tilespmem:$0x18100] =	vst v63  }
0x48: {  	_ =	swait.ge [sflag:s0], $0x4000  }
0x49: {  	[sflag:s0] =	ssyncset.done $0x0  }
0x4a: {  	[sflag:s0] =	ssyncadd.s32 $0xFFFFC000  }
0x4b: {  	_ =	swait.ge [sflag:s15], $0x4000  }
0x4c: {  	[sflag:s15] =	ssyncset.done $0x0  }
0x4d: {  	[sflag:s15] =	ssyncadd.s32 $0xFFFFC000  }
0x4e: {  	v3 =	vld [tilespmem:$0x10];
	_ =	sdelay $0x4  }
0x4f: {  	v4 =	vshll.u32 v3, $0x3  }
0x50: {  	v3 =	vand.u32 $0x7, v3;
	v4 =	vand.u32 $0xFFFFFFC0, v4  }
0x51: {  	v3 =	vor.u32 v3, v4  }
0x52: {  	v4 =	vperm.xlane v3, v0;
	_ =	sdelay $0x1  }
0x53: {  	v4 =	vadd.s32 v1, v4;
	_ =	sdelay $0x3  }
0x54: {  	s17 =	simm.s32 $0x8100  }
0x55: {  	[tilespmem:s17], [sflag:$0x1] =	stream.indirect_vreg.gather [hbm4b:s3+s2], $0x80, v4, vm0, $0xb8;
	[tilespmem:$0x18100] =	vst v63  }
0x56: {  	s18 =	simm.s32 $0x8900;
	v3 =	vperm.xlane v3, v2  }
0x57: {  	[tilespmem:s18], [sflag:$0x1] =	stream.indirect_vreg.gather [hbm4b:s6+s2], $0x80, v4, vm0, $0xb8;
	[tilespmem:$0x18100] =	vst v63  }
0x58: {  	s19 =	simm.s32 $0x9100;
	v3 =	vadd.s32 v1, v3  }
0x59: {  	[tilespmem:s19], [sflag:$0x1] =	stream.indirect_vreg.gather [hbm4b:s7+s2], $0x80, v4, vm0, $0xb8;
	[tilespmem:$0x18100] =	vst v63  }
0x5a: {  	s4 =	simm.s32 $0x9900  }
0x5b: {  	[tilespmem:s4], [sflag:$0x1] =	stream.indirect_vreg.gather [hbm4b:s8+s2], $0x80, v4, vm0, $0xb8;
	[tilespmem:$0x18100] =	vst v63  }
0x5c: {  	s16 =	simm.s32 $0xA100  }
0x5d: {  	[tilespmem:s16], [sflag:$0x1] =	stream.indirect_vreg.gather [hbm4b:s3+s2], $0x80, v3, vm0, $0xb8;
	[tilespmem:$0x18100] =	vst v63  }
0x5e: {  	_ = 	snop  }
0x5f: {  	[tilespmem:s20], [sflag:$0x1] =	stream.indirect_vreg.gather [hbm4b:s6+s2], $0x80, v3, vm0, $0xb8;
	[tilespmem:$0x18100] =	vst v63  }
0x60: {  	_ = 	snop  }
0x61: {  	[tilespmem:s5], [sflag:$0x1] =	stream.indirect_vreg.gather [hbm4b:s7+s2], $0x80, v3, vm0, $0xb8;
	[tilespmem:$0x18100] =	vst v63  }
0x62: {  	_ = 	snop  }
0x63: {  	[tilespmem:s21], [sflag:$0x1] =	stream.indirect_vreg.gather [hbm4b:s8+s2], $0x80, v3, vm0, $0xb8;
	[tilespmem:$0x18100] =	vst v63  }
0x64: {  	v3 =	vld [tilespmem:$0x90];
	_ =	sdelay $0x4  }
0x65: {  	v4 =	vshll.u32 v3, $0x3  }
0x66: {  	v3 =	vand.u32 $0x7, v3;
	v4 =	vand.u32 $0xFFFFFFC0, v4  }
0x67: {  	v3 =	vor.u32 v3, v4  }
0x68: {  	v4 =	vperm.xlane v3, v0;
	_ =	sdelay $0x1  }
0x69: {  	v4 =	vadd.s32 v1, v4;
	_ =	sdelay $0x4  }
0x6a: {  	[tilespmem:s22], [sflag:$0x2] =	stream.indirect_vreg.gather [hbm4b:s3+s2], $0x80, v4, vm0, $0xb8;
	[tilespmem:$0x18100] =	vst v63  }
0x6b: {  	v3 =	vperm.xlane v3, v2  }
0x6c: {  	[tilespmem:s23], [sflag:$0x2] =	stream.indirect_vreg.gather [hbm4b:s6+s2], $0x80, v4, vm0, $0xb8;
	[tilespmem:$0x18100] =	vst v63  }
0x6d: {  	v3 =	vadd.s32 v1, v3  }
0x6e: {  	[tilespmem:s24], [sflag:$0x2] =	stream.indirect_vreg.gather [hbm4b:s7+s2], $0x80, v4, vm0, $0xb8;
	[tilespmem:$0x18100] =	vst v63  }
0x6f: {  	_ = 	snop  }
0x70: {  	[tilespmem:s25], [sflag:$0x2] =	stream.indirect_vreg.gather [hbm4b:s8+s2], $0x80, v4, vm0, $0xb8;
	[tilespmem:$0x18100] =	vst v63  }
0x71: {  	_ = 	snop  }
0x72: {  	[tilespmem:s26], [sflag:$0x2] =	stream.indirect_vreg.gather [hbm4b:s3+s2], $0x80, v3, vm0, $0xb8;
	[tilespmem:$0x18100] =	vst v63  }
0x73: {  	_ = 	snop  }
0x74: {  	[tilespmem:s10], [sflag:$0x2] =	stream.indirect_vreg.gather [hbm4b:s6+s2], $0x80, v3, vm0, $0xb8;
	[tilespmem:$0x18100] =	vst v63  }
0x75: {  	s17 =	sand.u32 $0x70, s2;
	s16 =	sand.u32 $0x1C00, s2  }
0x76: {  	[tilespmem:s28], [sflag:$0x2] =	stream.indirect_vreg.gather [hbm4b:s7+s2], $0x80, v3, vm0, $0xb8;
	[tilespmem:$0x18100] =	vst v63  }
0x77: {  	s1 =	sor.u32 s17, s16  }
0x78: {  	[tilespmem:s11], [sflag:$0x2] =	stream.indirect_vreg.gather [hbm4b:s8+s2], $0x80, v3, vm0, $0xb8;
	[tilespmem:$0x18100] =	vst v63  }
0x79: {  	v3 =	vld [tilespmem:s1+$0x4400]  }
0x7a: {  	v4 =	vld [tilespmem:s1+$0x4280]  }
0x7b: {  	v5 =	vld [tilespmem:s1+$0x4300]  }
0x7c: {  	v6 =	vld [tilespmem:s1+$0x400]  }
0x7d: {  	v7 =	vld [tilespmem:s1+$0x4380]  }
0x7e: {  	v8 =	vld [tilespmem:s1+$0x280]  }
0x7f: {  	v9 =	vld [tilespmem:s1+$0x380]  }
0x80: {  	v10 =	vld [tilespmem:s1+$0x200]  }
0x81: {  	v11 =	vld [tilespmem:s1+$0x4200]  }
0x82: {  	v13 =	vld [tilespmem:s1+$0x4100]  }
0x83: {  	v62 =	vld [tilespmem:s1+$0x100]  }
0x84: {  	v12 =	vld [tilespmem:s1+$0x4180]  }
0x85: {  	v14 =	vld [tilespmem:s1+$0x180];
	v3 =	vadd.f32 v3, v6  }
0x86: {  	v63 =	vld [tilespmem:s1+$0x300];
	v4 =	vadd.f32 v4, v8  }
0x87: {  	v7 =	vadd.f32 v7, v9;
	[tilespmem:s1+$0x10400] =	vst v3  }
0x88: {  	v6 =	vadd.f32 v13, v62;
	[tilespmem:s1+$0x10280] =	vst v4  }
0x89: {  	v3 =	vadd.f32 v11, v10;
	[tilespmem:s1+$0x10380] =	vst v7  }
0x8a: {  	v4 =	vadd.f32 v12, v14;
	[tilespmem:s1+$0x10100] =	vst v6  }
0x8b: {  	[tilespmem:s1+$0x10200] =	vst v3;
	v3 =	vadd.f32 v5, v63  }
0x8c: {  	s19 =	sor.u32 s2, s2;
	[tilespmem:s1+$0x10180] =	vst v4  }
0x8d: {  	s18 =	sor.u32 $0x380, s19;
	[tilespmem:s1+$0x10300] =	vst v3  }
0x8e: {  	v3 =	vld [tilespmem:s18+$0x100]  }
0x8f: {  	v4 =	vld [tilespmem:s18+$0x4100];
	_ =	sdelay $0x4  }
0x90: {  	v3 =	vadd.f32 v4, v3;
	_ =	sdelay $0x1  }
0x91: {  	[tilespmem:s18+$0x10100] =	vst v3  }
0x92: {  	s16 =	simm.s32 $0x10;
	s17 =	simm.s32 $0x0;
	v3 =	vld [tilespmem:s1+$0x6400]  }
.LBB2_2:
0x93: {  	p0 =	sne.s32 s16, $0x3F0  }
0x94: {  	v4 =	vld [tilespmem:s1+$0x2400];
	s17 =	sadd.s32 $0x80, s17;
	s18 =	smov.u32 s16;
	s16 =	sadd.s32 $0x10, s16  }
0x95: {  	v5 =	vld [tilespmem:s1+$0x2380]  }
0x96: {  	v6 =	vld [tilespmem:s1+$0x6380]  }
0x97: {  	v7 =	vld [tilespmem:s1+$0x2300]  }
0x98: {  	v8 =	vld [tilespmem:s1+$0x2280]  }
0x99: {  	v9 =	vld [tilespmem:s1+$0x6300];
	v3 =	vadd.f32 v3, v4  }
0x9a: {  	v4 =	vld [tilespmem:s1+$0x6200]  }
0x9b: {  	v10 =	vld [tilespmem:s1+$0x6280];
	[tilespmem:s1+$0x12400] =	vst v3  }
0x9c: {  	v3 =	vld [tilespmem:s1+$0x2180]  }
0x9d: {  	v11 =	vld [tilespmem:s1+$0x6100]  }
0x9e: {  	v12 =	vld [tilespmem:s1+$0x2200];
	v7 =	vadd.f32 v9, v7  }
0x9f: {  	v9 =	vld [tilespmem:s1+$0x6180]  }
0xa0: {  	v5 =	vadd.f32 v6, v5;
	v13 =	vld [tilespmem:s1+$0x2100];
	v8 =	vadd.f32 v10, v8;
	[tilespmem:s1+$0x12300] =	vst v7;
	_ =	sdelay $0x1  }
0xa1: {  	[tilespmem:s1+$0x12380] =	vst v5  }
0xa2: {  	v4 =	vadd.f32 v4, v12;
	[tilespmem:s1+$0x12280] =	vst v8  }
0xa3: {  	v3 =	vadd.f32 v9, v3  }
0xa4: {  	v5 =	vadd.f32 v11, v13;
	[tilespmem:s1+$0x12200] =	vst v4  }
0xa5: {  	[tilespmem:s1+$0x12180] =	vst v3  }
0xa6: {  	s19 =	sor.u32 $0x2380, s19;
	[tilespmem:s1+$0x12100] =	vst v5  }
0xa7: {  	v3 =	vld [tilespmem:s19+$0x100]  }
0xa8: {  	v4 =	vld [tilespmem:s19+$0x4100];
	_ =	sdelay $0x4  }
0xa9: {  	v3 =	vadd.f32 v4, v3  }
0xaa: {  	s4 =	sand.u32 $0x1C00, s17;
	s1 =	sand.u32 $0x70, s18  }
0xab: {  	s1 =	sor.u32 s1, s4;
	[tilespmem:s19+$0x10100] =	vst v3  }
0xac: {  	v3 =	vld [tilespmem:s1+$0x4400]  }
0xad: {  	v4 =	vld [tilespmem:s1+$0x4280]  }
0xae: {  	v5 =	vld [tilespmem:s1+$0x4300]  }
0xaf: {  	v6 =	vld [tilespmem:s1+$0x400]  }
0xb0: {  	v7 =	vld [tilespmem:s1+$0x4380]  }
0xb1: {  	v8 =	vld [tilespmem:s1+$0x280]  }
0xb2: {  	v9 =	vld [tilespmem:s1+$0x380]  }
0xb3: {  	v10 =	vld [tilespmem:s1+$0x200]  }
0xb4: {  	v11 =	vld [tilespmem:s1+$0x4200];
	v3 =	vadd.f32 v3, v6  }
0xb5: {  	v6 =	vld [tilespmem:s1+$0x4180]  }
0xb6: {  	v12 =	vld [tilespmem:s1+$0x4100];
	v4 =	vadd.f32 v4, v8  }
0xb7: {  	v8 =	vld [tilespmem:s1+$0x180];
	v7 =	vadd.f32 v7, v9  }
0xb8: {  	v9 =	vld [tilespmem:s1+$0x100]  }
0xb9: {  	v10 =	vadd.f32 v11, v10;
	v11 =	vld [tilespmem:s1+$0x300]  }
0xba: {  	[tilespmem:s1+$0x10400] =	vst v3  }
0xbb: {  	[tilespmem:s1+$0x10280] =	vst v4  }
0xbc: {  	v3 =	vadd.f32 v6, v8;
	[tilespmem:s1+$0x10380] =	vst v7  }
0xbd: {  	v4 =	vadd.f32 v12, v9;
	[tilespmem:s1+$0x10200] =	vst v10  }
0xbe: {  	[tilespmem:s1+$0x10180] =	vst v3;
	v3 =	vadd.f32 v5, v11  }
0xbf: {  	s19 =	sor.u32 s18, s17;
	[tilespmem:s1+$0x10100] =	vst v4  }
0xc0: {  	s4 =	sor.u32 $0x380, s19;
	[tilespmem:s1+$0x10300] =	vst v3  }
0xc1: {  	v3 =	vld [tilespmem:s4+$0x100]  }
0xc2: {  	v4 =	vld [tilespmem:s4+$0x4100];
	_ =	sdelay $0x3  }
.Ltmp0:
0xc3: {  	(pc) =	sbr.rel @p0 .LBB2_2-.Ltmp0, $3  }
0xc4: {  	v3 =	vadd.f32 v4, v3;
	_ =	sdelay $0x1  }
0xc5: {  	[tilespmem:s4+$0x10100] =	vst v3  }
0xc6: {  	v3 =	vld [tilespmem:s1+$0x6400]  }
0xc7: {  	v4 =	vld [tilespmem:s1+$0x2400]  }
0xc8: {  	v5 =	vld [tilespmem:s1+$0x2380]  }
0xc9: {  	v6 =	vld [tilespmem:s1+$0x6380]  }
0xca: {  	v7 =	vld [tilespmem:s1+$0x2300]  }
0xcb: {  	v8 =	vld [tilespmem:s1+$0x2280]  }
0xcc: {  	v9 =	vld [tilespmem:s1+$0x6300]  }
0xcd: {  	v10 =	vld [tilespmem:s1+$0x6280]  }
0xce: {  	v11 =	vld [tilespmem:s1+$0x6100]  }
0xcf: {  	v12 =	vld [tilespmem:s1+$0x2200]  }
0xd0: {  	v13 =	vld [tilespmem:s1+$0x6180]  }
0xd1: {  	v52 =	vld [tilespmem:s1+$0x2100];
	v3 =	vadd.f32 v3, v4  }
0xd2: {  	v4 =	vld [tilespmem:s1+$0x6200]  }
0xd3: {  	v7 =	vadd.f32 v9, v7;
	[tilespmem:s1+$0x12400] =	vst v3;
	v3 =	vld [tilespmem:s1+$0x2180]  }
0xd4: {  	v5 =	vadd.f32 v6, v5  }
0xd5: {  	v53 =	vadd.f32 v10, v8;
	[tilespmem:s1+$0x12300] =	vst v7  }
0xd6: {  	[tilespmem:s1+$0x12380] =	vst v5;
	v5 =	vadd.f32 v11, v52  }
0xd7: {  	[tilespmem:s1+$0x12280] =	vst v53;
	v4 =	vadd.f32 v4, v12  }
0xd8: {  	[tilespmem:s1+$0x12100] =	vst v5;
	v3 =	vadd.f32 v13, v3  }
0xd9: {  	[tilespmem:s1+$0x12200] =	vst v4  }
0xda: {  	s17 =	sor.u32 $0x2380, s19;
	[tilespmem:s1+$0x12180] =	vst v3  }
0xdb: {  	v3 =	vld [tilespmem:s17+$0x100]  }
0xdc: {  	v4 =	vld [tilespmem:s17+$0x4100];
	_ =	sdelay $0x4  }
0xdd: {  	v3 =	vadd.f32 v4, v3;
	_ =	sdelay $0x1  }
0xde: {  	s1 =	simm.s32 $0x0;
	[tilespmem:s17+$0x10100] =	vst v3  }
0xdf: {  	[hbm4b:s9+s1] =	stream.linear.scatter [tilespmem:s29], [sflag:$0x3], $0x4000, $0x38;
	[tilespmem:$0x18100] =	vst v63  }
0xe0: {  	_ =	swait.ge [sflag:s0], $0x4000  }
0xe1: {  	[sflag:s0] =	ssyncset.done $0x0  }
0xe2: {  	[sflag:s0] =	ssyncadd.s32 $0xFFFFC000  }
0xe3: {  	_ =	swait.ge [sflag:s15], $0x4000  }
0xe4: {  	[sflag:s15] =	ssyncset.done $0x0  }
0xe5: {  	[sflag:s15] =	ssyncadd.s32 $0xFFFFC000  }
0xe6: {  	v3 =	vld [tilespmem:$0x20];
	_ =	sdelay $0x4  }
0xe7: {  	v4 =	vshll.u32 v3, $0x3  }
0xe8: {  	v3 =	vand.u32 $0x7, v3;
	v4 =	vand.u32 $0xFFFFFFC0, v4  }
0xe9: {  	v3 =	vor.u32 v3, v4  }
0xea: {  	v4 =	vperm.xlane v3, v0;
	_ =	sdelay $0x1  }
0xeb: {  	v4 =	vadd.s32 v1, v4;
	_ =	sdelay $0x3  }
0xec: {  	s4 =	simm.s32 $0x100  }
0xed: {  	[tilespmem:s4], [sflag:$0x1] =	stream.indirect_vreg.gather [hbm4b:s3+s1], $0x80, v4, vm0, $0xb8;
	[tilespmem:$0x18100] =	vst v63  }
0xee: {  	s18 =	simm.s32 $0x900;
	v3 =	vperm.xlane v3, v2  }
0xef: {  	[tilespmem:s18], [sflag:$0x1] =	stream.indirect_vreg.gather [hbm4b:s6+s1], $0x80, v4, vm0, $0xb8;
	[tilespmem:$0x18100] =	vst v63  }
0xf0: {  	s19 =	simm.s32 $0x1100;
	v3 =	vadd.s32 v1, v3  }
0xf1: {  	[tilespmem:s19], [sflag:$0x1] =	stream.indirect_vreg.gather [hbm4b:s7+s1], $0x80, v4, vm0, $0xb8;
	[tilespmem:$0x18100] =	vst v63  }
0xf2: {  	s16 =	simm.s32 $0x1900  }
0xf3: {  	[tilespmem:s16], [sflag:$0x1] =	stream.indirect_vreg.gather [hbm4b:s8+s1], $0x80, v4, vm0, $0xb8;
	[tilespmem:$0x18100] =	vst v63  }
0xf4: {  	s17 =	simm.s32 $0x2100  }
0xf5: {  	[tilespmem:s17], [sflag:$0x1] =	stream.indirect_vreg.gather [hbm4b:s3+s1], $0x80, v3, vm0, $0xb8;
	[tilespmem:$0x18100] =	vst v63  }
0xf6: {  	s18 =	simm.s32 $0x2900  }
0xf7: {  	[tilespmem:s18], [sflag:$0x1] =	stream.indirect_vreg.gather [hbm4b:s6+s1], $0x80, v3, vm0, $0xb8;
	[tilespmem:$0x18100] =	vst v63  }
0xf8: {  	s19 =	simm.s32 $0x3100  }
0xf9: {  	[tilespmem:s19], [sflag:$0x1] =	stream.indirect_vreg.gather [hbm4b:s7+s1], $0x80, v3, vm0, $0xb8;
	[tilespmem:$0x18100] =	vst v63  }
0xfa: {  	s16 =	simm.s32 $0x3900  }
0xfb: {  	[tilespmem:s16], [sflag:$0x1] =	stream.indirect_vreg.gather [hbm4b:s8+s1], $0x80, v3, vm0, $0xb8;
	[tilespmem:$0x18100] =	vst v63  }
0xfc: {  	v3 =	vld [tilespmem:$0xA0];
	_ =	sdelay $0x4  }
0xfd: {  	v4 =	vshll.u32 v3, $0x3  }
0xfe: {  	v3 =	vand.u32 $0x7, v3;
	v4 =	vand.u32 $0xFFFFFFC0, v4  }
0xff: {  	v3 =	vor.u32 v3, v4  }
0x100: {  	v4 =	vperm.xlane v3, v0;
	_ =	sdelay $0x1  }
0x101: {  	v4 =	vadd.s32 v1, v4;
	_ =	sdelay $0x3  }
0x102: {  	s17 =	simm.s32 $0x4100  }
0x103: {  	[tilespmem:s17], [sflag:$0x2] =	stream.indirect_vreg.gather [hbm4b:s3+s1], $0x80, v4, vm0, $0xb8;
	[tilespmem:$0x18100] =	vst v63  }
0x104: {  	s18 =	simm.s32 $0x4900;
	v3 =	vperm.xlane v3, v2  }
0x105: {  	[tilespmem:s18], [sflag:$0x2] =	stream.indirect_vreg.gather [hbm4b:s6+s1], $0x80, v4, vm0, $0xb8;
	[tilespmem:$0x18100] =	vst v63  }
0x106: {  	s19 =	simm.s32 $0x5100;
	v3 =	vadd.s32 v1, v3  }
0x107: {  	[tilespmem:s19], [sflag:$0x2] =	stream.indirect_vreg.gather [hbm4b:s7+s1], $0x80, v4, vm0, $0xb8;
	[tilespmem:$0x18100] =	vst v63  }
0x108: {  	s16 =	simm.s32 $0x5900  }
0x109: {  	[tilespmem:s16], [sflag:$0x2] =	stream.indirect_vreg.gather [hbm4b:s8+s1], $0x80, v4, vm0, $0xb8;
	[tilespmem:$0x18100] =	vst v63  }
0x10a: {  	s17 =	simm.s32 $0x6100  }
0x10b: {  	[tilespmem:s17], [sflag:$0x2] =	stream.indirect_vreg.gather [hbm4b:s3+s1], $0x80, v3, vm0, $0xb8;
	[tilespmem:$0x18100] =	vst v63  }
0x10c: {  	s18 =	simm.s32 $0x6900  }
0x10d: {  	[tilespmem:s18], [sflag:$0x2] =	stream.indirect_vreg.gather [hbm4b:s6+s1], $0x80, v3, vm0, $0xb8;
	[tilespmem:$0x18100] =	vst v63  }
0x10e: {  	s19 =	simm.s32 $0x7100  }
0x10f: {  	[tilespmem:s19], [sflag:$0x2] =	stream.indirect_vreg.gather [hbm4b:s7+s1], $0x80, v3, vm0, $0xb8;
	[tilespmem:$0x18100] =	vst v63  }
0x110: {  	s16 =	simm.s32 $0x7900  }
0x111: {  	[tilespmem:s16], [sflag:$0x2] =	stream.indirect_vreg.gather [hbm4b:s8+s1], $0x80, v3, vm0, $0xb8;
	[tilespmem:$0x18100] =	vst v63  }
0x112: {  	s17 =	sand.u32 $0x70, s1;
	s16 =	sand.u32 $0x1C00, s1  }
0x113: {  	s16 =	sor.u32 s17, s16  }
0x114: {  	v3 =	vld [tilespmem:s16+$0xC400]  }
0x115: {  	v4 =	vld [tilespmem:s16+$0xC280]  }
0x116: {  	v5 =	vld [tilespmem:s16+$0xC300]  }
0x117: {  	v54 =	vld [tilespmem:s16+$0x8400]  }
0x118: {  	v55 =	vld [tilespmem:s16+$0xC380]  }
0x119: {  	v56 =	vld [tilespmem:s16+$0x8280]  }
0x11a: {  	v57 =	vld [tilespmem:s16+$0x8380]  }
0x11b: {  	v58 =	vld [tilespmem:s16+$0x8200]  }
0x11c: {  	v59 =	vld [tilespmem:s16+$0xC200]  }
0x11d: {  	v61 =	vld [tilespmem:s16+$0xC100]  }
0x11e: {  	v62 =	vld [tilespmem:s16+$0x8100]  }
0x11f: {  	v60 =	vld [tilespmem:s16+$0xC180]  }
0x120: {  	v14 =	vld [tilespmem:s16+$0x8180];
	v3 =	vadd.f32 v3, v54  }
0x121: {  	v63 =	vld [tilespmem:s16+$0x8300];
	v4 =	vadd.f32 v4, v56  }
0x122: {  	v7 =	vadd.f32 v55, v57;
	[tilespmem:s16+$0x14400] =	vst v3  }
0x123: {  	v6 =	vadd.f32 v61, v62;
	[tilespmem:s16+$0x14280] =	vst v4  }
0x124: {  	v3 =	vadd.f32 v59, v58;
	[tilespmem:s16+$0x14380] =	vst v7  }
0x125: {  	v4 =	vadd.f32 v60, v14;
	[tilespmem:s16+$0x14100] =	vst v6  }
0x126: {  	[tilespmem:s16+$0x14200] =	vst v3;
	v3 =	vadd.f32 v5, v63  }
0x127: {  	s19 =	sor.u32 s1, s1;
	[tilespmem:s16+$0x14180] =	vst v4  }
0x128: {  	s18 =	sor.u32 $0x380, s19;
	[tilespmem:s16+$0x14300] =	vst v3  }
0x129: {  	v3 =	vld [tilespmem:s18+$0x8100]  }
0x12a: {  	v4 =	vld [tilespmem:s18+$0xC100];
	_ =	sdelay $0x4  }
0x12b: {  	v3 =	vadd.f32 v4, v3;
	_ =	sdelay $0x1  }
0x12c: {  	[tilespmem:s18+$0x14100] =	vst v3  }
0x12d: {  	s17 =	simm.s32 $0x10;
	v3 =	vld [tilespmem:s16+$0xE400]  }
.LBB2_4:
0x12e: {  	p0 =	sne.s32 s17, $0x3F0  }
0x12f: {  	v4 =	vld [tilespmem:s16+$0xA400];
	s1 =	sadd.s32 $0x80, s1;
	s18 =	smov.u32 s17;
	s17 =	sadd.s32 $0x10, s17  }
0x130: {  	v5 =	vld [tilespmem:s16+$0xA380]  }
0x131: {  	v6 =	vld [tilespmem:s16+$0xE380]  }
0x132: {  	v7 =	vld [tilespmem:s16+$0xA300]  }
0x133: {  	v8 =	vld [tilespmem:s16+$0xA280]  }
0x134: {  	v9 =	vld [tilespmem:s16+$0xE300];
	v3 =	vadd.f32 v3, v4  }
0x135: {  	v4 =	vld [tilespmem:s16+$0xE200]  }
0x136: {  	v10 =	vld [tilespmem:s16+$0xE280];
	[tilespmem:s16+$0x16400] =	vst v3  }
0x137: {  	v3 =	vld [tilespmem:s16+$0xA180]  }
0x138: {  	v11 =	vld [tilespmem:s16+$0xE100]  }
0x139: {  	v12 =	vld [tilespmem:s16+$0xA200];
	v7 =	vadd.f32 v9, v7  }
0x13a: {  	v9 =	vld [tilespmem:s16+$0xE180]  }
0x13b: {  	v5 =	vadd.f32 v6, v5;
	v13 =	vld [tilespmem:s16+$0xA100];
	v8 =	vadd.f32 v10, v8;
	[tilespmem:s16+$0x16300] =	vst v7;
	_ =	sdelay $0x1  }
0x13c: {  	[tilespmem:s16+$0x16380] =	vst v5  }
0x13d: {  	v4 =	vadd.f32 v4, v12;
	[tilespmem:s16+$0x16280] =	vst v8  }
0x13e: {  	v3 =	vadd.f32 v9, v3  }
0x13f: {  	v5 =	vadd.f32 v11, v13;
	[tilespmem:s16+$0x16200] =	vst v4  }
0x140: {  	[tilespmem:s16+$0x16180] =	vst v3  }
0x141: {  	s4 =	sor.u32 $0x2380, s19;
	[tilespmem:s16+$0x16100] =	vst v5  }
0x142: {  	v3 =	vld [tilespmem:s4+$0x8100]  }
0x143: {  	v4 =	vld [tilespmem:s4+$0xC100];
	_ =	sdelay $0x4  }
0x144: {  	v3 =	vadd.f32 v4, v3  }
0x145: {  	s19 =	sand.u32 $0x1C00, s1;
	s16 =	sand.u32 $0x70, s18  }
0x146: {  	s16 =	sor.u32 s16, s19;
	[tilespmem:s4+$0x14100] =	vst v3  }
0x147: {  	v3 =	vld [tilespmem:s16+$0xC400]  }
0x148: {  	v4 =	vld [tilespmem:s16+$0xC280]  }
0x149: {  	v5 =	vld [tilespmem:s16+$0xC300]  }
0x14a: {  	v6 =	vld [tilespmem:s16+$0x8400]  }
0x14b: {  	v7 =	vld [tilespmem:s16+$0xC380]  }
0x14c: {  	v8 =	vld [tilespmem:s16+$0x8280]  }
0x14d: {  	v9 =	vld [tilespmem:s16+$0x8380]  }
0x14e: {  	v10 =	vld [tilespmem:s16+$0x8200]  }
0x14f: {  	v11 =	vld [tilespmem:s16+$0xC200];
	v3 =	vadd.f32 v3, v6  }
0x150: {  	v6 =	vld [tilespmem:s16+$0xC180]  }
0x151: {  	v12 =	vld [tilespmem:s16+$0xC100];
	v4 =	vadd.f32 v4, v8  }
0x152: {  	v8 =	vld [tilespmem:s16+$0x8180];
	v7 =	vadd.f32 v7, v9  }
0x153: {  	v9 =	vld [tilespmem:s16+$0x8100]  }
0x154: {  	v10 =	vadd.f32 v11, v10;
	v11 =	vld [tilespmem:s16+$0x8300]  }
0x155: {  	[tilespmem:s16+$0x14400] =	vst v3  }
0x156: {  	[tilespmem:s16+$0x14280] =	vst v4  }
0x157: {  	v3 =	vadd.f32 v6, v8;
	[tilespmem:s16+$0x14380] =	vst v7  }
0x158: {  	v4 =	vadd.f32 v12, v9;
	[tilespmem:s16+$0x14200] =	vst v10  }
0x159: {  	[tilespmem:s16+$0x14180] =	vst v3;
	v3 =	vadd.f32 v5, v11  }
0x15a: {  	s19 =	sor.u32 s18, s1;
	[tilespmem:s16+$0x14100] =	vst v4  }
0x15b: {  	s4 =	sor.u32 $0x380, s19;
	[tilespmem:s16+$0x14300] =	vst v3  }
0x15c: {  	v3 =	vld [tilespmem:s4+$0x8100]  }
0x15d: {  	v4 =	vld [tilespmem:s4+$0xC100];
	_ =	sdelay $0x3  }
.Ltmp1:
0x15e: {  	(pc) =	sbr.rel @p0 .LBB2_4-.Ltmp1, $3  }
0x15f: {  	v3 =	vadd.f32 v4, v3;
	_ =	sdelay $0x1  }
0x160: {  	[tilespmem:s4+$0x14100] =	vst v3  }
0x161: {  	v3 =	vld [tilespmem:s16+$0xE400]  }
0x162: {  	v4 =	vld [tilespmem:s16+$0xA400]  }
0x163: {  	v5 =	vld [tilespmem:s16+$0xA380]  }
0x164: {  	v6 =	vld [tilespmem:s16+$0xE380]  }
0x165: {  	v7 =	vld [tilespmem:s16+$0xA300]  }
0x166: {  	v8 =	vld [tilespmem:s16+$0xA280]  }
0x167: {  	v9 =	vld [tilespmem:s16+$0xE300]  }
0x168: {  	v10 =	vld [tilespmem:s16+$0xE280]  }
0x169: {  	v11 =	vld [tilespmem:s16+$0xE100]  }
0x16a: {  	v12 =	vld [tilespmem:s16+$0xA200]  }
0x16b: {  	v13 =	vld [tilespmem:s16+$0xE180]  }
0x16c: {  	v52 =	vld [tilespmem:s16+$0xA100];
	v3 =	vadd.f32 v3, v4  }
0x16d: {  	v4 =	vld [tilespmem:s16+$0xE200]  }
0x16e: {  	v7 =	vadd.f32 v9, v7;
	[tilespmem:s16+$0x16400] =	vst v3;
	v3 =	vld [tilespmem:s16+$0xA180]  }
0x16f: {  	v5 =	vadd.f32 v6, v5  }
0x170: {  	v53 =	vadd.f32 v10, v8;
	[tilespmem:s16+$0x16300] =	vst v7  }
0x171: {  	[tilespmem:s16+$0x16380] =	vst v5;
	v5 =	vadd.f32 v11, v52  }
0x172: {  	[tilespmem:s16+$0x16280] =	vst v53;
	v4 =	vadd.f32 v4, v12  }
0x173: {  	[tilespmem:s16+$0x16100] =	vst v5;
	v3 =	vadd.f32 v13, v3  }
0x174: {  	[tilespmem:s16+$0x16200] =	vst v4  }
0x175: {  	s1 =	sor.u32 $0x2380, s19;
	[tilespmem:s16+$0x16180] =	vst v3  }
0x176: {  	v3 =	vld [tilespmem:s1+$0x8100]  }
0x177: {  	v4 =	vld [tilespmem:s1+$0xC100];
	_ =	sdelay $0x4  }
0x178: {  	v3 =	vadd.f32 v4, v3;
	_ =	sdelay $0x1  }
0x179: {  	s4 =	rddreg [dreg:$0x5];
	[tilespmem:s1+$0x14100] =	vst v3;
	s1 =	simm.s32 $0x0  }
0x17a: {  	[hbm4b:s4+s1] =	stream.linear.scatter [tilespmem:s12], [sflag:$0x4], $0x4000, $0x38;
	[tilespmem:$0x18100] =	vst v63  }
0x17b: {  	_ =	swait.ge [sflag:s0], $0x4000  }
0x17c: {  	[sflag:s0] =	ssyncset.done $0x0  }
0x17d: {  	[sflag:s0] =	ssyncadd.s32 $0xFFFFC000  }
0x17e: {  	_ =	swait.ge [sflag:s15], $0x4000  }
0x17f: {  	[sflag:s15] =	ssyncset.done $0x0  }
0x180: {  	[sflag:s15] =	ssyncadd.s32 $0xFFFFC000  }
0x181: {  	v3 =	vld [tilespmem:$0x30];
	_ =	sdelay $0x4  }
0x182: {  	v4 =	vshll.u32 v3, $0x3  }
0x183: {  	v3 =	vand.u32 $0x7, v3;
	v4 =	vand.u32 $0xFFFFFFC0, v4  }
0x184: {  	v3 =	vor.u32 v3, v4  }
0x185: {  	v4 =	vperm.xlane v3, v0;
	_ =	sdelay $0x1  }
0x186: {  	v4 =	vadd.s32 v1, v4;
	_ =	sdelay $0x3  }
0x187: {  	s19 =	simm.s32 $0x8100  }
0x188: {  	[tilespmem:s19], [sflag:$0x1] =	stream.indirect_vreg.gather [hbm4b:s3+s1], $0x80, v4, vm0, $0xb8;
	[tilespmem:$0x18100] =	vst v63  }
0x189: {  	s16 =	simm.s32 $0x8900;
	v3 =	vperm.xlane v3, v2  }
0x18a: {  	[tilespmem:s16], [sflag:$0x1] =	stream.indirect_vreg.gather [hbm4b:s6+s1], $0x80, v4, vm0, $0xb8;
	[tilespmem:$0x18100] =	vst v63  }
0x18b: {  	s17 =	simm.s32 $0x9100;
	v3 =	vadd.s32 v1, v3  }
0x18c: {  	[tilespmem:s17], [sflag:$0x1] =	stream.indirect_vreg.gather [hbm4b:s7+s1], $0x80, v4, vm0, $0xb8;
	[tilespmem:$0x18100] =	vst v63  }
0x18d: {  	s18 =	simm.s32 $0x9900  }
0x18e: {  	[tilespmem:s18], [sflag:$0x1] =	stream.indirect_vreg.gather [hbm4b:s8+s1], $0x80, v4, vm0, $0xb8;
	[tilespmem:$0x18100] =	vst v63  }
0x18f: {  	s19 =	simm.s32 $0xA100  }
0x190: {  	[tilespmem:s19], [sflag:$0x1] =	stream.indirect_vreg.gather [hbm4b:s3+s1], $0x80, v3, vm0, $0xb8;
	[tilespmem:$0x18100] =	vst v63  }
0x191: {  	_ = 	snop  }
0x192: {  	[tilespmem:s20], [sflag:$0x1] =	stream.indirect_vreg.gather [hbm4b:s6+s1], $0x80, v3, vm0, $0xb8;
	[tilespmem:$0x18100] =	vst v63  }
0x193: {  	_ = 	snop  }
0x194: {  	[tilespmem:s5], [sflag:$0x1] =	stream.indirect_vreg.gather [hbm4b:s7+s1], $0x80, v3, vm0, $0xb8;
	[tilespmem:$0x18100] =	vst v63  }
0x195: {  	_ = 	snop  }
0x196: {  	[tilespmem:s21], [sflag:$0x1] =	stream.indirect_vreg.gather [hbm4b:s8+s1], $0x80, v3, vm0, $0xb8;
	[tilespmem:$0x18100] =	vst v63  }
0x197: {  	v3 =	vld [tilespmem:$0xB0];
	_ =	sdelay $0x4  }
0x198: {  	v4 =	vshll.u32 v3, $0x3  }
0x199: {  	v3 =	vand.u32 $0x7, v3;
	v4 =	vand.u32 $0xFFFFFFC0, v4  }
0x19a: {  	v3 =	vor.u32 v3, v4  }
0x19b: {  	v4 =	vperm.xlane v3, v0;
	_ =	sdelay $0x1  }
0x19c: {  	v4 =	vadd.s32 v1, v4;
	_ =	sdelay $0x4  }
0x19d: {  	[tilespmem:s22], [sflag:$0x2] =	stream.indirect_vreg.gather [hbm4b:s3+s1], $0x80, v4, vm0, $0xb8;
	[tilespmem:$0x18100] =	vst v63  }
0x19e: {  	v3 =	vperm.xlane v3, v2  }
0x19f: {  	[tilespmem:s23], [sflag:$0x2] =	stream.indirect_vreg.gather [hbm4b:s6+s1], $0x80, v4, vm0, $0xb8;
	[tilespmem:$0x18100] =	vst v63  }
0x1a0: {  	v3 =	vadd.s32 v1, v3  }
0x1a1: {  	[tilespmem:s24], [sflag:$0x2] =	stream.indirect_vreg.gather [hbm4b:s7+s1], $0x80, v4, vm0, $0xb8;
	[tilespmem:$0x18100] =	vst v63  }
0x1a2: {  	_ = 	snop  }
0x1a3: {  	[tilespmem:s25], [sflag:$0x2] =	stream.indirect_vreg.gather [hbm4b:s8+s1], $0x80, v4, vm0, $0xb8;
	[tilespmem:$0x18100] =	vst v63  }
0x1a4: {  	_ = 	snop  }
0x1a5: {  	[tilespmem:s26], [sflag:$0x2] =	stream.indirect_vreg.gather [hbm4b:s3+s1], $0x80, v3, vm0, $0xb8;
	[tilespmem:$0x18100] =	vst v63  }
0x1a6: {  	_ = 	snop  }
0x1a7: {  	[tilespmem:s10], [sflag:$0x2] =	stream.indirect_vreg.gather [hbm4b:s6+s1], $0x80, v3, vm0, $0xb8;
	[tilespmem:$0x18100] =	vst v63  }
0x1a8: {  	_ = 	snop  }
0x1a9: {  	[tilespmem:s28], [sflag:$0x2] =	stream.indirect_vreg.gather [hbm4b:s7+s1], $0x80, v3, vm0, $0xb8;
	[tilespmem:$0x18100] =	vst v63  }
0x1aa: {  	_ = 	snop  }
0x1ab: {  	[tilespmem:s11], [sflag:$0x2] =	stream.indirect_vreg.gather [hbm4b:s8+s1], $0x80, v3, vm0, $0xb8;
	[tilespmem:$0x18100] =	vst v63  }
0x1ac: {  	_ =	swait.ge [sflag:s30], $0x4000  }
0x1ad: {  	s16 =	sand.u32 $0x70, s1;
	s17 =	sand.u32 $0x1C00, s1;
	[sflag:s30] =	ssyncset.done $0x0  }
0x1ae: {  	s16 =	sor.u32 s16, s17;
	[sflag:s30] =	ssyncadd.s32 $0xFFFFC000  }
0x1af: {  	v3 =	vld [tilespmem:s16+$0x4400]  }
0x1b0: {  	v4 =	vld [tilespmem:s16+$0x4280]  }
0x1b1: {  	v5 =	vld [tilespmem:s16+$0x4300]  }
0x1b2: {  	v54 =	vld [tilespmem:s16+$0x400]  }
0x1b3: {  	v55 =	vld [tilespmem:s16+$0x4380]  }
0x1b4: {  	v56 =	vld [tilespmem:s16+$0x280]  }
0x1b5: {  	v57 =	vld [tilespmem:s16+$0x380]  }
0x1b6: {  	v58 =	vld [tilespmem:s16+$0x200]  }
0x1b7: {  	v59 =	vld [tilespmem:s16+$0x4200]  }
0x1b8: {  	v61 =	vld [tilespmem:s16+$0x4100]  }
0x1b9: {  	v62 =	vld [tilespmem:s16+$0x100]  }
0x1ba: {  	v60 =	vld [tilespmem:s16+$0x4180]  }
0x1bb: {  	v14 =	vld [tilespmem:s16+$0x180];
	v3 =	vadd.f32 v3, v54  }
0x1bc: {  	v63 =	vld [tilespmem:s16+$0x300];
	v4 =	vadd.f32 v4, v56  }
0x1bd: {  	v7 =	vadd.f32 v55, v57;
	[tilespmem:s16+$0x10400] =	vst v3  }
0x1be: {  	v6 =	vadd.f32 v61, v62;
	[tilespmem:s16+$0x10280] =	vst v4  }
0x1bf: {  	v3 =	vadd.f32 v59, v58;
	[tilespmem:s16+$0x10380] =	vst v7  }
0x1c0: {  	v4 =	vadd.f32 v60, v14;
	[tilespmem:s16+$0x10100] =	vst v6  }
0x1c1: {  	[tilespmem:s16+$0x10200] =	vst v3;
	v3 =	vadd.f32 v5, v63  }
0x1c2: {  	s19 =	sor.u32 s1, s1;
	[tilespmem:s16+$0x10180] =	vst v4  }
0x1c3: {  	s18 =	sor.u32 $0x380, s19;
	[tilespmem:s16+$0x10300] =	vst v3  }
0x1c4: {  	v3 =	vld [tilespmem:s18+$0x100]  }
0x1c5: {  	v4 =	vld [tilespmem:s18+$0x4100];
	_ =	sdelay $0x4  }
0x1c6: {  	v3 =	vadd.f32 v4, v3;
	_ =	sdelay $0x1  }
0x1c7: {  	[tilespmem:s18+$0x10100] =	vst v3  }
0x1c8: {  	s17 =	simm.s32 $0x10;
	v3 =	vld [tilespmem:s16+$0x6400]  }
.LBB2_6:
0x1c9: {  	p0 =	sne.s32 s17, $0x3F0  }
0x1ca: {  	v4 =	vld [tilespmem:s16+$0x2400];
	s1 =	sadd.s32 $0x80, s1;
	s18 =	smov.u32 s17;
	s17 =	sadd.s32 $0x10, s17  }
0x1cb: {  	v5 =	vld [tilespmem:s16+$0x2380]  }
0x1cc: {  	v6 =	vld [tilespmem:s16+$0x6380]  }
0x1cd: {  	v7 =	vld [tilespmem:s16+$0x2300]  }
0x1ce: {  	v8 =	vld [tilespmem:s16+$0x2280]  }
0x1cf: {  	v9 =	vld [tilespmem:s16+$0x6300];
	v3 =	vadd.f32 v3, v4  }
0x1d0: {  	v4 =	vld [tilespmem:s16+$0x6200]  }
0x1d1: {  	v10 =	vld [tilespmem:s16+$0x6280];
	[tilespmem:s16+$0x12400] =	vst v3  }
0x1d2: {  	v3 =	vld [tilespmem:s16+$0x2180]  }
0x1d3: {  	v11 =	vld [tilespmem:s16+$0x6100]  }
0x1d4: {  	v12 =	vld [tilespmem:s16+$0x2200];
	v7 =	vadd.f32 v9, v7  }
0x1d5: {  	v9 =	vld [tilespmem:s16+$0x6180]  }
0x1d6: {  	v5 =	vadd.f32 v6, v5;
	v13 =	vld [tilespmem:s16+$0x2100];
	v8 =	vadd.f32 v10, v8;
	[tilespmem:s16+$0x12300] =	vst v7;
	_ =	sdelay $0x1  }
0x1d7: {  	[tilespmem:s16+$0x12380] =	vst v5  }
0x1d8: {  	v4 =	vadd.f32 v4, v12;
	[tilespmem:s16+$0x12280] =	vst v8  }
0x1d9: {  	v3 =	vadd.f32 v9, v3  }
0x1da: {  	v5 =	vadd.f32 v11, v13;
	[tilespmem:s16+$0x12200] =	vst v4  }
0x1db: {  	[tilespmem:s16+$0x12180] =	vst v3  }
0x1dc: {  	s4 =	sor.u32 $0x2380, s19;
	[tilespmem:s16+$0x12100] =	vst v5  }
0x1dd: {  	v3 =	vld [tilespmem:s4+$0x100]  }
0x1de: {  	v4 =	vld [tilespmem:s4+$0x4100];
	_ =	sdelay $0x4  }
0x1df: {  	v3 =	vadd.f32 v4, v3  }
0x1e0: {  	s19 =	sand.u32 $0x1C00, s1;
	s16 =	sand.u32 $0x70, s18  }
0x1e1: {  	s16 =	sor.u32 s16, s19;
	[tilespmem:s4+$0x10100] =	vst v3  }
0x1e2: {  	v3 =	vld [tilespmem:s16+$0x4400]  }
0x1e3: {  	v4 =	vld [tilespmem:s16+$0x4280]  }
0x1e4: {  	v5 =	vld [tilespmem:s16+$0x4300]  }
0x1e5: {  	v6 =	vld [tilespmem:s16+$0x400]  }
0x1e6: {  	v7 =	vld [tilespmem:s16+$0x4380]  }
0x1e7: {  	v8 =	vld [tilespmem:s16+$0x280]  }
0x1e8: {  	v9 =	vld [tilespmem:s16+$0x380]  }
0x1e9: {  	v10 =	vld [tilespmem:s16+$0x200]  }
0x1ea: {  	v11 =	vld [tilespmem:s16+$0x4200];
	v3 =	vadd.f32 v3, v6  }
0x1eb: {  	v6 =	vld [tilespmem:s16+$0x4180]  }
0x1ec: {  	v12 =	vld [tilespmem:s16+$0x4100];
	v4 =	vadd.f32 v4, v8  }
0x1ed: {  	v8 =	vld [tilespmem:s16+$0x180];
	v7 =	vadd.f32 v7, v9  }
0x1ee: {  	v9 =	vld [tilespmem:s16+$0x100]  }
0x1ef: {  	v10 =	vadd.f32 v11, v10;
	v11 =	vld [tilespmem:s16+$0x300]  }
0x1f0: {  	[tilespmem:s16+$0x10400] =	vst v3  }
0x1f1: {  	[tilespmem:s16+$0x10280] =	vst v4  }
0x1f2: {  	v3 =	vadd.f32 v6, v8;
	[tilespmem:s16+$0x10380] =	vst v7  }
0x1f3: {  	v4 =	vadd.f32 v12, v9;
	[tilespmem:s16+$0x10200] =	vst v10  }
0x1f4: {  	[tilespmem:s16+$0x10180] =	vst v3;
	v3 =	vadd.f32 v5, v11  }
0x1f5: {  	s19 =	sor.u32 s18, s1;
	[tilespmem:s16+$0x10100] =	vst v4  }
0x1f6: {  	s4 =	sor.u32 $0x380, s19;
	[tilespmem:s16+$0x10300] =	vst v3  }
0x1f7: {  	v3 =	vld [tilespmem:s4+$0x100]  }
0x1f8: {  	v4 =	vld [tilespmem:s4+$0x4100];
	_ =	sdelay $0x3  }
.Ltmp2:
0x1f9: {  	(pc) =	sbr.rel @p0 .LBB2_6-.Ltmp2, $3  }
0x1fa: {  	v3 =	vadd.f32 v4, v3;
	_ =	sdelay $0x1  }
0x1fb: {  	[tilespmem:s4+$0x10100] =	vst v3  }
0x1fc: {  	v3 =	vld [tilespmem:s16+$0x6400]  }
0x1fd: {  	v4 =	vld [tilespmem:s16+$0x2400]  }
0x1fe: {  	v5 =	vld [tilespmem:s16+$0x2380]  }
0x1ff: {  	v6 =	vld [tilespmem:s16+$0x6380]  }
0x200: {  	v7 =	vld [tilespmem:s16+$0x2300]  }
0x201: {  	v8 =	vld [tilespmem:s16+$0x2280]  }
0x202: {  	v9 =	vld [tilespmem:s16+$0x6300]  }
0x203: {  	v10 =	vld [tilespmem:s16+$0x6280]  }
0x204: {  	v11 =	vld [tilespmem:s16+$0x6100]  }
0x205: {  	v12 =	vld [tilespmem:s16+$0x2200]  }
0x206: {  	v13 =	vld [tilespmem:s16+$0x6180]  }
0x207: {  	v52 =	vld [tilespmem:s16+$0x2100];
	v3 =	vadd.f32 v3, v4  }
0x208: {  	v4 =	vld [tilespmem:s16+$0x6200]  }
0x209: {  	v7 =	vadd.f32 v9, v7;
	[tilespmem:s16+$0x12400] =	vst v3;
	v3 =	vld [tilespmem:s16+$0x2180]  }
0x20a: {  	v5 =	vadd.f32 v6, v5  }
0x20b: {  	v53 =	vadd.f32 v10, v8;
	[tilespmem:s16+$0x12300] =	vst v7  }
0x20c: {  	[tilespmem:s16+$0x12380] =	vst v5;
	v5 =	vadd.f32 v11, v52  }
0x20d: {  	[tilespmem:s16+$0x12280] =	vst v53;
	v4 =	vadd.f32 v4, v12  }
0x20e: {  	[tilespmem:s16+$0x12100] =	vst v5;
	v3 =	vadd.f32 v13, v3  }
0x20f: {  	[tilespmem:s16+$0x12200] =	vst v4  }
0x210: {  	s1 =	sor.u32 $0x2380, s19;
	[tilespmem:s16+$0x12180] =	vst v3  }
0x211: {  	v3 =	vld [tilespmem:s1+$0x100]  }
0x212: {  	v4 =	vld [tilespmem:s1+$0x4100];
	_ =	sdelay $0x4  }
0x213: {  	v3 =	vadd.f32 v4, v3;
	_ =	sdelay $0x1  }
0x214: {  	s4 =	rddreg [dreg:$0x6];
	[tilespmem:s1+$0x10100] =	vst v3;
	s1 =	simm.s32 $0x0  }
0x215: {  	[hbm4b:s4+s1] =	stream.linear.scatter [tilespmem:s29], [sflag:$0x3], $0x4000, $0x38;
	[tilespmem:$0x18100] =	vst v63  }
0x216: {  	_ =	swait.ge [sflag:s0], $0x4000  }
0x217: {  	[sflag:s0] =	ssyncset.done $0x0  }
0x218: {  	[sflag:s0] =	ssyncadd.s32 $0xFFFFC000  }
0x219: {  	_ =	swait.ge [sflag:s15], $0x4000  }
0x21a: {  	[sflag:s15] =	ssyncset.done $0x0  }
0x21b: {  	[sflag:s15] =	ssyncadd.s32 $0xFFFFC000  }
0x21c: {  	_ =	swait.ge [sflag:s13], $0x4000  }
0x21d: {  	s16 =	sand.u32 $0x70, s1;
	s17 =	sand.u32 $0x1C00, s1;
	[sflag:s13] =	ssyncset.done $0x0  }
0x21e: {  	s16 =	sor.u32 s16, s17;
	[sflag:s13] =	ssyncadd.s32 $0xFFFFC000  }
0x21f: {  	v3 =	vld [tilespmem:s16+$0xC400]  }
0x220: {  	v4 =	vld [tilespmem:s16+$0xC280]  }
0x221: {  	v5 =	vld [tilespmem:s16+$0xC300]  }
0x222: {  	v54 =	vld [tilespmem:s16+$0x8400]  }
0x223: {  	v55 =	vld [tilespmem:s16+$0xC380]  }
0x224: {  	v56 =	vld [tilespmem:s16+$0x8280]  }
0x225: {  	v57 =	vld [tilespmem:s16+$0x8380]  }
0x226: {  	v58 =	vld [tilespmem:s16+$0x8200]  }
0x227: {  	v59 =	vld [tilespmem:s16+$0xC200]  }
0x228: {  	v61 =	vld [tilespmem:s16+$0xC100]  }
0x229: {  	v62 =	vld [tilespmem:s16+$0x8100]  }
0x22a: {  	v60 =	vld [tilespmem:s16+$0xC180]  }
0x22b: {  	v14 =	vld [tilespmem:s16+$0x8180];
	v3 =	vadd.f32 v3, v54  }
0x22c: {  	v63 =	vld [tilespmem:s16+$0x8300];
	v4 =	vadd.f32 v4, v56  }
0x22d: {  	v7 =	vadd.f32 v55, v57;
	[tilespmem:s16+$0x14400] =	vst v3  }
0x22e: {  	v6 =	vadd.f32 v61, v62;
	[tilespmem:s16+$0x14280] =	vst v4  }
0x22f: {  	v3 =	vadd.f32 v59, v58;
	[tilespmem:s16+$0x14380] =	vst v7  }
0x230: {  	v4 =	vadd.f32 v60, v14;
	[tilespmem:s16+$0x14100] =	vst v6  }
0x231: {  	[tilespmem:s16+$0x14200] =	vst v3;
	v3 =	vadd.f32 v5, v63  }
0x232: {  	s19 =	sor.u32 s1, s1;
	[tilespmem:s16+$0x14180] =	vst v4  }
0x233: {  	s18 =	sor.u32 $0x380, s19;
	[tilespmem:s16+$0x14300] =	vst v3  }
0x234: {  	v3 =	vld [tilespmem:s18+$0x8100]  }
0x235: {  	v4 =	vld [tilespmem:s18+$0xC100];
	_ =	sdelay $0x4  }
0x236: {  	v3 =	vadd.f32 v4, v3;
	_ =	sdelay $0x1  }
0x237: {  	[tilespmem:s18+$0x14100] =	vst v3  }
0x238: {  	s17 =	simm.s32 $0x10;
	v3 =	vld [tilespmem:s16+$0xE400]  }
.LBB2_8:
0x239: {  	p0 =	sne.s32 s17, $0x3F0  }
0x23a: {  	v4 =	vld [tilespmem:s16+$0xA400];
	s1 =	sadd.s32 $0x80, s1;
	s18 =	smov.u32 s17;
	s17 =	sadd.s32 $0x10, s17  }
0x23b: {  	v5 =	vld [tilespmem:s16+$0xA380]  }
0x23c: {  	v6 =	vld [tilespmem:s16+$0xE380]  }
0x23d: {  	v7 =	vld [tilespmem:s16+$0xA300]  }
0x23e: {  	v8 =	vld [tilespmem:s16+$0xA280]  }
0x23f: {  	v9 =	vld [tilespmem:s16+$0xE300];
	v3 =	vadd.f32 v3, v4  }
0x240: {  	v4 =	vld [tilespmem:s16+$0xE200]  }
0x241: {  	v10 =	vld [tilespmem:s16+$0xE280];
	[tilespmem:s16+$0x16400] =	vst v3  }
0x242: {  	v3 =	vld [tilespmem:s16+$0xA180]  }
0x243: {  	v11 =	vld [tilespmem:s16+$0xE100]  }
0x244: {  	v12 =	vld [tilespmem:s16+$0xA200];
	v7 =	vadd.f32 v9, v7  }
0x245: {  	v9 =	vld [tilespmem:s16+$0xE180]  }
0x246: {  	v5 =	vadd.f32 v6, v5;
	v13 =	vld [tilespmem:s16+$0xA100];
	v8 =	vadd.f32 v10, v8;
	[tilespmem:s16+$0x16300] =	vst v7;
	_ =	sdelay $0x1  }
0x247: {  	[tilespmem:s16+$0x16380] =	vst v5  }
0x248: {  	v4 =	vadd.f32 v4, v12;
	[tilespmem:s16+$0x16280] =	vst v8  }
0x249: {  	v3 =	vadd.f32 v9, v3  }
0x24a: {  	v5 =	vadd.f32 v11, v13;
	[tilespmem:s16+$0x16200] =	vst v4  }
0x24b: {  	[tilespmem:s16+$0x16180] =	vst v3  }
0x24c: {  	s4 =	sor.u32 $0x2380, s19;
	[tilespmem:s16+$0x16100] =	vst v5  }
0x24d: {  	v3 =	vld [tilespmem:s4+$0x8100]  }
0x24e: {  	v4 =	vld [tilespmem:s4+$0xC100];
	_ =	sdelay $0x4  }
0x24f: {  	v3 =	vadd.f32 v4, v3  }
0x250: {  	s19 =	sand.u32 $0x1C00, s1;
	s16 =	sand.u32 $0x70, s18  }
0x251: {  	s16 =	sor.u32 s16, s19;
	[tilespmem:s4+$0x14100] =	vst v3  }
0x252: {  	v3 =	vld [tilespmem:s16+$0xC400]  }
0x253: {  	v4 =	vld [tilespmem:s16+$0xC280]  }
0x254: {  	v5 =	vld [tilespmem:s16+$0xC300]  }
0x255: {  	v6 =	vld [tilespmem:s16+$0x8400]  }
0x256: {  	v7 =	vld [tilespmem:s16+$0xC380]  }
0x257: {  	v8 =	vld [tilespmem:s16+$0x8280]  }
0x258: {  	v9 =	vld [tilespmem:s16+$0x8380]  }
0x259: {  	v10 =	vld [tilespmem:s16+$0x8200]  }
0x25a: {  	v11 =	vld [tilespmem:s16+$0xC200];
	v3 =	vadd.f32 v3, v6  }
0x25b: {  	v6 =	vld [tilespmem:s16+$0xC180]  }
0x25c: {  	v12 =	vld [tilespmem:s16+$0xC100];
	v4 =	vadd.f32 v4, v8  }
0x25d: {  	v8 =	vld [tilespmem:s16+$0x8180];
	v7 =	vadd.f32 v7, v9  }
0x25e: {  	v9 =	vld [tilespmem:s16+$0x8100]  }
0x25f: {  	v10 =	vadd.f32 v11, v10;
	v11 =	vld [tilespmem:s16+$0x8300]  }
0x260: {  	[tilespmem:s16+$0x14400] =	vst v3  }
0x261: {  	[tilespmem:s16+$0x14280] =	vst v4  }
0x262: {  	v3 =	vadd.f32 v6, v8;
	[tilespmem:s16+$0x14380] =	vst v7  }
0x263: {  	v4 =	vadd.f32 v12, v9;
	[tilespmem:s16+$0x14200] =	vst v10  }
0x264: {  	[tilespmem:s16+$0x14180] =	vst v3;
	v3 =	vadd.f32 v5, v11  }
0x265: {  	s19 =	sor.u32 s18, s1;
	[tilespmem:s16+$0x14100] =	vst v4  }
0x266: {  	s4 =	sor.u32 $0x380, s19;
	[tilespmem:s16+$0x14300] =	vst v3  }
0x267: {  	v3 =	vld [tilespmem:s4+$0x8100]  }
0x268: {  	v4 =	vld [tilespmem:s4+$0xC100];
	_ =	sdelay $0x3  }
.Ltmp3:
0x269: {  	(pc) =	sbr.rel @p0 .LBB2_8-.Ltmp3, $3  }
0x26a: {  	v3 =	vadd.f32 v4, v3;
	_ =	sdelay $0x1  }
0x26b: {  	[tilespmem:s4+$0x14100] =	vst v3  }
0x26c: {  	v3 =	vld [tilespmem:s16+$0xE400]  }
0x26d: {  	v4 =	vld [tilespmem:s16+$0xA400]  }
0x26e: {  	v5 =	vld [tilespmem:s16+$0xA380]  }
0x26f: {  	v6 =	vld [tilespmem:s16+$0xE380]  }
0x270: {  	v7 =	vld [tilespmem:s16+$0xA300]  }
0x271: {  	v8 =	vld [tilespmem:s16+$0xA280]  }
0x272: {  	v9 =	vld [tilespmem:s16+$0xE300]  }
0x273: {  	v60 =	vld [tilespmem:s16+$0xE200]  }
0x274: {  	v10 =	vld [tilespmem:s16+$0xE280]  }
0x275: {  	v11 =	vld [tilespmem:s16+$0xE100]  }
0x276: {  	v12 =	vld [tilespmem:s16+$0xA200]  }
0x277: {  	v13 =	vld [tilespmem:s16+$0xE180];
	v3 =	vadd.f32 v3, v4  }
0x278: {  	v61 =	vld [tilespmem:s16+$0xA100]  }
0x279: {  	v7 =	vadd.f32 v9, v7;
	[tilespmem:s16+$0x16400] =	vst v3;
	v3 =	vld [tilespmem:s16+$0xA180]  }
0x27a: {  	v5 =	vadd.f32 v6, v5  }
0x27b: {  	v62 =	vadd.f32 v10, v8;
	[tilespmem:s16+$0x16300] =	vst v7  }
0x27c: {  	v4 =	vadd.f32 v60, v12;
	[tilespmem:s16+$0x16380] =	vst v5  }
0x27d: {  	v63 =	vadd.f32 v11, v61;
	[tilespmem:s16+$0x16280] =	vst v62  }
0x27e: {  	[tilespmem:s16+$0x16200] =	vst v4;
	v3 =	vadd.f32 v13, v3  }
0x27f: {  	[tilespmem:s16+$0x16100] =	vst v63  }
0x280: {  	s1 =	sor.u32 $0x2380, s19;
	[tilespmem:s16+$0x16180] =	vst v3  }
0x281: {  	v3 =	vld [tilespmem:s1+$0x8100]  }
0x282: {  	v4 =	vld [tilespmem:s1+$0xC100];
	_ =	sdelay $0x4  }
0x283: {  	v3 =	vadd.f32 v4, v3;
	_ =	sdelay $0x1  }
0x284: {  	s18 =	rddreg [dreg:$0x7];
	[tilespmem:s1+$0x14100] =	vst v3  }
0x285: {  	[hbm4b:s18+s2] =	stream.linear.scatter [tilespmem:s12], [sflag:$0x4], $0x4000, $0x38;
	[tilespmem:$0x18100] =	vst v63  }
0x286: {  	_ =	swait.ge [sflag:s30], $0x4000  }
0x287: {  	[sflag:s30] =	ssyncset.done $0x0  }
0x288: {  	[sflag:s30] =	ssyncadd.s32 $0xFFFFC000  }
0x289: {  	_ =	swait.ge [sflag:s13], $0x4000  }
0x28a: {  	s31 =	sadd.s32 $0x1, s31;
	s19 =	rddreg [dreg:$0x8]  }
0x28b: {  	p0 =	sne.s32 s31, s19  }
.Ltmp4:
0x28c: {  	_ = 	snop;
	(pc) =	sbr.rel @p0 .LBB2_1-.Ltmp4, $3  }
0x28d: {  	_ =	sdelay $0x1  }
0x28e: {  	[sflag:s13] =	ssyncset.done $0x0  }
0x28f: {  	[sflag:s13] =	ssyncadd.s32 $0xFFFFC000  }
0x290: {  	_ =	sfence.sel $0x180000  }
0x291: {  	[bflag:$0x0] =	sbarrier.arrive $0xFFFF  }
0x292: {  	_ =	strace $0x9000004A  }
0x293: {  	s0 =	stileid.u32;
	[bflag:$0x2] =	sbarrier.arrive $0xFFFF  }
0x294: {  	p0 =	sne.s32 s0, $0x0;
	s0 =	rddreg [dreg:$0x2]  }
0x295: {  	s0 =	sadd.s32 @!p0 $0x100000, s0  }
0x296: {  	[sflag:s0] =	ssyncadd.tile.s32 @!p0 $0x1;
	_ =	shalt  }
.Lfunc_end2:
_tile_overlayer_lowered:
.L_overlay_start_2:
0x297: {  	(tag) =	ssettag $0x2  }
0x298: {  	s0 =	rddreg [dreg:$0x0];
	s2 =	stileid.u32  }
0x299: {  	s1 =	rddreg [dreg:$0x1];
	p0 =	sne.s32 s2, $0x0  }
0x29a: {  	s3 =	rddreg [dreg:$0x2];
	[bflag:$0x3] =	sbarrier.arrive $0xFFFF;
	s2 =	simm.s32 @!p0 $0x1C05  }
0x29b: {  	[timem:s3], [sflag:s2] =	dma.local @!p0 [hbm:s0], s1  }
0x29c: {  	s0 =	simm.s32 @!p0 $0x5  }
0x29d: {  	_ =	swait.ge @!p0 [sflag:s0], s1  }
0x29e: {  	s1 =	ssub.s32 @!p0 $0x0, s1;
	[sflag:s0] =	ssyncset.done @!p0 $0x0  }
0x29f: {  	[sflag:s0] =	ssyncadd.s32 @!p0 s1  }
0x2a0: {  	[bflag:$0x3] =	sbarrier.arrive $0xFFFF  }
0x2a1: {  	_ =	shalt  }

</sc_bundles>
